<compile_context>
chip_gen: v7x
topology: tpu7x:2x2x1
jax: 0.10.2.dev20260603
libtpu: 0.0.44.dev20260713+nightly
codegen_flags: <defaults>
</compile_context>

<pallas_src>
import functools

import jax
import jax.numpy as jnp
from jax import lax
from jax.experimental import pallas as pl
from jax.experimental.pallas import tpu as pltpu
from jax.experimental.pallas import tpu_sc as plsc

VOCAB = 1000000
DIM = 64
BATCH = 16384
NEG = 20
K1 = NEG + 1
LANES = 16
NC = 2
NS = 16
NW = NC * NS
B_PER_W = BATCH // NW
CB = 16
NCHUNK = B_PER_W // CB
KROWS = CB * K1
KSPLIT = 3
KG = KROWS // KSPLIT
CBK = K1 * LANES
NGROUPS = BATCH // CB
ROWW = 2 * DIM
VROWS = VOCAB // 2
TBW = 4096
TBH = TBW // 2
TGRID = (VOCAB + TBW - 1) // TBW
VROWS2 = TGRID * TBH


def _tc_transpose_body(x_ref, y_ref):
    x = x_ref[...]
    y_ref[...] = jnp.concatenate(
        [x[:, :TBH].T, x[:, TBH:].T], axis=1)


_tc_transpose = pl.pallas_call(
    _tc_transpose_body,
    grid=(TGRID,),
    in_specs=[pl.BlockSpec((DIM, TBW), lambda j: (0, j))],
    out_specs=pl.BlockSpec((TBH, ROWW), lambda j: (j, 0)),
    out_shape=jax.ShapeDtypeStruct((VROWS2, ROWW), jnp.float32),
)


def _sc_body(cv_hbm, kv_hbm, ch_hbm, kh_hbm, in_emb_hbm, out_emb_hbm,
             scores_hbm, cidx_v, kidx_v, chh_v, khh_v, crow_v, krow_v,
             scores_v, sem):
    wid = lax.axis_index("s") * NC + lax.axis_index("c")
    lane_iota = lax.iota(jnp.int32, LANES)

    def chunk_body(c, carry):
        base = wid * B_PER_W + c * CB
        pltpu.sync_copy(cv_hbm.at[pl.ds(base, CB)], cidx_v)
        pltpu.sync_copy(kv_hbm.at[pl.ds(base * K1, KROWS)], kidx_v)
        pltpu.sync_copy(ch_hbm.at[pl.ds(base, CB)], chh_v.at[pl.ds(0, CB)])
        pltpu.sync_copy(kh_hbm.at[pl.ds(base * K1, KROWS)],
                        khh_v.at[pl.ds(0, KROWS)])
        handles = [pltpu.async_copy(in_emb_hbm.at[cidx_v], crow_v, sem)]
        for j in range(KSPLIT):
            handles.append(pltpu.async_copy(
                out_emb_hbm.at[kidx_v.at[pl.ds(j * KG, KG)]],
                krow_v.at[pl.ds(j * KG, KG)], sem))
        for h in handles:
            h.wait()

        def item_body(i, vecs):
            hc = chh_v[pl.ds(i, LANES)][0] * DIM
            cs = [crow_v[i, pl.ds(hc + q * LANES, LANES)]
                  for q in range(DIM // LANES)]
            out = []
            for k in range(K1):
                r = i * K1 + k
                hw = khh_v[pl.ds(r, LANES)][0] * DIM
                acc = cs[0] * krow_v[r, pl.ds(hw, LANES)]
                for q in range(1, DIM // LANES):
                    acc = acc + cs[q] * krow_v[r, pl.ds(hw + q * LANES, LANES)]
                s = jnp.sum(acc)
                out.append(jnp.where(lane_iota == i, s, vecs[k]))
            return tuple(out)

        vecs = lax.fori_loop(
            0, CB, item_body,
            tuple(jnp.zeros((LANES,), jnp.float32) for _ in range(K1)))
        for k in range(K1):
            scores_v[pl.ds(k * LANES, LANES)] = vecs[k]
        pltpu.sync_copy(scores_v, scores_hbm.at[wid * NCHUNK + c])
        return carry

    lax.fori_loop(0, NCHUNK, chunk_body, 0)


_sc_scores = functools.partial(
    pl.kernel,
    out_type=jax.ShapeDtypeStruct((NGROUPS, CBK), jnp.float32),
    mesh=plsc.VectorSubcoreMesh(core_axis_name="c", subcore_axis_name="s"),
    compiler_params=pltpu.CompilerParams(
        needs_layout_passes=False, use_tc_tiling_on_sc=True),
    scratch_types=[
        pltpu.VMEM((CB,), jnp.int32),
        pltpu.VMEM((KROWS,), jnp.int32),
        pltpu.VMEM((CB + LANES,), jnp.int32),
        pltpu.VMEM((KROWS + LANES,), jnp.int32),
        pltpu.VMEM((CB, ROWW), jnp.float32),
        pltpu.VMEM((KROWS, ROWW), jnp.float32),
        pltpu.VMEM((CBK,), jnp.float32),
        pltpu.SemaphoreType.DMA,
    ],
)(_sc_body)


def _tc_loss_body(scores_ref, out_ref):
    x = scores_ref[...]
    r = lax.broadcasted_iota(jnp.int32, x.shape, 0)
    c = lax.broadcasted_iota(jnp.int32, x.shape, 1)
    k = (r * (x.shape[1] // LANES) + c // LANES) % K1
    z = jnp.where(k == 0, x, -x)
    loss = -jnp.log(jax.nn.sigmoid(z) + 1e-10)
    out_ref[0, 0] = jnp.sum(loss) * (1.0 / BATCH)


def kernel(center_words, context_words, negative_samples, in_emb, out_emb):
    center = center_words.astype(jnp.int32)
    combo = jnp.concatenate(
        [context_words[:, None], negative_samples], axis=1
    ).reshape(-1).astype(jnp.int32)
    in2 = _tc_transpose(in_emb.T)
    out2 = _tc_transpose(out_emb.T)

    def row_of(w):
        return (w // TBW) * TBH + (w % TBH)

    def half_of(w):
        return (w // TBH) % 2

    scores = _sc_scores(row_of(center), row_of(combo),
                        half_of(center), half_of(combo), in2, out2)
    flat = scores.reshape(NGROUPS * CBK // 128, 128)
    loss = pl.pallas_call(
        _tc_loss_body,
        out_shape=jax.ShapeDtypeStruct((1, 1), jnp.float32),
        out_specs=pl.BlockSpec(memory_space=pltpu.SMEM),
    )(flat)
    return loss[0, 0]

# --- scband reference (transcript-rebuilt; emitter-appended) ---
"""Pipeline reference for scband-skip-gram-model-26817775796639 (READ-ONLY COPY).

The authoritative reference and input builder live on the scoring server;
editing this copy changes nothing except your own understanding.
"""

import jax, jax.numpy as jnp
import numpy as np

VOCAB = 1000000
DIM = 64
BATCH = 16384
NEG = 20

def setup_inputs(seed: int = 0) -> dict:
    key = jax.random.key(seed)
    k1, k2, k3, k4, k5 = jax.random.split(key, 5)
    center_words = jax.random.randint(k1, (BATCH,), 0, VOCAB, dtype=jnp.int64 if jax.config.jax_enable_x64 else jnp.int32)
    context_words = jax.random.randint(k2, (BATCH,), 0, VOCAB, dtype=jnp.int64 if jax.config.jax_enable_x64 else jnp.int32)
    negative_samples = jax.random.randint(k3, (BATCH, NEG), 0, VOCAB, dtype=jnp.int64 if jax.config.jax_enable_x64 else jnp.int32)
    scale = 0.5 / DIM
    in_emb = jax.random.uniform(k4, (VOCAB, DIM), dtype=jnp.float32, minval=-scale, maxval=scale)
    out_emb = jax.random.uniform(k5, (VOCAB, DIM), dtype=jnp.float32, minval=-scale, maxval=scale)
    return {"center_words": center_words, "context_words": context_words, "negative_samples": negative_samples, "in_emb": in_emb, "out_emb": out_emb}

def reference(center_words, context_words, negative_samples, in_emb, out_emb):
    eps = 1e-10
    center_embeds = jnp.take(in_emb, center_words, axis=0)          # (B, D)
    context_embeds = jnp.take(out_emb, context_words, axis=0)       # (B, D)
    neg_embeds = jnp.take(out_emb, negative_samples, axis=0)        # (B, K, D)
    pos_score = jnp.sum(center_embeds * context_embeds, axis=1)     # (B,)
    pos_loss = -jnp.log(jax.nn.sigmoid(pos_score) + eps)            # (B,)
    neg_score = jnp.einsum('bkd,bd->bk', neg_embeds, center_embeds) # (B, K)
    neg_loss = -jnp.sum(jnp.log(jax.nn.sigmoid(-neg_score) + eps), axis=1)  # (B,)
    loss = jnp.mean(pos_loss + neg_loss)
    return loss

if __name__ == "__main__":
    import jax
    _d = setup_inputs()
    print(jax.jit(kernel)(*tuple(_d.values())))

</pallas_src>

<mosaic_0001>
#map = affine_map<(d0, d1) -> (0)>
#map1 = affine_map<(d0, d1) -> (0, 0)>
module attributes {stable_mosaic.version = 14 : i64} {
  func.func @_sc_body(%arg0: i32, %arg1: i32, %arg2: memref<16384xi32, #tpu.memory_space<hbm>>, %arg3: memref<344064xi32, #tpu.memory_space<hbm>>, %arg4: memref<16384xi32, #tpu.memory_space<hbm>>, %arg5: memref<344064xi32, #tpu.memory_space<hbm>>, %arg6: memref<501760x128xf32, #tpu.memory_space<hbm>>, %arg7: memref<501760x128xf32, #tpu.memory_space<hbm>>, %arg8: memref<1024x336xf32, #tpu.memory_space<hbm>>, %arg9: memref<16xi32, #tpu.memory_space<vmem>>, %arg10: memref<336xi32, #tpu.memory_space<vmem>>, %arg11: memref<32xi32, #tpu.memory_space<vmem>>, %arg12: memref<352xi32, #tpu.memory_space<vmem>>, %arg13: memref<16x128xf32, #tpu.memory_space<vmem>>, %arg14: memref<336x128xf32, #tpu.memory_space<vmem>>, %arg15: memref<336xf32, #tpu.memory_space<vmem>>, %arg16: memref<!tpu.dma_semaphore, #tpu.memory_space<semaphore_mem>>) attributes {dimension_semantics = [#tpu.dimension_semantics<core_parallel>, #tpu.dimension_semantics<subcore_parallel>], iteration_bounds = array<i64: 2, 16>, scalar_prefetch = 0 : i64, scratch_operands = 8 : i64, tpu.core_type = #tpu.core_type<sc_vector_subcore>, window_params = [{transform_indices = #map}, {transform_indices = #map}, {transform_indices = #map}, {transform_indices = #map}, {transform_indices = #map1}, {transform_indices = #map1}, {transform_indices = #map1}]} {
    %mul3A = arith.constant 2 : i32
    %mul3A_0 = arith.muli %arg1, %mul3A : i32
    %add3A = arith.addi %mul3A_0, %arg0 : i32
    %iota3A = tpu.iota {dimensions = array<i32: 0>} : vector<16xi32>
    %scan3A = arith.constant 0 : i32
    %scan3A_1 = arith.constant 0 : i32
    %scan3A_2 = arith.constant 32 : i32
    %scan3A_3 = arith.addi %scan3A_1, %scan3A_2 : i32
    %scan3A_4 = arith.constant 1 : i32
    scf.for %scan3A_6 = %scan3A_1 to %scan3A_3 step %scan3A_4  : i32 {
      %mul3A_7 = arith.constant 512 : i32
      %mul3A_8 = arith.muli %add3A, %mul3A_7 : i32
      %mul3A_9 = arith.constant 16 : i32
      %mul3A_10 = arith.muli %scan3A_6, %mul3A_9 : i32
      %add3A_11 = arith.addi %mul3A_8, %mul3A_10 : i32
      "tpu.region"() ({
        %run_scoped3A = tpu.sem_alloc : memref<!tpu.dma_semaphore, #tpu.memory_space<semaphore_mem>>
        %dma_start3A_159 = tpu.memref_slice %arg2[%add3A_11] : memref<16384xi32, #tpu.memory_space<hbm>> -> memref<16xi32, #tpu.memory_space<hbm>>
        %dma_start3A_160 = tpu.memref_slice %arg2[%add3A_11] : memref<16384xi32, #tpu.memory_space<hbm>> -> memref<16xi32, #tpu.memory_space<hbm>>
        tpu.enqueue_dma source(%dma_start3A_160 : memref<16xi32, #tpu.memory_space<hbm>>) target(%arg9 : memref<16xi32, #tpu.memory_space<vmem>>) target_semaphore(%run_scoped3A : memref<!tpu.dma_semaphore, #tpu.memory_space<semaphore_mem>>)
        %dma_wait3A_161 = tpu.memref_slice %arg2[%add3A_11] : memref<16384xi32, #tpu.memory_space<hbm>> -> memref<16xi32, #tpu.memory_space<hbm>>
        %dma_wait3A_162 = tpu.memref_slice %arg2[%add3A_11] : memref<16384xi32, #tpu.memory_space<hbm>> -> memref<16xi32, #tpu.memory_space<hbm>>
        tpu.wait_dma2 semaphore(%run_scoped3A : memref<!tpu.dma_semaphore, #tpu.memory_space<semaphore_mem>>) src(%dma_wait3A_162 : memref<16xi32, #tpu.memory_space<hbm>>) dst(%arg9 : memref<16xi32, #tpu.memory_space<vmem>>)
        tpu.yield
      }) : () -> ()
      %mul3A_12 = arith.constant 21 : i32
      %mul3A_13 = arith.muli %add3A_11, %mul3A_12 : i32
      "tpu.region"() ({
        %run_scoped3A = tpu.sem_alloc : memref<!tpu.dma_semaphore, #tpu.memory_space<semaphore_mem>>
        %dma_start3A_159 = tpu.memref_slice %arg3[%mul3A_13] : memref<344064xi32, #tpu.memory_space<hbm>> -> memref<336xi32, #tpu.memory_space<hbm>>
        %dma_start3A_160 = tpu.memref_slice %arg3[%mul3A_13] : memref<344064xi32, #tpu.memory_space<hbm>> -> memref<336xi32, #tpu.memory_space<hbm>>
        tpu.enqueue_dma source(%dma_start3A_160 : memref<336xi32, #tpu.memory_space<hbm>>) target(%arg10 : memref<336xi32, #tpu.memory_space<vmem>>) target_semaphore(%run_scoped3A : memref<!tpu.dma_semaphore, #tpu.memory_space<semaphore_mem>>)
        %dma_wait3A_161 = tpu.memref_slice %arg3[%mul3A_13] : memref<344064xi32, #tpu.memory_space<hbm>> -> memref<336xi32, #tpu.memory_space<hbm>>
        %dma_wait3A_162 = tpu.memref_slice %arg3[%mul3A_13] : memref<344064xi32, #tpu.memory_space<hbm>> -> memref<336xi32, #tpu.memory_space<hbm>>
        tpu.wait_dma2 semaphore(%run_scoped3A : memref<!tpu.dma_semaphore, #tpu.memory_space<semaphore_mem>>) src(%dma_wait3A_162 : memref<336xi32, #tpu.memory_space<hbm>>) dst(%arg10 : memref<336xi32, #tpu.memory_space<vmem>>)
        tpu.yield
      }) : () -> ()
      "tpu.region"() ({
        %run_scoped3A = tpu.sem_alloc : memref<!tpu.dma_semaphore, #tpu.memory_space<semaphore_mem>>
        %dma_start3A_159 = arith.constant 0 : i32
        %dma_start3A_160 = tpu.memref_slice %arg11[%dma_start3A_159] : memref<32xi32, #tpu.memory_space<vmem>> -> memref<16xi32, #tpu.memory_space<vmem>>
        %dma_start3A_161 = tpu.memref_slice %arg4[%add3A_11] : memref<16384xi32, #tpu.memory_space<hbm>> -> memref<16xi32, #tpu.memory_space<hbm>>
        %dma_start3A_162 = arith.constant 0 : i32
        %dma_start3A_163 = tpu.memref_slice %arg11[%dma_start3A_162] : memref<32xi32, #tpu.memory_space<vmem>> -> memref<16xi32, #tpu.memory_space<vmem>>
        %dma_start3A_164 = tpu.memref_slice %arg4[%add3A_11] : memref<16384xi32, #tpu.memory_space<hbm>> -> memref<16xi32, #tpu.memory_space<hbm>>
        tpu.enqueue_dma source(%dma_start3A_164 : memref<16xi32, #tpu.memory_space<hbm>>) target(%dma_start3A_163 : memref<16xi32, #tpu.memory_space<vmem>>) target_semaphore(%run_scoped3A : memref<!tpu.dma_semaphore, #tpu.memory_space<semaphore_mem>>)
        %dma_wait3A_165 = arith.constant 0 : i32
        %dma_wait3A_166 = tpu.memref_slice %arg11[%dma_wait3A_165] : memref<32xi32, #tpu.memory_space<vmem>> -> memref<16xi32, #tpu.memory_space<vmem>>
        %dma_wait3A_167 = tpu.memref_slice %arg4[%add3A_11] : memref<16384xi32, #tpu.memory_space<hbm>> -> memref<16xi32, #tpu.memory_space<hbm>>
        %dma_wait3A_168 = arith.constant 0 : i32
        %dma_wait3A_169 = tpu.memref_slice %arg11[%dma_wait3A_168] : memref<32xi32, #tpu.memory_space<vmem>> -> memref<16xi32, #tpu.memory_space<vmem>>
        %dma_wait3A_170 = tpu.memref_slice %arg4[%add3A_11] : memref<16384xi32, #tpu.memory_space<hbm>> -> memref<16xi32, #tpu.memory_space<hbm>>
        tpu.wait_dma2 semaphore(%run_scoped3A : memref<!tpu.dma_semaphore, #tpu.memory_space<semaphore_mem>>) src(%dma_wait3A_170 : memref<16xi32, #tpu.memory_space<hbm>>) dst(%dma_wait3A_169 : memref<16xi32, #tpu.memory_space<vmem>>)
        tpu.yield
      }) : () -> ()
      %mul3A_14 = arith.constant 21 : i32
      %mul3A_15 = arith.muli %add3A_11, %mul3A_14 : i32
      "tpu.region"() ({
        %run_scoped3A = tpu.sem_alloc : memref<!tpu.dma_semaphore, #tpu.memory_space<semaphore_mem>>
        %dma_start3A_159 = arith.constant 0 : i32
        %dma_start3A_160 = tpu.memref_slice %arg12[%dma_start3A_159] : memref<352xi32, #tpu.memory_space<vmem>> -> memref<336xi32, #tpu.memory_space<vmem>>
        %dma_start3A_161 = tpu.memref_slice %arg5[%mul3A_15] : memref<344064xi32, #tpu.memory_space<hbm>> -> memref<336xi32, #tpu.memory_space<hbm>>
        %dma_start3A_162 = arith.constant 0 : i32
        %dma_start3A_163 = tpu.memref_slice %arg12[%dma_start3A_162] : memref<352xi32, #tpu.memory_space<vmem>> -> memref<336xi32, #tpu.memory_space<vmem>>
        %dma_start3A_164 = tpu.memref_slice %arg5[%mul3A_15] : memref<344064xi32, #tpu.memory_space<hbm>> -> memref<336xi32, #tpu.memory_space<hbm>>
        tpu.enqueue_dma source(%dma_start3A_164 : memref<336xi32, #tpu.memory_space<hbm>>) target(%dma_start3A_163 : memref<336xi32, #tpu.memory_space<vmem>>) target_semaphore(%run_scoped3A : memref<!tpu.dma_semaphore, #tpu.memory_space<semaphore_mem>>)
        %dma_wait3A_165 = arith.constant 0 : i32
        %dma_wait3A_166 = tpu.memref_slice %arg12[%dma_wait3A_165] : memref<352xi32, #tpu.memory_space<vmem>> -> memref<336xi32, #tpu.memory_space<vmem>>
        %dma_wait3A_167 = tpu.memref_slice %arg5[%mul3A_15] : memref<344064xi32, #tpu.memory_space<hbm>> -> memref<336xi32, #tpu.memory_space<hbm>>
        %dma_wait3A_168 = arith.constant 0 : i32
        %dma_wait3A_169 = tpu.memref_slice %arg12[%dma_wait3A_168] : memref<352xi32, #tpu.memory_space<vmem>> -> memref<336xi32, #tpu.memory_space<vmem>>
        %dma_wait3A_170 = tpu.memref_slice %arg5[%mul3A_15] : memref<344064xi32, #tpu.memory_space<hbm>> -> memref<336xi32, #tpu.memory_space<hbm>>
        tpu.wait_dma2 semaphore(%run_scoped3A : memref<!tpu.dma_semaphore, #tpu.memory_space<semaphore_mem>>) src(%dma_wait3A_170 : memref<336xi32, #tpu.memory_space<hbm>>) dst(%dma_wait3A_169 : memref<336xi32, #tpu.memory_space<vmem>>)
        tpu.yield
      }) : () -> ()
      %dma_start3A = arith.constant 0 : i32
      %dma_start3A_16 = arith.constant 0 : i32
      %dma_start3A_17 = tpu.memref_slice %arg6[%dma_start3A, %dma_start3A_16] : memref<501760x128xf32, #tpu.memory_space<hbm>> -> memref<501760x128xf32, #tpu.memory_space<hbm>>
      tpu.enqueue_indirect_dma source(%dma_start3A_17 : memref<501760x128xf32, #tpu.memory_space<hbm>>) target(%arg13 : memref<16x128xf32, #tpu.memory_space<vmem>>) offsets(%arg9 : memref<16xi32, #tpu.memory_space<vmem>>) semaphore(%arg16 : memref<!tpu.dma_semaphore, #tpu.memory_space<semaphore_mem>>)
      %dma_start3A_18 = arith.constant 0 : i32
      %dma_start3A_19 = arith.constant 0 : i32
      %dma_start3A_20 = tpu.memref_slice %arg14[%dma_start3A_18, %dma_start3A_19] : memref<336x128xf32, #tpu.memory_space<vmem>> -> memref<112x128xf32, #tpu.memory_space<vmem>>
      %dma_start3A_21 = arith.constant 0 : i32
      %dma_start3A_22 = tpu.memref_slice %arg10[%dma_start3A_21] : memref<336xi32, #tpu.memory_space<vmem>> -> memref<112xi32, #tpu.memory_space<vmem>>
      %dma_start3A_23 = arith.constant 0 : i32
      %dma_start3A_24 = arith.constant 0 : i32
      %dma_start3A_25 = tpu.memref_slice %arg7[%dma_start3A_23, %dma_start3A_24] : memref<501760x128xf32, #tpu.memory_space<hbm>> -> memref<501760x128xf32, #tpu.memory_space<hbm>>
      tpu.enqueue_indirect_dma source(%dma_start3A_25 : memref<501760x128xf32, #tpu.memory_space<hbm>>) target(%dma_start3A_20 : memref<112x128xf32, #tpu.memory_space<vmem>>) offsets(%dma_start3A_22 : memref<112xi32, #tpu.memory_space<vmem>>) semaphore(%arg16 : memref<!tpu.dma_semaphore, #tpu.memory_space<semaphore_mem>>)
      %dma_start3A_26 = arith.constant 112 : i32
      %dma_start3A_27 = arith.constant 0 : i32
      %dma_start3A_28 = tpu.memref_slice %arg14[%dma_start3A_26, %dma_start3A_27] : memref<336x128xf32, #tpu.memory_space<vmem>> -> memref<112x128xf32, #tpu.memory_space<vmem>>
      %dma_start3A_29 = arith.constant 112 : i32
      %dma_start3A_30 = tpu.memref_slice %arg10[%dma_start3A_29] : memref<336xi32, #tpu.memory_space<vmem>> -> memref<112xi32, #tpu.memory_space<vmem>>
      %dma_start3A_31 = arith.constant 0 : i32
      %dma_start3A_32 = arith.constant 0 : i32
      %dma_start3A_33 = tpu.memref_slice %arg7[%dma_start3A_31, %dma_start3A_32] : memref<501760x128xf32, #tpu.memory_space<hbm>> -> memref<501760x128xf32, #tpu.memory_space<hbm>>
      tpu.enqueue_indirect_dma source(%dma_start3A_33 : memref<501760x128xf32, #tpu.memory_space<hbm>>) target(%dma_start3A_28 : memref<112x128xf32, #tpu.memory_space<vmem>>) offsets(%dma_start3A_30 : memref<112xi32, #tpu.memory_space<vmem>>) semaphore(%arg16 : memref<!tpu.dma_semaphore, #tpu.memory_space<semaphore_mem>>)
      %dma_start3A_34 = arith.constant 224 : i32
      %dma_start3A_35 = arith.constant 0 : i32
      %dma_start3A_36 = tpu.memref_slice %arg14[%dma_start3A_34, %dma_start3A_35] : memref<336x128xf32, #tpu.memory_space<vmem>> -> memref<112x128xf32, #tpu.memory_space<vmem>>
      %dma_start3A_37 = arith.constant 224 : i32
      %dma_start3A_38 = tpu.memref_slice %arg10[%dma_start3A_37] : memref<336xi32, #tpu.memory_space<vmem>> -> memref<112xi32, #tpu.memory_space<vmem>>
      %dma_start3A_39 = arith.constant 0 : i32
      %dma_start3A_40 = arith.constant 0 : i32
      %dma_start3A_41 = tpu.memref_slice %arg7[%dma_start3A_39, %dma_start3A_40] : memref<501760x128xf32, #tpu.memory_space<hbm>> -> memref<501760x128xf32, #tpu.memory_space<hbm>>
      tpu.enqueue_indirect_dma source(%dma_start3A_41 : memref<501760x128xf32, #tpu.memory_space<hbm>>) target(%dma_start3A_36 : memref<112x128xf32, #tpu.memory_space<vmem>>) offsets(%dma_start3A_38 : memref<112xi32, #tpu.memory_space<vmem>>) semaphore(%arg16 : memref<!tpu.dma_semaphore, #tpu.memory_space<semaphore_mem>>)
      %dma_wait3A = arith.constant 0 : i32
      %dma_wait3A_42 = arith.constant 0 : i32
      %dma_wait3A_43 = tpu.memref_slice %arg6[%dma_wait3A, %dma_wait3A_42] : memref<501760x128xf32, #tpu.memory_space<hbm>> -> memref<501760x128xf32, #tpu.memory_space<hbm>>
      tpu.wait_indirect_dma semaphore(%arg16 : memref<!tpu.dma_semaphore, #tpu.memory_space<semaphore_mem>>) src(%dma_wait3A_43 : memref<501760x128xf32, #tpu.memory_space<hbm>>) dst(%arg13 : memref<16x128xf32, #tpu.memory_space<vmem>>)
      %dma_wait3A_44 = arith.constant 0 : i32
      %dma_wait3A_45 = arith.constant 0 : i32
      %dma_wait3A_46 = tpu.memref_slice %arg14[%dma_wait3A_44, %dma_wait3A_45] : memref<336x128xf32, #tpu.memory_space<vmem>> -> memref<112x128xf32, #tpu.memory_space<vmem>>
      %dma_wait3A_47 = arith.constant 0 : i32
      %dma_wait3A_48 = tpu.memref_slice %arg10[%dma_wait3A_47] : memref<336xi32, #tpu.memory_space<vmem>> -> memref<112xi32, #tpu.memory_space<vmem>>
      %dma_wait3A_49 = arith.constant 0 : i32
      %dma_wait3A_50 = arith.constant 0 : i32
      %dma_wait3A_51 = tpu.memref_slice %arg7[%dma_wait3A_49, %dma_wait3A_50] : memref<501760x128xf32, #tpu.memory_space<hbm>> -> memref<501760x128xf32, #tpu.memory_space<hbm>>
      tpu.wait_indirect_dma semaphore(%arg16 : memref<!tpu.dma_semaphore, #tpu.memory_space<semaphore_mem>>) src(%dma_wait3A_51 : memref<501760x128xf32, #tpu.memory_space<hbm>>) dst(%dma_wait3A_46 : memref<112x128xf32, #tpu.memory_space<vmem>>)
      %dma_wait3A_52 = arith.constant 112 : i32
      %dma_wait3A_53 = arith.constant 0 : i32
      %dma_wait3A_54 = tpu.memref_slice %arg14[%dma_wait3A_52, %dma_wait3A_53] : memref<336x128xf32, #tpu.memory_space<vmem>> -> memref<112x128xf32, #tpu.memory_space<vmem>>
      %dma_wait3A_55 = arith.constant 112 : i32
      %dma_wait3A_56 = tpu.memref_slice %arg10[%dma_wait3A_55] : memref<336xi32, #tpu.memory_space<vmem>> -> memref<112xi32, #tpu.memory_space<vmem>>
      %dma_wait3A_57 = arith.constant 0 : i32
      %dma_wait3A_58 = arith.constant 0 : i32
      %dma_wait3A_59 = tpu.memref_slice %arg7[%dma_wait3A_57, %dma_wait3A_58] : memref<501760x128xf32, #tpu.memory_space<hbm>> -> memref<501760x128xf32, #tpu.memory_space<hbm>>
      tpu.wait_indirect_dma semaphore(%arg16 : memref<!tpu.dma_semaphore, #tpu.memory_space<semaphore_mem>>) src(%dma_wait3A_59 : memref<501760x128xf32, #tpu.memory_space<hbm>>) dst(%dma_wait3A_54 : memref<112x128xf32, #tpu.memory_space<vmem>>)
      %dma_wait3A_60 = arith.constant 224 : i32
      %dma_wait3A_61 = arith.constant 0 : i32
      %dma_wait3A_62 = tpu.memref_slice %arg14[%dma_wait3A_60, %dma_wait3A_61] : memref<336x128xf32, #tpu.memory_space<vmem>> -> memref<112x128xf32, #tpu.memory_space<vmem>>
      %dma_wait3A_63 = arith.constant 224 : i32
      %dma_wait3A_64 = tpu.memref_slice %arg10[%dma_wait3A_63] : memref<336xi32, #tpu.memory_space<vmem>> -> memref<112xi32, #tpu.memory_space<vmem>>
      %dma_wait3A_65 = arith.constant 0 : i32
      %dma_wait3A_66 = arith.constant 0 : i32
      %dma_wait3A_67 = tpu.memref_slice %arg7[%dma_wait3A_65, %dma_wait3A_66] : memref<501760x128xf32, #tpu.memory_space<hbm>> -> memref<501760x128xf32, #tpu.memory_space<hbm>>
      tpu.wait_indirect_dma semaphore(%arg16 : memref<!tpu.dma_semaphore, #tpu.memory_space<semaphore_mem>>) src(%dma_wait3A_67 : memref<501760x128xf32, #tpu.memory_space<hbm>>) dst(%dma_wait3A_62 : memref<112x128xf32, #tpu.memory_space<vmem>>)
      %broadcast_in_dim3A = arith.constant 0.000000e+00 : f32
      %broadcast_in_dim3A_68 = vector.broadcast %broadcast_in_dim3A : f32 to vector<16xf32>
      %broadcast_in_dim3A_69 = arith.constant 0.000000e+00 : f32
      %broadcast_in_dim3A_70 = vector.broadcast %broadcast_in_dim3A_69 : f32 to vector<16xf32>
      %broadcast_in_dim3A_71 = arith.constant 0.000000e+00 : f32
      %broadcast_in_dim3A_72 = vector.broadcast %broadcast_in_dim3A_71 : f32 to vector<16xf32>
      %broadcast_in_dim3A_73 = arith.constant 0.000000e+00 : f32
      %broadcast_in_dim3A_74 = vector.broadcast %broadcast_in_dim3A_73 : f32 to vector<16xf32>
      %broadcast_in_dim3A_75 = arith.constant 0.000000e+00 : f32
      %broadcast_in_dim3A_76 = vector.broadcast %broadcast_in_dim3A_75 : f32 to vector<16xf32>
      %broadcast_in_dim3A_77 = arith.constant 0.000000e+00 : f32
      %broadcast_in_dim3A_78 = vector.broadcast %broadcast_in_dim3A_77 : f32 to vector<16xf32>
      %broadcast_in_dim3A_79 = arith.constant 0.000000e+00 : f32
      %broadcast_in_dim3A_80 = vector.broadcast %broadcast_in_dim3A_79 : f32 to vector<16xf32>
      %broadcast_in_dim3A_81 = arith.constant 0.000000e+00 : f32
      %broadcast_in_dim3A_82 = vector.broadcast %broadcast_in_dim3A_81 : f32 to vector<16xf32>
      %broadcast_in_dim3A_83 = arith.constant 0.000000e+00 : f32
      %broadcast_in_dim3A_84 = vector.broadcast %broadcast_in_dim3A_83 : f32 to vector<16xf32>
      %broadcast_in_dim3A_85 = arith.constant 0.000000e+00 : f32
      %broadcast_in_dim3A_86 = vector.broadcast %broadcast_in_dim3A_85 : f32 to vector<16xf32>
      %broadcast_in_dim3A_87 = arith.constant 0.000000e+00 : f32
      %broadcast_in_dim3A_88 = vector.broadcast %broadcast_in_dim3A_87 : f32 to vector<16xf32>
      %broadcast_in_dim3A_89 = arith.constant 0.000000e+00 : f32
      %broadcast_in_dim3A_90 = vector.broadcast %broadcast_in_dim3A_89 : f32 to vector<16xf32>
      %broadcast_in_dim3A_91 = arith.constant 0.000000e+00 : f32
      %broadcast_in_dim3A_92 = vector.broadcast %broadcast_in_dim3A_91 : f32 to vector<16xf32>
      %broadcast_in_dim3A_93 = arith.constant 0.000000e+00 : f32
      %broadcast_in_dim3A_94 = vector.broadcast %broadcast_in_dim3A_93 : f32 to vector<16xf32>
      %broadcast_in_dim3A_95 = arith.constant 0.000000e+00 : f32
      %broadcast_in_dim3A_96 = vector.broadcast %broadcast_in_dim3A_95 : f32 to vector<16xf32>
      %broadcast_in_dim3A_97 = arith.constant 0.000000e+00 : f32
      %broadcast_in_dim3A_98 = vector.broadcast %broadcast_in_dim3A_97 : f32 to vector<16xf32>
      %broadcast_in_dim3A_99 = arith.constant 0.000000e+00 : f32
      %broadcast_in_dim3A_100 = vector.broadcast %broadcast_in_dim3A_99 : f32 to vector<16xf32>
      %broadcast_in_dim3A_101 = arith.constant 0.000000e+00 : f32
      %broadcast_in_dim3A_102 = vector.broadcast %broadcast_in_dim3A_101 : f32 to vector<16xf32>
      %broadcast_in_dim3A_103 = arith.constant 0.000000e+00 : f32
      %broadcast_in_dim3A_104 = vector.broadcast %broadcast_in_dim3A_103 : f32 to vector<16xf32>
      %broadcast_in_dim3A_105 = arith.constant 0.000000e+00 : f32
      %broadcast_in_dim3A_106 = vector.broadcast %broadcast_in_dim3A_105 : f32 to vector<16xf32>
      %broadcast_in_dim3A_107 = arith.constant 0.000000e+00 : f32
      %broadcast_in_dim3A_108 = vector.broadcast %broadcast_in_dim3A_107 : f32 to vector<16xf32>
      %scan3A_109 = arith.constant 0 : i32
      %scan3A_110 = arith.constant 16 : i32
      %scan3A_111 = arith.addi %scan3A_109, %scan3A_110 : i32
      %scan3A_112 = arith.constant 1 : i32
      %scan3A_113:21 = scf.for %scan3A_159 = %scan3A_109 to %scan3A_111 step %scan3A_112 iter_args(%scan3A_160 = %broadcast_in_dim3A_68, %scan3A_161 = %broadcast_in_dim3A_70, %scan3A_162 = %broadcast_in_dim3A_72, %scan3A_163 = %broadcast_in_dim3A_74, %scan3A_164 = %broadcast_in_dim3A_76, %scan3A_165 = %broadcast_in_dim3A_78, %scan3A_166 = %broadcast_in_dim3A_80, %scan3A_167 = %broadcast_in_dim3A_82, %scan3A_168 = %broadcast_in_dim3A_84, %scan3A_169 = %broadcast_in_dim3A_86, %scan3A_170 = %broadcast_in_dim3A_88, %scan3A_171 = %broadcast_in_dim3A_90, %scan3A_172 = %broadcast_in_dim3A_92, %scan3A_173 = %broadcast_in_dim3A_94, %scan3A_174 = %broadcast_in_dim3A_96, %scan3A_175 = %broadcast_in_dim3A_98, %scan3A_176 = %broadcast_in_dim3A_100, %scan3A_177 = %broadcast_in_dim3A_102, %scan3A_178 = %broadcast_in_dim3A_104, %scan3A_179 = %broadcast_in_dim3A_106, %scan3A_180 = %broadcast_in_dim3A_108) -> (vector<16xf32>, vector<16xf32>, vector<16xf32>, vector<16xf32>, vector<16xf32>, vector<16xf32>, vector<16xf32>, vector<16xf32>, vector<16xf32>, vector<16xf32>, vector<16xf32>, vector<16xf32>, vector<16xf32>, vector<16xf32>, vector<16xf32>, vector<16xf32>, vector<16xf32>, vector<16xf32>, vector<16xf32>, vector<16xf32>, vector<16xf32>)  : i32 {
        %get3A = arith.index_cast %scan3A_159 : i32 to index
        %get3A_181 = tpu.vector_load %arg11[%get3A] {strides = array<i32>} : memref<32xi32, #tpu.memory_space<vmem>>, vector<16xi32>,
        %slice3A = vector.extract_strided_slice %get3A_181 {offsets = [0], sizes = [1], strides = [1]} : vector<16xi32> to vector<1xi32>
        %squeeze3A = vector.extract %slice3A[0] : i32 from vector<1xi32>
        %mul3A_182 = arith.constant 64 : i32
        %mul3A_183 = arith.muli %squeeze3A, %mul3A_182 : i32
        %add3A_184 = arith.constant 0 : i32
        %add3A_185 = arith.addi %mul3A_183, %add3A_184 : i32
        %get3A_186 = arith.index_cast %scan3A_159 : i32 to index
        %get3A_187 = arith.index_cast %add3A_185 : i32 to index
        %get3A_188 = tpu.vector_load %arg13[%get3A_186, %get3A_187] {strides = array<i32>} : memref<16x128xf32, #tpu.memory_space<vmem>>, vector<16xf32>,
        %add3A_189 = arith.constant 16 : i32
        %add3A_190 = arith.addi %mul3A_183, %add3A_189 : i32
        %get3A_191 = arith.index_cast %scan3A_159 : i32 to index
        %get3A_192 = arith.index_cast %add3A_190 : i32 to index
        %get3A_193 = tpu.vector_load %arg13[%get3A_191, %get3A_192] {strides = array<i32>} : memref<16x128xf32, #tpu.memory_space<vmem>>, vector<16xf32>,
        %add3A_194 = arith.constant 32 : i32
        %add3A_195 = arith.addi %mul3A_183, %add3A_194 : i32
        %get3A_196 = arith.index_cast %scan3A_159 : i32 to index
        %get3A_197 = arith.index_cast %add3A_195 : i32 to index
        %get3A_198 = tpu.vector_load %arg13[%get3A_196, %get3A_197] {strides = array<i32>} : memref<16x128xf32, #tpu.memory_space<vmem>>, vector<16xf32>,
        %add3A_199 = arith.constant 48 : i32
        %add3A_200 = arith.addi %mul3A_183, %add3A_199 : i32
        %get3A_201 = arith.index_cast %scan3A_159 : i32 to index
        %get3A_202 = arith.index_cast %add3A_200 : i32 to index
        %get3A_203 = tpu.vector_load %arg13[%get3A_201, %get3A_202] {strides = array<i32>} : memref<16x128xf32, #tpu.memory_space<vmem>>, vector<16xf32>,
        %mul3A_204 = arith.constant 21 : i32
        %mul3A_205 = arith.muli %scan3A_159, %mul3A_204 : i32
        %add3A_206 = arith.constant 0 : i32
        %add3A_207 = arith.addi %mul3A_205, %add3A_206 : i32
        %get3A_208 = arith.index_cast %add3A_207 : i32 to index
        %get3A_209 = tpu.vector_load %arg12[%get3A_208] {strides = array<i32>} : memref<352xi32, #tpu.memory_space<vmem>>, vector<16xi32>,
        %slice3A_210 = vector.extract_strided_slice %get3A_209 {offsets = [0], sizes = [1], strides = [1]} : vector<16xi32> to vector<1xi32>
        %squeeze3A_211 = vector.extract %slice3A_210[0] : i32 from vector<1xi32>
        %mul3A_212 = arith.constant 64 : i32
        %mul3A_213 = arith.muli %squeeze3A_211, %mul3A_212 : i32
        %get3A_214 = arith.index_cast %add3A_207 : i32 to index
        %get3A_215 = arith.index_cast %mul3A_213 : i32 to index
        %get3A_216 = tpu.vector_load %arg14[%get3A_214, %get3A_215] {strides = array<i32>} : memref<336x128xf32, #tpu.memory_space<vmem>>, vector<16xf32>,
        %mul3A_217 = arith.mulf %get3A_188, %get3A_216 : vector<16xf32>
        %add3A_218 = arith.constant 16 : i32
        %add3A_219 = arith.addi %mul3A_213, %add3A_218 : i32
        %get3A_220 = arith.index_cast %add3A_207 : i32 to index
        %get3A_221 = arith.index_cast %add3A_219 : i32 to index
        %get3A_222 = tpu.vector_load %arg14[%get3A_220, %get3A_221] {strides = array<i32>} : memref<336x128xf32, #tpu.memory_space<vmem>>, vector<16xf32>,
        %mul3A_223 = arith.mulf %get3A_193, %get3A_222 : vector<16xf32>
        %add3A_224 = arith.addf %mul3A_217, %mul3A_223 : vector<16xf32>
        %add3A_225 = arith.constant 32 : i32
        %add3A_226 = arith.addi %mul3A_213, %add3A_225 : i32
        %get3A_227 = arith.index_cast %add3A_207 : i32 to index
        %get3A_228 = arith.index_cast %add3A_226 : i32 to index
        %get3A_229 = tpu.vector_load %arg14[%get3A_227, %get3A_228] {strides = array<i32>} : memref<336x128xf32, #tpu.memory_space<vmem>>, vector<16xf32>,
        %mul3A_230 = arith.mulf %get3A_198, %get3A_229 : vector<16xf32>
        %add3A_231 = arith.addf %add3A_224, %mul3A_230 : vector<16xf32>
        %add3A_232 = arith.constant 48 : i32
        %add3A_233 = arith.addi %mul3A_213, %add3A_232 : i32
        %get3A_234 = arith.index_cast %add3A_207 : i32 to index
        %get3A_235 = arith.index_cast %add3A_233 : i32 to index
        %get3A_236 = tpu.vector_load %arg14[%get3A_234, %get3A_235] {strides = array<i32>} : memref<336x128xf32, #tpu.memory_space<vmem>>, vector<16xf32>,
        %mul3A_237 = arith.mulf %get3A_203, %get3A_236 : vector<16xf32>
        %add3A_238 = arith.addf %add3A_231, %mul3A_237 : vector<16xf32>
        %reduce_sum3A = arith.constant true
        %reduce_sum3A_239 = vector.broadcast %reduce_sum3A : i1 to vector<16xi1>
        %reduce_sum3A_240 = tpu.scan <sum>, %add3A_238 masked %reduce_sum3A_239 : vector<16xf32>, vector<16xi1> -> vector<16xf32>
        %reduce_sum3A_241 = vector.extract %reduce_sum3A_240[15] : f32 from vector<16xf32>
        %eq3A = vector.broadcast %scan3A_159 : i32 to vector<16xi32>
        %eq3A_242 = arith.cmpi eq, %iota3A, %eq3A : vector<16xi32>
        %broadcast_in_dim3A_243 = vector.broadcast %reduce_sum3A_241 : f32 to vector<16xf32>
        %select_n3A = arith.select %eq3A_242, %broadcast_in_dim3A_243, %scan3A_160 : vector<16xi1>, vector<16xf32>
        %mul3A_244 = arith.constant 21 : i32
        %mul3A_245 = arith.muli %scan3A_159, %mul3A_244 : i32
        %add3A_246 = arith.constant 1 : i32
        %add3A_247 = arith.addi %mul3A_245, %add3A_246 : i32
        %get3A_248 = arith.index_cast %add3A_247 : i32 to index
        %get3A_249 = tpu.vector_load %arg12[%get3A_248] {strides = array<i32>} : memref<352xi32, #tpu.memory_space<vmem>>, vector<16xi32>,
        %slice3A_250 = vector.extract_strided_slice %get3A_249 {offsets = [0], sizes = [1], strides = [1]} : vector<16xi32> to vector<1xi32>
        %squeeze3A_251 = vector.extract %slice3A_250[0] : i32 from vector<1xi32>
        %mul3A_252 = arith.constant 64 : i32
        %mul3A_253 = arith.muli %squeeze3A_251, %mul3A_252 : i32
        %get3A_254 = arith.index_cast %add3A_247 : i32 to index
        %get3A_255 = arith.index_cast %mul3A_253 : i32 to index
        %get3A_256 = tpu.vector_load %arg14[%get3A_254, %get3A_255] {strides = array<i32>} : memref<336x128xf32, #tpu.memory_space<vmem>>, vector<16xf32>,
        %mul3A_257 = arith.mulf %get3A_188, %get3A_256 : vector<16xf32>
        %add3A_258 = arith.constant 16 : i32
        %add3A_259 = arith.addi %mul3A_253, %add3A_258 : i32
        %get3A_260 = arith.index_cast %add3A_247 : i32 to index
        %get3A_261 = arith.index_cast %add3A_259 : i32 to index
        %get3A_262 = tpu.vector_load %arg14[%get3A_260, %get3A_261] {strides = array<i32>} : memref<336x128xf32, #tpu.memory_space<vmem>>, vector<16xf32>,
        %mul3A_263 = arith.mulf %get3A_193, %get3A_262 : vector<16xf32>
        %add3A_264 = arith.addf %mul3A_257, %mul3A_263 : vector<16xf32>
        %add3A_265 = arith.constant 32 : i32
        %add3A_266 = arith.addi %mul3A_253, %add3A_265 : i32
        %get3A_267 = arith.index_cast %add3A_247 : i32 to index
        %get3A_268 = arith.index_cast %add3A_266 : i32 to index
        %get3A_269 = tpu.vector_load %arg14[%get3A_267, %get3A_268] {strides = array<i32>} : memref<336x128xf32, #tpu.memory_space<vmem>>, vector<16xf32>,
        %mul3A_270 = arith.mulf %get3A_198, %get3A_269 : vector<16xf32>
        %add3A_271 = arith.addf %add3A_264, %mul3A_270 : vector<16xf32>
        %add3A_272 = arith.constant 48 : i32
        %add3A_273 = arith.addi %mul3A_253, %add3A_272 : i32
        %get3A_274 = arith.index_cast %add3A_247 : i32 to index
        %get3A_275 = arith.index_cast %add3A_273 : i32 to index
        %get3A_276 = tpu.vector_load %arg14[%get3A_274, %get3A_275] {strides = array<i32>} : memref<336x128xf32, #tpu.memory_space<vmem>>, vector<16xf32>,
        %mul3A_277 = arith.mulf %get3A_203, %get3A_276 : vector<16xf32>
        %add3A_278 = arith.addf %add3A_271, %mul3A_277 : vector<16xf32>
        %reduce_sum3A_279 = arith.constant true
        %reduce_sum3A_280 = vector.broadcast %reduce_sum3A_279 : i1 to vector<16xi1>
        %reduce_sum3A_281 = tpu.scan <sum>, %add3A_278 masked %reduce_sum3A_280 : vector<16xf32>, vector<16xi1> -> vector<16xf32>
        %reduce_sum3A_282 = vector.extract %reduce_sum3A_281[15] : f32 from vector<16xf32>
        %eq3A_283 = vector.broadcast %scan3A_159 : i32 to vector<16xi32>
        %eq3A_284 = arith.cmpi eq, %iota3A, %eq3A_283 : vector<16xi32>
        %broadcast_in_dim3A_285 = vector.broadcast %reduce_sum3A_282 : f32 to vector<16xf32>
        %select_n3A_286 = arith.select %eq3A_284, %broadcast_in_dim3A_285, %scan3A_161 : vector<16xi1>, vector<16xf32>
        %mul3A_287 = arith.constant 21 : i32
        %mul3A_288 = arith.muli %scan3A_159, %mul3A_287 : i32
        %add3A_289 = arith.constant 2 : i32
        %add3A_290 = arith.addi %mul3A_288, %add3A_289 : i32
        %get3A_291 = arith.index_cast %add3A_290 : i32 to index
        %get3A_292 = tpu.vector_load %arg12[%get3A_291] {strides = array<i32>} : memref<352xi32, #tpu.memory_space<vmem>>, vector<16xi32>,
        %slice3A_293 = vector.extract_strided_slice %get3A_292 {offsets = [0], sizes = [1], strides = [1]} : vector<16xi32> to vector<1xi32>
        %squeeze3A_294 = vector.extract %slice3A_293[0] : i32 from vector<1xi32>
        %mul3A_295 = arith.constant 64 : i32
        %mul3A_296 = arith.muli %squeeze3A_294, %mul3A_295 : i32
        %get3A_297 = arith.index_cast %add3A_290 : i32 to index
        %get3A_298 = arith.index_cast %mul3A_296 : i32 to index
        %get3A_299 = tpu.vector_load %arg14[%get3A_297, %get3A_298] {strides = array<i32>} : memref<336x128xf32, #tpu.memory_space<vmem>>, vector<16xf32>,
        %mul3A_300 = arith.mulf %get3A_188, %get3A_299 : vector<16xf32>
        %add3A_301 = arith.constant 16 : i32
        %add3A_302 = arith.addi %mul3A_296, %add3A_301 : i32
        %get3A_303 = arith.index_cast %add3A_290 : i32 to index
        %get3A_304 = arith.index_cast %add3A_302 : i32 to index
        %get3A_305 = tpu.vector_load %arg14[%get3A_303, %get3A_304] {strides = array<i32>} : memref<336x128xf32, #tpu.memory_space<vmem>>, vector<16xf32>,
        %mul3A_306 = arith.mulf %get3A_193, %get3A_305 : vector<16xf32>
        %add3A_307 = arith.addf %mul3A_300, %mul3A_306 : vector<16xf32>
        %add3A_308 = arith.constant 32 : i32
        %add3A_309 = arith.addi %mul3A_296, %add3A_308 : i32
        %get3A_310 = arith.index_cast %add3A_290 : i32 to index
        %get3A_311 = arith.index_cast %add3A_309 : i32 to index
        %get3A_312 = tpu.vector_load %arg14[%get3A_310, %get3A_311] {strides = array<i32>} : memref<336x128xf32, #tpu.memory_space<vmem>>, vector<16xf32>,
        %mul3A_313 = arith.mulf %get3A_198, %get3A_312 : vector<16xf32>
        %add3A_314 = arith.addf %add3A_307, %mul3A_313 : vector<16xf32>
        %add3A_315 = arith.constant 48 : i32
        %add3A_316 = arith.addi %mul3A_296, %add3A_315 : i32
        %get3A_317 = arith.index_cast %add3A_290 : i32 to index
        %get3A_318 = arith.index_cast %add3A_316 : i32 to index
        %get3A_319 = tpu.vector_load %arg14[%get3A_317, %get3A_318] {strides = array<i32>} : memref<336x128xf32, #tpu.memory_space<vmem>>, vector<16xf32>,
        %mul3A_320 = arith.mulf %get3A_203, %get3A_319 : vector<16xf32>
        %add3A_321 = arith.addf %add3A_314, %mul3A_320 : vector<16xf32>
        %reduce_sum3A_322 = arith.constant true
        %reduce_sum3A_323 = vector.broadcast %reduce_sum3A_322 : i1 to vector<16xi1>
        %reduce_sum3A_324 = tpu.scan <sum>, %add3A_321 masked %reduce_sum3A_323 : vector<16xf32>, vector<16xi1> -> vector<16xf32>
        %reduce_sum3A_325 = vector.extract %reduce_sum3A_324[15] : f32 from vector<16xf32>
        %eq3A_326 = vector.broadcast %scan3A_159 : i32 to vector<16xi32>
        %eq3A_327 = arith.cmpi eq, %iota3A, %eq3A_326 : vector<16xi32>
        %broadcast_in_dim3A_328 = vector.broadcast %reduce_sum3A_325 : f32 to vector<16xf32>
        %select_n3A_329 = arith.select %eq3A_327, %broadcast_in_dim3A_328, %scan3A_162 : vector<16xi1>, vector<16xf32>
        %mul3A_330 = arith.constant 21 : i32
        %mul3A_331 = arith.muli %scan3A_159, %mul3A_330 : i32
        %add3A_332 = arith.constant 3 : i32
        %add3A_333 = arith.addi %mul3A_331, %add3A_332 : i32
        %get3A_334 = arith.index_cast %add3A_333 : i32 to index
        %get3A_335 = tpu.vector_load %arg12[%get3A_334] {strides = array<i32>} : memref<352xi32, #tpu.memory_space<vmem>>, vector<16xi32>,
        %slice3A_336 = vector.extract_strided_slice %get3A_335 {offsets = [0], sizes = [1], strides = [1]} : vector<16xi32> to vector<1xi32>
        %squeeze3A_337 = vector.extract %slice3A_336[0] : i32 from vector<1xi32>
        %mul3A_338 = arith.constant 64 : i32
        %mul3A_339 = arith.muli %squeeze3A_337, %mul3A_338 : i32
        %get3A_340 = arith.index_cast %add3A_333 : i32 to index
        %get3A_341 = arith.index_cast %mul3A_339 : i32 to index
        %get3A_342 = tpu.vector_load %arg14[%get3A_340, %get3A_341] {strides = array<i32>} : memref<336x128xf32, #tpu.memory_space<vmem>>, vector<16xf32>,
        %mul3A_343 = arith.mulf %get3A_188, %get3A_342 : vector<16xf32>
        %add3A_344 = arith.constant 16 : i32
        %add3A_345 = arith.addi %mul3A_339, %add3A_344 : i32
        %get3A_346 = arith.index_cast %add3A_333 : i32 to index
        %get3A_347 = arith.index_cast %add3A_345 : i32 to index
        %get3A_348 = tpu.vector_load %arg14[%get3A_346, %get3A_347] {strides = array<i32>} : memref<336x128xf32, #tpu.memory_space<vmem>>, vector<16xf32>,
        %mul3A_349 = arith.mulf %get3A_193, %get3A_348 : vector<16xf32>
        %add3A_350 = arith.addf %mul3A_343, %mul3A_349 : vector<16xf32>
        %add3A_351 = arith.constant 32 : i32
        %add3A_352 = arith.addi %mul3A_339, %add3A_351 : i32
        %get3A_353 = arith.index_cast %add3A_333 : i32 to index
        %get3A_354 = arith.index_cast %add3A_352 : i32 to index
        %get3A_355 = tpu.vector_load %arg14[%get3A_353, %get3A_354] {strides = array<i32>} : memref<336x128xf32, #tpu.memory_space<vmem>>, vector<16xf32>,
        %mul3A_356 = arith.mulf %get3A_198, %get3A_355 : vector<16xf32>
        %add3A_357 = arith.addf %add3A_350, %mul3A_356 : vector<16xf32>
        %add3A_358 = arith.constant 48 : i32
        %add3A_359 = arith.addi %mul3A_339, %add3A_358 : i32
        %get3A_360 = arith.index_cast %add3A_333 : i32 to index
        %get3A_361 = arith.index_cast %add3A_359 : i32 to index
        %get3A_362 = tpu.vector_load %arg14[%get3A_360, %get3A_361] {strides = array<i32>} : memref<336x128xf32, #tpu.memory_space<vmem>>, vector<16xf32>,
        %mul3A_363 = arith.mulf %get3A_203, %get3A_362 : vector<16xf32>
        %add3A_364 = arith.addf %add3A_357, %mul3A_363 : vector<16xf32>
        %reduce_sum3A_365 = arith.constant true
        %reduce_sum3A_366 = vector.broadcast %reduce_sum3A_365 : i1 to vector<16xi1>
        %reduce_sum3A_367 = tpu.scan <sum>, %add3A_364 masked %reduce_sum3A_366 : vector<16xf32>, vector<16xi1> -> vector<16xf32>
        %reduce_sum3A_368 = vector.extract %reduce_sum3A_367[15] : f32 from vector<16xf32>
        %eq3A_369 = vector.broadcast %scan3A_159 : i32 to vector<16xi32>
        %eq3A_370 = arith.cmpi eq, %iota3A, %eq3A_369 : vector<16xi32>
        %broadcast_in_dim3A_371 = vector.broadcast %reduce_sum3A_368 : f32 to vector<16xf32>
        %select_n3A_372 = arith.select %eq3A_370, %broadcast_in_dim3A_371, %scan3A_163 : vector<16xi1>, vector<16xf32>
        %mul3A_373 = arith.constant 21 : i32
        %mul3A_374 = arith.muli %scan3A_159, %mul3A_373 : i32
        %add3A_375 = arith.constant 4 : i32
        %add3A_376 = arith.addi %mul3A_374, %add3A_375 : i32
        %get3A_377 = arith.index_cast %add3A_376 : i32 to index
        %get3A_378 = tpu.vector_load %arg12[%get3A_377] {strides = array<i32>} : memref<352xi32, #tpu.memory_space<vmem>>, vector<16xi32>,
        %slice3A_379 = vector.extract_strided_slice %get3A_378 {offsets = [0], sizes = [1], strides = [1]} : vector<16xi32> to vector<1xi32>
        %squeeze3A_380 = vector.extract %slice3A_379[0] : i32 from vector<1xi32>
        %mul3A_381 = arith.constant 64 : i32
        %mul3A_382 = arith.muli %squeeze3A_380, %mul3A_381 : i32
        %get3A_383 = arith.index_cast %add3A_376 : i32 to index
        %get3A_384 = arith.index_cast %mul3A_382 : i32 to index
        %get3A_385 = tpu.vector_load %arg14[%get3A_383, %get3A_384] {strides = array<i32>} : memref<336x128xf32, #tpu.memory_space<vmem>>, vector<16xf32>,
        %mul3A_386 = arith.mulf %get3A_188, %get3A_385 : vector<16xf32>
        %add3A_387 = arith.constant 16 : i32
        %add3A_388 = arith.addi %mul3A_382, %add3A_387 : i32
        %get3A_389 = arith.index_cast %add3A_376 : i32 to index
        %get3A_390 = arith.index_cast %add3A_388 : i32 to index
        %get3A_391 = tpu.vector_load %arg14[%get3A_389, %get3A_390] {strides = array<i32>} : memref<336x128xf32, #tpu.memory_space<vmem>>, vector<16xf32>,
        %mul3A_392 = arith.mulf %get3A_193, %get3A_391 : vector<16xf32>
        %add3A_393 = arith.addf %mul3A_386, %mul3A_392 : vector<16xf32>
        %add3A_394 = arith.constant 32 : i32
        %add3A_395 = arith.addi %mul3A_382, %add3A_394 : i32
        %get3A_396 = arith.index_cast %add3A_376 : i32 to index
        %get3A_397 = arith.index_cast %add3A_395 : i32 to index
        %get3A_398 = tpu.vector_load %arg14[%get3A_396, %get3A_397] {strides = array<i32>} : memref<336x128xf32, #tpu.memory_space<vmem>>, vector<16xf32>,
        %mul3A_399 = arith.mulf %get3A_198, %get3A_398 : vector<16xf32>
        %add3A_400 = arith.addf %add3A_393, %mul3A_399 : vector<16xf32>
        %add3A_401 = arith.constant 48 : i32
        %add3A_402 = arith.addi %mul3A_382, %add3A_401 : i32
        %get3A_403 = arith.index_cast %add3A_376 : i32 to index
        %get3A_404 = arith.index_cast %add3A_402 : i32 to index
        %get3A_405 = tpu.vector_load %arg14[%get3A_403, %get3A_404] {strides = array<i32>} : memref<336x128xf32, #tpu.memory_space<vmem>>, vector<16xf32>,
        %mul3A_406 = arith.mulf %get3A_203, %get3A_405 : vector<16xf32>
        %add3A_407 = arith.addf %add3A_400, %mul3A_406 : vector<16xf32>
        %reduce_sum3A_408 = arith.constant true
        %reduce_sum3A_409 = vector.broadcast %reduce_sum3A_408 : i1 to vector<16xi1>
        %reduce_sum3A_410 = tpu.scan <sum>, %add3A_407 masked %reduce_sum3A_409 : vector<16xf32>, vector<16xi1> -> vector<16xf32>
        %reduce_sum3A_411 = vector.extract %reduce_sum3A_410[15] : f32 from vector<16xf32>
        %eq3A_412 = vector.broadcast %scan3A_159 : i32 to vector<16xi32>
        %eq3A_413 = arith.cmpi eq, %iota3A, %eq3A_412 : vector<16xi32>
        %broadcast_in_dim3A_414 = vector.broadcast %reduce_sum3A_411 : f32 to vector<16xf32>
        %select_n3A_415 = arith.select %eq3A_413, %broadcast_in_dim3A_414, %scan3A_164 : vector<16xi1>, vector<16xf32>
        %mul3A_416 = arith.constant 21 : i32
        %mul3A_417 = arith.muli %scan3A_159, %mul3A_416 : i32
        %add3A_418 = arith.constant 5 : i32
        %add3A_419 = arith.addi %mul3A_417, %add3A_418 : i32
        %get3A_420 = arith.index_cast %add3A_419 : i32 to index
        %get3A_421 = tpu.vector_load %arg12[%get3A_420] {strides = array<i32>} : memref<352xi32, #tpu.memory_space<vmem>>, vector<16xi32>,
        %slice3A_422 = vector.extract_strided_slice %get3A_421 {offsets = [0], sizes = [1], strides = [1]} : vector<16xi32> to vector<1xi32>
        %squeeze3A_423 = vector.extract %slice3A_422[0] : i32 from vector<1xi32>
        %mul3A_424 = arith.constant 64 : i32
        %mul3A_425 = arith.muli %squeeze3A_423, %mul3A_424 : i32
        %get3A_426 = arith.index_cast %add3A_419 : i32 to index
        %get3A_427 = arith.index_cast %mul3A_425 : i32 to index
        %get3A_428 = tpu.vector_load %arg14[%get3A_426, %get3A_427] {strides = array<i32>} : memref<336x128xf32, #tpu.memory_space<vmem>>, vector<16xf32>,
        %mul3A_429 = arith.mulf %get3A_188, %get3A_428 : vector<16xf32>
        %add3A_430 = arith.constant 16 : i32
        %add3A_431 = arith.addi %mul3A_425, %add3A_430 : i32
        %get3A_432 = arith.index_cast %add3A_419 : i32 to index
        %get3A_433 = arith.index_cast %add3A_431 : i32 to index
        %get3A_434 = tpu.vector_load %arg14[%get3A_432, %get3A_433] {strides = array<i32>} : memref<336x128xf32, #tpu.memory_space<vmem>>, vector<16xf32>,
        %mul3A_435 = arith.mulf %get3A_193, %get3A_434 : vector<16xf32>
        %add3A_436 = arith.addf %mul3A_429, %mul3A_435 : vector<16xf32>
        %add3A_437 = arith.constant 32 : i32
        %add3A_438 = arith.addi %mul3A_425, %add3A_437 : i32
        %get3A_439 = arith.index_cast %add3A_419 : i32 to index
        %get3A_440 = arith.index_cast %add3A_438 : i32 to index
        %get3A_441 = tpu.vector_load %arg14[%get3A_439, %get3A_440] {strides = array<i32>} : memref<336x128xf32, #tpu.memory_space<vmem>>, vector<16xf32>,
        %mul3A_442 = arith.mulf %get3A_198, %get3A_441 : vector<16xf32>
        %add3A_443 = arith.addf %add3A_436, %mul3A_442 : vector<16xf32>
        %add3A_444 = arith.constant 48 : i32
        %add3A_445 = arith.addi %mul3A_425, %add3A_444 : i32
        %get3A_446 = arith.index_cast %add3A_419 : i32 to index
        %get3A_447 = arith.index_cast %add3A_445 : i32 to index
        %get3A_448 = tpu.vector_load %arg14[%get3A_446, %get3A_447] {strides = array<i32>} : memref<336x128xf32, #tpu.memory_space<vmem>>, vector<16xf32>,
        %mul3A_449 = arith.mulf %get3A_203, %get3A_448 : vector<16xf32>
        %add3A_450 = arith.addf %add3A_443, %mul3A_449 : vector<16xf32>
        %reduce_sum3A_451 = arith.constant true
        %reduce_sum3A_452 = vector.broadcast %reduce_sum3A_451 : i1 to vector<16xi1>
        %reduce_sum3A_453 = tpu.scan <sum>, %add3A_450 masked %reduce_sum3A_452 : vector<16xf32>, vector<16xi1> -> vector<16xf32>
        %reduce_sum3A_454 = vector.extract %reduce_sum3A_453[15] : f32 from vector<16xf32>
        %eq3A_455 = vector.broadcast %scan3A_159 : i32 to vector<16xi32>
        %eq3A_456 = arith.cmpi eq, %iota3A, %eq3A_455 : vector<16xi32>
        %broadcast_in_dim3A_457 = vector.broadcast %reduce_sum3A_454 : f32 to vector<16xf32>
        %select_n3A_458 = arith.select %eq3A_456, %broadcast_in_dim3A_457, %scan3A_165 : vector<16xi1>, vector<16xf32>
        %mul3A_459 = arith.constant 21 : i32
        %mul3A_460 = arith.muli %scan3A_159, %mul3A_459 : i32
        %add3A_461 = arith.constant 6 : i32
        %add3A_462 = arith.addi %mul3A_460, %add3A_461 : i32
        %get3A_463 = arith.index_cast %add3A_462 : i32 to index
        %get3A_464 = tpu.vector_load %arg12[%get3A_463] {strides = array<i32>} : memref<352xi32, #tpu.memory_space<vmem>>, vector<16xi32>,
        %slice3A_465 = vector.extract_strided_slice %get3A_464 {offsets = [0], sizes = [1], strides = [1]} : vector<16xi32> to vector<1xi32>
        %squeeze3A_466 = vector.extract %slice3A_465[0] : i32 from vector<1xi32>
        %mul3A_467 = arith.constant 64 : i32
        %mul3A_468 = arith.muli %squeeze3A_466, %mul3A_467 : i32
        %get3A_469 = arith.index_cast %add3A_462 : i32 to index
        %get3A_470 = arith.index_cast %mul3A_468 : i32 to index
        %get3A_471 = tpu.vector_load %arg14[%get3A_469, %get3A_470] {strides = array<i32>} : memref<336x128xf32, #tpu.memory_space<vmem>>, vector<16xf32>,
        %mul3A_472 = arith.mulf %get3A_188, %get3A_471 : vector<16xf32>
        %add3A_473 = arith.constant 16 : i32
        %add3A_474 = arith.addi %mul3A_468, %add3A_473 : i32
        %get3A_475 = arith.index_cast %add3A_462 : i32 to index
        %get3A_476 = arith.index_cast %add3A_474 : i32 to index
        %get3A_477 = tpu.vector_load %arg14[%get3A_475, %get3A_476] {strides = array<i32>} : memref<336x128xf32, #tpu.memory_space<vmem>>, vector<16xf32>,
        %mul3A_478 = arith.mulf %get3A_193, %get3A_477 : vector<16xf32>
        %add3A_479 = arith.addf %mul3A_472, %mul3A_478 : vector<16xf32>
        %add3A_480 = arith.constant 32 : i32
        %add3A_481 = arith.addi %mul3A_468, %add3A_480 : i32
        %get3A_482 = arith.index_cast %add3A_462 : i32 to index
        %get3A_483 = arith.index_cast %add3A_481 : i32 to index
        %get3A_484 = tpu.vector_load %arg14[%get3A_482, %get3A_483] {strides = array<i32>} : memref<336x128xf32, #tpu.memory_space<vmem>>, vector<16xf32>,
        %mul3A_485 = arith.mulf %get3A_198, %get3A_484 : vector<16xf32>
        %add3A_486 = arith.addf %add3A_479, %mul3A_485 : vector<16xf32>
        %add3A_487 = arith.constant 48 : i32
        %add3A_488 = arith.addi %mul3A_468, %add3A_487 : i32
        %get3A_489 = arith.index_cast %add3A_462 : i32 to index
        %get3A_490 = arith.index_cast %add3A_488 : i32 to index
        %get3A_491 = tpu.vector_load %arg14[%get3A_489, %get3A_490] {strides = array<i32>} : memref<336x128xf32, #tpu.memory_space<vmem>>, vector<16xf32>,
        %mul3A_492 = arith.mulf %get3A_203, %get3A_491 : vector<16xf32>
        %add3A_493 = arith.addf %add3A_486, %mul3A_492 : vector<16xf32>
        %reduce_sum3A_494 = arith.constant true
        %reduce_sum3A_495 = vector.broadcast %reduce_sum3A_494 : i1 to vector<16xi1>
        %reduce_sum3A_496 = tpu.scan <sum>, %add3A_493 masked %reduce_sum3A_495 : vector<16xf32>, vector<16xi1> -> vector<16xf32>
        %reduce_sum3A_497 = vector.extract %reduce_sum3A_496[15] : f32 from vector<16xf32>
        %eq3A_498 = vector.broadcast %scan3A_159 : i32 to vector<16xi32>
        %eq3A_499 = arith.cmpi eq, %iota3A, %eq3A_498 : vector<16xi32>
        %broadcast_in_dim3A_500 = vector.broadcast %reduce_sum3A_497 : f32 to vector<16xf32>
        %select_n3A_501 = arith.select %eq3A_499, %broadcast_in_dim3A_500, %scan3A_166 : vector<16xi1>, vector<16xf32>
        %mul3A_502 = arith.constant 21 : i32
        %mul3A_503 = arith.muli %scan3A_159, %mul3A_502 : i32
        %add3A_504 = arith.constant 7 : i32
        %add3A_505 = arith.addi %mul3A_503, %add3A_504 : i32
        %get3A_506 = arith.index_cast %add3A_505 : i32 to index
        %get3A_507 = tpu.vector_load %arg12[%get3A_506] {strides = array<i32>} : memref<352xi32, #tpu.memory_space<vmem>>, vector<16xi32>,
        %slice3A_508 = vector.extract_strided_slice %get3A_507 {offsets = [0], sizes = [1], strides = [1]} : vector<16xi32> to vector<1xi32>
        %squeeze3A_509 = vector.extract %slice3A_508[0] : i32 from vector<1xi32>
        %mul3A_510 = arith.constant 64 : i32
        %mul3A_511 = arith.muli %squeeze3A_509, %mul3A_510 : i32
        %get3A_512 = arith.index_cast %add3A_505 : i32 to index
        %get3A_513 = arith.index_cast %mul3A_511 : i32 to index
        %get3A_514 = tpu.vector_load %arg14[%get3A_512, %get3A_513] {strides = array<i32>} : memref<336x128xf32, #tpu.memory_space<vmem>>, vector<16xf32>,
        %mul3A_515 = arith.mulf %get3A_188, %get3A_514 : vector<16xf32>
        %add3A_516 = arith.constant 16 : i32
        %add3A_517 = arith.addi %mul3A_511, %add3A_516 : i32
        %get3A_518 = arith.index_cast %add3A_505 : i32 to index
        %get3A_519 = arith.index_cast %add3A_517 : i32 to index
        %get3A_520 = tpu.vector_load %arg14[%get3A_518, %get3A_519] {strides = array<i32>} : memref<336x128xf32, #tpu.memory_space<vmem>>, vector<16xf32>,
        %mul3A_521 = arith.mulf %get3A_193, %get3A_520 : vector<16xf32>
        %add3A_522 = arith.addf %mul3A_515, %mul3A_521 : vector<16xf32>
        %add3A_523 = arith.constant 32 : i32
        %add3A_524 = arith.addi %mul3A_511, %add3A_523 : i32
        %get3A_525 = arith.index_cast %add3A_505 : i32 to index
        %get3A_526 = arith.index_cast %add3A_524 : i32 to index
        %get3A_527 = tpu.vector_load %arg14[%get3A_525, %get3A_526] {strides = array<i32>} : memref<336x128xf32, #tpu.memory_space<vmem>>, vector<16xf32>,
        %mul3A_528 = arith.mulf %get3A_198, %get3A_527 : vector<16xf32>
        %add3A_529 = arith.addf %add3A_522, %mul3A_528 : vector<16xf32>
        %add3A_530 = arith.constant 48 : i32
        %add3A_531 = arith.addi %mul3A_511, %add3A_530 : i32
        %get3A_532 = arith.index_cast %add3A_505 : i32 to index
        %get3A_533 = arith.index_cast %add3A_531 : i32 to index
        %get3A_534 = tpu.vector_load %arg14[%get3A_532, %get3A_533] {strides = array<i32>} : memref<336x128xf32, #tpu.memory_space<vmem>>, vector<16xf32>,
        %mul3A_535 = arith.mulf %get3A_203, %get3A_534 : vector<16xf32>
        %add3A_536 = arith.addf %add3A_529, %mul3A_535 : vector<16xf32>
        %reduce_sum3A_537 = arith.constant true
        %reduce_sum3A_538 = vector.broadcast %reduce_sum3A_537 : i1 to vector<16xi1>
        %reduce_sum3A_539 = tpu.scan <sum>, %add3A_536 masked %reduce_sum3A_538 : vector<16xf32>, vector<16xi1> -> vector<16xf32>
        %reduce_sum3A_540 = vector.extract %reduce_sum3A_539[15] : f32 from vector<16xf32>
        %eq3A_541 = vector.broadcast %scan3A_159 : i32 to vector<16xi32>
        %eq3A_542 = arith.cmpi eq, %iota3A, %eq3A_541 : vector<16xi32>
        %broadcast_in_dim3A_543 = vector.broadcast %reduce_sum3A_540 : f32 to vector<16xf32>
        %select_n3A_544 = arith.select %eq3A_542, %broadcast_in_dim3A_543, %scan3A_167 : vector<16xi1>, vector<16xf32>
        %mul3A_545 = arith.constant 21 : i32
        %mul3A_546 = arith.muli %scan3A_159, %mul3A_545 : i32
        %add3A_547 = arith.constant 8 : i32
        %add3A_548 = arith.addi %mul3A_546, %add3A_547 : i32
        %get3A_549 = arith.index_cast %add3A_548 : i32 to index
        %get3A_550 = tpu.vector_load %arg12[%get3A_549] {strides = array<i32>} : memref<352xi32, #tpu.memory_space<vmem>>, vector<16xi32>,
        %slice3A_551 = vector.extract_strided_slice %get3A_550 {offsets = [0], sizes = [1], strides = [1]} : vector<16xi32> to vector<1xi32>
        %squeeze3A_552 = vector.extract %slice3A_551[0] : i32 from vector<1xi32>
        %mul3A_553 = arith.constant 64 : i32
        %mul3A_554 = arith.muli %squeeze3A_552, %mul3A_553 : i32
        %get3A_555 = arith.index_cast %add3A_548 : i32 to index
        %get3A_556 = arith.index_cast %mul3A_554 : i32 to index
        %get3A_557 = tpu.vector_load %arg14[%get3A_555, %get3A_556] {strides = array<i32>} : memref<336x128xf32, #tpu.memory_space<vmem>>, vector<16xf32>,
        %mul3A_558 = arith.mulf %get3A_188, %get3A_557 : vector<16xf32>
        %add3A_559 = arith.constant 16 : i32
        %add3A_560 = arith.addi %mul3A_554, %add3A_559 : i32
        %get3A_561 = arith.index_cast %add3A_548 : i32 to index
        %get3A_562 = arith.index_cast %add3A_560 : i32 to index
        %get3A_563 = tpu.vector_load %arg14[%get3A_561, %get3A_562] {strides = array<i32>} : memref<336x128xf32, #tpu.memory_space<vmem>>, vector<16xf32>,
        %mul3A_564 = arith.mulf %get3A_193, %get3A_563 : vector<16xf32>
        %add3A_565 = arith.addf %mul3A_558, %mul3A_564 : vector<16xf32>
        %add3A_566 = arith.constant 32 : i32
        %add3A_567 = arith.addi %mul3A_554, %add3A_566 : i32
        %get3A_568 = arith.index_cast %add3A_548 : i32 to index
        %get3A_569 = arith.index_cast %add3A_567 : i32 to index
        %get3A_570 = tpu.vector_load %arg14[%get3A_568, %get3A_569] {strides = array<i32>} : memref<336x128xf32, #tpu.memory_space<vmem>>, vector<16xf32>,
        %mul3A_571 = arith.mulf %get3A_198, %get3A_570 : vector<16xf32>
        %add3A_572 = arith.addf %add3A_565, %mul3A_571 : vector<16xf32>
        %add3A_573 = arith.constant 48 : i32
        %add3A_574 = arith.addi %mul3A_554, %add3A_573 : i32
        %get3A_575 = arith.index_cast %add3A_548 : i32 to index
        %get3A_576 = arith.index_cast %add3A_574 : i32 to index
        %get3A_577 = tpu.vector_load %arg14[%get3A_575, %get3A_576] {strides = array<i32>} : memref<336x128xf32, #tpu.memory_space<vmem>>, vector<16xf32>,
        %mul3A_578 = arith.mulf %get3A_203, %get3A_577 : vector<16xf32>
        %add3A_579 = arith.addf %add3A_572, %mul3A_578 : vector<16xf32>
        %reduce_sum3A_580 = arith.constant true
        %reduce_sum3A_581 = vector.broadcast %reduce_sum3A_580 : i1 to vector<16xi1>
        %reduce_sum3A_582 = tpu.scan <sum>, %add3A_579 masked %reduce_sum3A_581 : vector<16xf32>, vector<16xi1> -> vector<16xf32>
        %reduce_sum3A_583 = vector.extract %reduce_sum3A_582[15] : f32 from vector<16xf32>
        %eq3A_584 = vector.broadcast %scan3A_159 : i32 to vector<16xi32>
        %eq3A_585 = arith.cmpi eq, %iota3A, %eq3A_584 : vector<16xi32>
        %broadcast_in_dim3A_586 = vector.broadcast %reduce_sum3A_583 : f32 to vector<16xf32>
        %select_n3A_587 = arith.select %eq3A_585, %broadcast_in_dim3A_586, %scan3A_168 : vector<16xi1>, vector<16xf32>
        %mul3A_588 = arith.constant 21 : i32
        %mul3A_589 = arith.muli %scan3A_159, %mul3A_588 : i32
        %add3A_590 = arith.constant 9 : i32
        %add3A_591 = arith.addi %mul3A_589, %add3A_590 : i32
        %get3A_592 = arith.index_cast %add3A_591 : i32 to index
        %get3A_593 = tpu.vector_load %arg12[%get3A_592] {strides = array<i32>} : memref<352xi32, #tpu.memory_space<vmem>>, vector<16xi32>,
        %slice3A_594 = vector.extract_strided_slice %get3A_593 {offsets = [0], sizes = [1], strides = [1]} : vector<16xi32> to vector<1xi32>
        %squeeze3A_595 = vector.extract %slice3A_594[0] : i32 from vector<1xi32>
        %mul3A_596 = arith.constant 64 : i32
        %mul3A_597 = arith.muli %squeeze3A_595, %mul3A_596 : i32
        %get3A_598 = arith.index_cast %add3A_591 : i32 to index
        %get3A_599 = arith.index_cast %mul3A_597 : i32 to index
        %get3A_600 = tpu.vector_load %arg14[%get3A_598, %get3A_599] {strides = array<i32>} : memref<336x128xf32, #tpu.memory_space<vmem>>, vector<16xf32>,
        %mul3A_601 = arith.mulf %get3A_188, %get3A_600 : vector<16xf32>
        %add3A_602 = arith.constant 16 : i32
        %add3A_603 = arith.addi %mul3A_597, %add3A_602 : i32
        %get3A_604 = arith.index_cast %add3A_591 : i32 to index
        %get3A_605 = arith.index_cast %add3A_603 : i32 to index
        %get3A_606 = tpu.vector_load %arg14[%get3A_604, %get3A_605] {strides = array<i32>} : memref<336x128xf32, #tpu.memory_space<vmem>>, vector<16xf32>,
        %mul3A_607 = arith.mulf %get3A_193, %get3A_606 : vector<16xf32>
        %add3A_608 = arith.addf %mul3A_601, %mul3A_607 : vector<16xf32>
        %add3A_609 = arith.constant 32 : i32
        %add3A_610 = arith.addi %mul3A_597, %add3A_609 : i32
        %get3A_611 = arith.index_cast %add3A_591 : i32 to index
        %get3A_612 = arith.index_cast %add3A_610 : i32 to index
        %get3A_613 = tpu.vector_load %arg14[%get3A_611, %get3A_612] {strides = array<i32>} : memref<336x128xf32, #tpu.memory_space<vmem>>, vector<16xf32>,
        %mul3A_614 = arith.mulf %get3A_198, %get3A_613 : vector<16xf32>
        %add3A_615 = arith.addf %add3A_608, %mul3A_614 : vector<16xf32>
        %add3A_616 = arith.constant 48 : i32
        %add3A_617 = arith.addi %mul3A_597, %add3A_616 : i32
        %get3A_618 = arith.index_cast %add3A_591 : i32 to index
        %get3A_619 = arith.index_cast %add3A_617 : i32 to index
        %get3A_620 = tpu.vector_load %arg14[%get3A_618, %get3A_619] {strides = array<i32>} : memref<336x128xf32, #tpu.memory_space<vmem>>, vector<16xf32>,
        %mul3A_621 = arith.mulf %get3A_203, %get3A_620 : vector<16xf32>
        %add3A_622 = arith.addf %add3A_615, %mul3A_621 : vector<16xf32>
        %reduce_sum3A_623 = arith.constant true
        %reduce_sum3A_624 = vector.broadcast %reduce_sum3A_623 : i1 to vector<16xi1>
        %reduce_sum3A_625 = tpu.scan <sum>, %add3A_622 masked %reduce_sum3A_624 : vector<16xf32>, vector<16xi1> -> vector<16xf32>
        %reduce_sum3A_626 = vector.extract %reduce_sum3A_625[15] : f32 from vector<16xf32>
        %eq3A_627 = vector.broadcast %scan3A_159 : i32 to vector<16xi32>
        %eq3A_628 = arith.cmpi eq, %iota3A, %eq3A_627 : vector<16xi32>
        %broadcast_in_dim3A_629 = vector.broadcast %reduce_sum3A_626 : f32 to vector<16xf32>
        %select_n3A_630 = arith.select %eq3A_628, %broadcast_in_dim3A_629, %scan3A_169 : vector<16xi1>, vector<16xf32>
        %mul3A_631 = arith.constant 21 : i32
        %mul3A_632 = arith.muli %scan3A_159, %mul3A_631 : i32
        %add3A_633 = arith.constant 10 : i32
        %add3A_634 = arith.addi %mul3A_632, %add3A_633 : i32
        %get3A_635 = arith.index_cast %add3A_634 : i32 to index
        %get3A_636 = tpu.vector_load %arg12[%get3A_635] {strides = array<i32>} : memref<352xi32, #tpu.memory_space<vmem>>, vector<16xi32>,
        %slice3A_637 = vector.extract_strided_slice %get3A_636 {offsets = [0], sizes = [1], strides = [1]} : vector<16xi32> to vector<1xi32>
        %squeeze3A_638 = vector.extract %slice3A_637[0] : i32 from vector<1xi32>
        %mul3A_639 = arith.constant 64 : i32
        %mul3A_640 = arith.muli %squeeze3A_638, %mul3A_639 : i32
        %get3A_641 = arith.index_cast %add3A_634 : i32 to index
        %get3A_642 = arith.index_cast %mul3A_640 : i32 to index
        %get3A_643 = tpu.vector_load %arg14[%get3A_641, %get3A_642] {strides = array<i32>} : memref<336x128xf32, #tpu.memory_space<vmem>>, vector<16xf32>,
        %mul3A_644 = arith.mulf %get3A_188, %get3A_643 : vector<16xf32>
        %add3A_645 = arith.constant 16 : i32
        %add3A_646 = arith.addi %mul3A_640, %add3A_645 : i32
        %get3A_647 = arith.index_cast %add3A_634 : i32 to index
        %get3A_648 = arith.index_cast %add3A_646 : i32 to index
        %get3A_649 = tpu.vector_load %arg14[%get3A_647, %get3A_648] {strides = array<i32>} : memref<336x128xf32, #tpu.memory_space<vmem>>, vector<16xf32>,
        %mul3A_650 = arith.mulf %get3A_193, %get3A_649 : vector<16xf32>
        %add3A_651 = arith.addf %mul3A_644, %mul3A_650 : vector<16xf32>
        %add3A_652 = arith.constant 32 : i32
        %add3A_653 = arith.addi %mul3A_640, %add3A_652 : i32
        %get3A_654 = arith.index_cast %add3A_634 : i32 to index
        %get3A_655 = arith.index_cast %add3A_653 : i32 to index
        %get3A_656 = tpu.vector_load %arg14[%get3A_654, %get3A_655] {strides = array<i32>} : memref<336x128xf32, #tpu.memory_space<vmem>>, vector<16xf32>,
        %mul3A_657 = arith.mulf %get3A_198, %get3A_656 : vector<16xf32>
        %add3A_658 = arith.addf %add3A_651, %mul3A_657 : vector<16xf32>
        %add3A_659 = arith.constant 48 : i32
        %add3A_660 = arith.addi %mul3A_640, %add3A_659 : i32
        %get3A_661 = arith.index_cast %add3A_634 : i32 to index
        %get3A_662 = arith.index_cast %add3A_660 : i32 to index
        %get3A_663 = tpu.vector_load %arg14[%get3A_661, %get3A_662] {strides = array<i32>} : memref<336x128xf32, #tpu.memory_space<vmem>>, vector<16xf32>,
        %mul3A_664 = arith.mulf %get3A_203, %get3A_663 : vector<16xf32>
        %add3A_665 = arith.addf %add3A_658, %mul3A_664 : vector<16xf32>
        %reduce_sum3A_666 = arith.constant true
        %reduce_sum3A_667 = vector.broadcast %reduce_sum3A_666 : i1 to vector<16xi1>
        %reduce_sum3A_668 = tpu.scan <sum>, %add3A_665 masked %reduce_sum3A_667 : vector<16xf32>, vector<16xi1> -> vector<16xf32>
        %reduce_sum3A_669 = vector.extract %reduce_sum3A_668[15] : f32 from vector<16xf32>
        %eq3A_670 = vector.broadcast %scan3A_159 : i32 to vector<16xi32>
        %eq3A_671 = arith.cmpi eq, %iota3A, %eq3A_670 : vector<16xi32>
        %broadcast_in_dim3A_672 = vector.broadcast %reduce_sum3A_669 : f32 to vector<16xf32>
        %select_n3A_673 = arith.select %eq3A_671, %broadcast_in_dim3A_672, %scan3A_170 : vector<16xi1>, vector<16xf32>
        %mul3A_674 = arith.constant 21 : i32
        %mul3A_675 = arith.muli %scan3A_159, %mul3A_674 : i32
        %add3A_676 = arith.constant 11 : i32
        %add3A_677 = arith.addi %mul3A_675, %add3A_676 : i32
        %get3A_678 = arith.index_cast %add3A_677 : i32 to index
        %get3A_679 = tpu.vector_load %arg12[%get3A_678] {strides = array<i32>} : memref<352xi32, #tpu.memory_space<vmem>>, vector<16xi32>,
        %slice3A_680 = vector.extract_strided_slice %get3A_679 {offsets = [0], sizes = [1], strides = [1]} : vector<16xi32> to vector<1xi32>
        %squeeze3A_681 = vector.extract %slice3A_680[0] : i32 from vector<1xi32>
        %mul3A_682 = arith.constant 64 : i32
        %mul3A_683 = arith.muli %squeeze3A_681, %mul3A_682 : i32
        %get3A_684 = arith.index_cast %add3A_677 : i32 to index
        %get3A_685 = arith.index_cast %mul3A_683 : i32 to index
        %get3A_686 = tpu.vector_load %arg14[%get3A_684, %get3A_685] {strides = array<i32>} : memref<336x128xf32, #tpu.memory_space<vmem>>, vector<16xf32>,
        %mul3A_687 = arith.mulf %get3A_188, %get3A_686 : vector<16xf32>
        %add3A_688 = arith.constant 16 : i32
        %add3A_689 = arith.addi %mul3A_683, %add3A_688 : i32
        %get3A_690 = arith.index_cast %add3A_677 : i32 to index
        %get3A_691 = arith.index_cast %add3A_689 : i32 to index
        %get3A_692 = tpu.vector_load %arg14[%get3A_690, %get3A_691] {strides = array<i32>} : memref<336x128xf32, #tpu.memory_space<vmem>>, vector<16xf32>,
        %mul3A_693 = arith.mulf %get3A_193, %get3A_692 : vector<16xf32>
        %add3A_694 = arith.addf %mul3A_687, %mul3A_693 : vector<16xf32>
        %add3A_695 = arith.constant 32 : i32
        %add3A_696 = arith.addi %mul3A_683, %add3A_695 : i32
        %get3A_697 = arith.index_cast %add3A_677 : i32 to index
        %get3A_698 = arith.index_cast %add3A_696 : i32 to index
        %get3A_699 = tpu.vector_load %arg14[%get3A_697, %get3A_698] {strides = array<i32>} : memref<336x128xf32, #tpu.memory_space<vmem>>, vector<16xf32>,
        %mul3A_700 = arith.mulf %get3A_198, %get3A_699 : vector<16xf32>
        %add3A_701 = arith.addf %add3A_694, %mul3A_700 : vector<16xf32>
        %add3A_702 = arith.constant 48 : i32
        %add3A_703 = arith.addi %mul3A_683, %add3A_702 : i32
        %get3A_704 = arith.index_cast %add3A_677 : i32 to index
        %get3A_705 = arith.index_cast %add3A_703 : i32 to index
        %get3A_706 = tpu.vector_load %arg14[%get3A_704, %get3A_705] {strides = array<i32>} : memref<336x128xf32, #tpu.memory_space<vmem>>, vector<16xf32>,
        %mul3A_707 = arith.mulf %get3A_203, %get3A_706 : vector<16xf32>
        %add3A_708 = arith.addf %add3A_701, %mul3A_707 : vector<16xf32>
        %reduce_sum3A_709 = arith.constant true
        %reduce_sum3A_710 = vector.broadcast %reduce_sum3A_709 : i1 to vector<16xi1>
        %reduce_sum3A_711 = tpu.scan <sum>, %add3A_708 masked %reduce_sum3A_710 : vector<16xf32>, vector<16xi1> -> vector<16xf32>
        %reduce_sum3A_712 = vector.extract %reduce_sum3A_711[15] : f32 from vector<16xf32>
        %eq3A_713 = vector.broadcast %scan3A_159 : i32 to vector<16xi32>
        %eq3A_714 = arith.cmpi eq, %iota3A, %eq3A_713 : vector<16xi32>
        %broadcast_in_dim3A_715 = vector.broadcast %reduce_sum3A_712 : f32 to vector<16xf32>
        %select_n3A_716 = arith.select %eq3A_714, %broadcast_in_dim3A_715, %scan3A_171 : vector<16xi1>, vector<16xf32>
        %mul3A_717 = arith.constant 21 : i32
        %mul3A_718 = arith.muli %scan3A_159, %mul3A_717 : i32
        %add3A_719 = arith.constant 12 : i32
        %add3A_720 = arith.addi %mul3A_718, %add3A_719 : i32
        %get3A_721 = arith.index_cast %add3A_720 : i32 to index
        %get3A_722 = tpu.vector_load %arg12[%get3A_721] {strides = array<i32>} : memref<352xi32, #tpu.memory_space<vmem>>, vector<16xi32>,
        %slice3A_723 = vector.extract_strided_slice %get3A_722 {offsets = [0], sizes = [1], strides = [1]} : vector<16xi32> to vector<1xi32>
        %squeeze3A_724 = vector.extract %slice3A_723[0] : i32 from vector<1xi32>
        %mul3A_725 = arith.constant 64 : i32
        %mul3A_726 = arith.muli %squeeze3A_724, %mul3A_725 : i32
        %get3A_727 = arith.index_cast %add3A_720 : i32 to index
        %get3A_728 = arith.index_cast %mul3A_726 : i32 to index
        %get3A_729 = tpu.vector_load %arg14[%get3A_727, %get3A_728] {strides = array<i32>} : memref<336x128xf32, #tpu.memory_space<vmem>>, vector<16xf32>,
        %mul3A_730 = arith.mulf %get3A_188, %get3A_729 : vector<16xf32>
        %add3A_731 = arith.constant 16 : i32
        %add3A_732 = arith.addi %mul3A_726, %add3A_731 : i32
        %get3A_733 = arith.index_cast %add3A_720 : i32 to index
        %get3A_734 = arith.index_cast %add3A_732 : i32 to index
        %get3A_735 = tpu.vector_load %arg14[%get3A_733, %get3A_734] {strides = array<i32>} : memref<336x128xf32, #tpu.memory_space<vmem>>, vector<16xf32>,
        %mul3A_736 = arith.mulf %get3A_193, %get3A_735 : vector<16xf32>
        %add3A_737 = arith.addf %mul3A_730, %mul3A_736 : vector<16xf32>
        %add3A_738 = arith.constant 32 : i32
        %add3A_739 = arith.addi %mul3A_726, %add3A_738 : i32
        %get3A_740 = arith.index_cast %add3A_720 : i32 to index
        %get3A_741 = arith.index_cast %add3A_739 : i32 to index
        %get3A_742 = tpu.vector_load %arg14[%get3A_740, %get3A_741] {strides = array<i32>} : memref<336x128xf32, #tpu.memory_space<vmem>>, vector<16xf32>,
        %mul3A_743 = arith.mulf %get3A_198, %get3A_742 : vector<16xf32>
        %add3A_744 = arith.addf %add3A_737, %mul3A_743 : vector<16xf32>
        %add3A_745 = arith.constant 48 : i32
        %add3A_746 = arith.addi %mul3A_726, %add3A_745 : i32
        %get3A_747 = arith.index_cast %add3A_720 : i32 to index
        %get3A_748 = arith.index_cast %add3A_746 : i32 to index
        %get3A_749 = tpu.vector_load %arg14[%get3A_747, %get3A_748] {strides = array<i32>} : memref<336x128xf32, #tpu.memory_space<vmem>>, vector<16xf32>,
        %mul3A_750 = arith.mulf %get3A_203, %get3A_749 : vector<16xf32>
        %add3A_751 = arith.addf %add3A_744, %mul3A_750 : vector<16xf32>
        %reduce_sum3A_752 = arith.constant true
        %reduce_sum3A_753 = vector.broadcast %reduce_sum3A_752 : i1 to vector<16xi1>
        %reduce_sum3A_754 = tpu.scan <sum>, %add3A_751 masked %reduce_sum3A_753 : vector<16xf32>, vector<16xi1> -> vector<16xf32>
        %reduce_sum3A_755 = vector.extract %reduce_sum3A_754[15] : f32 from vector<16xf32>
        %eq3A_756 = vector.broadcast %scan3A_159 : i32 to vector<16xi32>
        %eq3A_757 = arith.cmpi eq, %iota3A, %eq3A_756 : vector<16xi32>
        %broadcast_in_dim3A_758 = vector.broadcast %reduce_sum3A_755 : f32 to vector<16xf32>
        %select_n3A_759 = arith.select %eq3A_757, %broadcast_in_dim3A_758, %scan3A_172 : vector<16xi1>, vector<16xf32>
        %mul3A_760 = arith.constant 21 : i32
        %mul3A_761 = arith.muli %scan3A_159, %mul3A_760 : i32
        %add3A_762 = arith.constant 13 : i32
        %add3A_763 = arith.addi %mul3A_761, %add3A_762 : i32
        %get3A_764 = arith.index_cast %add3A_763 : i32 to index
        %get3A_765 = tpu.vector_load %arg12[%get3A_764] {strides = array<i32>} : memref<352xi32, #tpu.memory_space<vmem>>, vector<16xi32>,
        %slice3A_766 = vector.extract_strided_slice %get3A_765 {offsets = [0], sizes = [1], strides = [1]} : vector<16xi32> to vector<1xi32>
        %squeeze3A_767 = vector.extract %slice3A_766[0] : i32 from vector<1xi32>
        %mul3A_768 = arith.constant 64 : i32
        %mul3A_769 = arith.muli %squeeze3A_767, %mul3A_768 : i32
        %get3A_770 = arith.index_cast %add3A_763 : i32 to index
        %get3A_771 = arith.index_cast %mul3A_769 : i32 to index
        %get3A_772 = tpu.vector_load %arg14[%get3A_770, %get3A_771] {strides = array<i32>} : memref<336x128xf32, #tpu.memory_space<vmem>>, vector<16xf32>,
        %mul3A_773 = arith.mulf %get3A_188, %get3A_772 : vector<16xf32>
        %add3A_774 = arith.constant 16 : i32
        %add3A_775 = arith.addi %mul3A_769, %add3A_774 : i32
        %get3A_776 = arith.index_cast %add3A_763 : i32 to index
        %get3A_777 = arith.index_cast %add3A_775 : i32 to index
        %get3A_778 = tpu.vector_load %arg14[%get3A_776, %get3A_777] {strides = array<i32>} : memref<336x128xf32, #tpu.memory_space<vmem>>, vector<16xf32>,
        %mul3A_779 = arith.mulf %get3A_193, %get3A_778 : vector<16xf32>
        %add3A_780 = arith.addf %mul3A_773, %mul3A_779 : vector<16xf32>
        %add3A_781 = arith.constant 32 : i32
        %add3A_782 = arith.addi %mul3A_769, %add3A_781 : i32
        %get3A_783 = arith.index_cast %add3A_763 : i32 to index
        %get3A_784 = arith.index_cast %add3A_782 : i32 to index
        %get3A_785 = tpu.vector_load %arg14[%get3A_783, %get3A_784] {strides = array<i32>} : memref<336x128xf32, #tpu.memory_space<vmem>>, vector<16xf32>,
        %mul3A_786 = arith.mulf %get3A_198, %get3A_785 : vector<16xf32>
        %add3A_787 = arith.addf %add3A_780, %mul3A_786 : vector<16xf32>
        %add3A_788 = arith.constant 48 : i32
        %add3A_789 = arith.addi %mul3A_769, %add3A_788 : i32
        %get3A_790 = arith.index_cast %add3A_763 : i32 to index
        %get3A_791 = arith.index_cast %add3A_789 : i32 to index
        %get3A_792 = tpu.vector_load %arg14[%get3A_790, %get3A_791] {strides = array<i32>} : memref<336x128xf32, #tpu.memory_space<vmem>>, vector<16xf32>,
        %mul3A_793 = arith.mulf %get3A_203, %get3A_792 : vector<16xf32>
        %add3A_794 = arith.addf %add3A_787, %mul3A_793 : vector<16xf32>
        %reduce_sum3A_795 = arith.constant true
        %reduce_sum3A_796 = vector.broadcast %reduce_sum3A_795 : i1 to vector<16xi1>
        %reduce_sum3A_797 = tpu.scan <sum>, %add3A_794 masked %reduce_sum3A_796 : vector<16xf32>, vector<16xi1> -> vector<16xf32>
        %reduce_sum3A_798 = vector.extract %reduce_sum3A_797[15] : f32 from vector<16xf32>
        %eq3A_799 = vector.broadcast %scan3A_159 : i32 to vector<16xi32>
        %eq3A_800 = arith.cmpi eq, %iota3A, %eq3A_799 : vector<16xi32>
        %broadcast_in_dim3A_801 = vector.broadcast %reduce_sum3A_798 : f32 to vector<16xf32>
        %select_n3A_802 = arith.select %eq3A_800, %broadcast_in_dim3A_801, %scan3A_173 : vector<16xi1>, vector<16xf32>
        %mul3A_803 = arith.constant 21 : i32
        %mul3A_804 = arith.muli %scan3A_159, %mul3A_803 : i32
        %add3A_805 = arith.constant 14 : i32
        %add3A_806 = arith.addi %mul3A_804, %add3A_805 : i32
        %get3A_807 = arith.index_cast %add3A_806 : i32 to index
        %get3A_808 = tpu.vector_load %arg12[%get3A_807] {strides = array<i32>} : memref<352xi32, #tpu.memory_space<vmem>>, vector<16xi32>,
        %slice3A_809 = vector.extract_strided_slice %get3A_808 {offsets = [0], sizes = [1], strides = [1]} : vector<16xi32> to vector<1xi32>
        %squeeze3A_810 = vector.extract %slice3A_809[0] : i32 from vector<1xi32>
        %mul3A_811 = arith.constant 64 : i32
        %mul3A_812 = arith.muli %squeeze3A_810, %mul3A_811 : i32
        %get3A_813 = arith.index_cast %add3A_806 : i32 to index
        %get3A_814 = arith.index_cast %mul3A_812 : i32 to index
        %get3A_815 = tpu.vector_load %arg14[%get3A_813, %get3A_814] {strides = array<i32>} : memref<336x128xf32, #tpu.memory_space<vmem>>, vector<16xf32>,
        %mul3A_816 = arith.mulf %get3A_188, %get3A_815 : vector<16xf32>
        %add3A_817 = arith.constant 16 : i32
        %add3A_818 = arith.addi %mul3A_812, %add3A_817 : i32
        %get3A_819 = arith.index_cast %add3A_806 : i32 to index
        %get3A_820 = arith.index_cast %add3A_818 : i32 to index
        %get3A_821 = tpu.vector_load %arg14[%get3A_819, %get3A_820] {strides = array<i32>} : memref<336x128xf32, #tpu.memory_space<vmem>>, vector<16xf32>,
        %mul3A_822 = arith.mulf %get3A_193, %get3A_821 : vector<16xf32>
        %add3A_823 = arith.addf %mul3A_816, %mul3A_822 : vector<16xf32>
        %add3A_824 = arith.constant 32 : i32
        %add3A_825 = arith.addi %mul3A_812, %add3A_824 : i32
        %get3A_826 = arith.index_cast %add3A_806 : i32 to index
        %get3A_827 = arith.index_cast %add3A_825 : i32 to index
        %get3A_828 = tpu.vector_load %arg14[%get3A_826, %get3A_827] {strides = array<i32>} : memref<336x128xf32, #tpu.memory_space<vmem>>, vector<16xf32>,
        %mul3A_829 = arith.mulf %get3A_198, %get3A_828 : vector<16xf32>
        %add3A_830 = arith.addf %add3A_823, %mul3A_829 : vector<16xf32>
        %add3A_831 = arith.constant 48 : i32
        %add3A_832 = arith.addi %mul3A_812, %add3A_831 : i32
        %get3A_833 = arith.index_cast %add3A_806 : i32 to index
        %get3A_834 = arith.index_cast %add3A_832 : i32 to index
        %get3A_835 = tpu.vector_load %arg14[%get3A_833, %get3A_834] {strides = array<i32>} : memref<336x128xf32, #tpu.memory_space<vmem>>, vector<16xf32>,
        %mul3A_836 = arith.mulf %get3A_203, %get3A_835 : vector<16xf32>
        %add3A_837 = arith.addf %add3A_830, %mul3A_836 : vector<16xf32>
        %reduce_sum3A_838 = arith.constant true
        %reduce_sum3A_839 = vector.broadcast %reduce_sum3A_838 : i1 to vector<16xi1>
        %reduce_sum3A_840 = tpu.scan <sum>, %add3A_837 masked %reduce_sum3A_839 : vector<16xf32>, vector<16xi1> -> vector<16xf32>
        %reduce_sum3A_841 = vector.extract %reduce_sum3A_840[15] : f32 from vector<16xf32>
        %eq3A_842 = vector.broadcast %scan3A_159 : i32 to vector<16xi32>
        %eq3A_843 = arith.cmpi eq, %iota3A, %eq3A_842 : vector<16xi32>
        %broadcast_in_dim3A_844 = vector.broadcast %reduce_sum3A_841 : f32 to vector<16xf32>
        %select_n3A_845 = arith.select %eq3A_843, %broadcast_in_dim3A_844, %scan3A_174 : vector<16xi1>, vector<16xf32>
        %mul3A_846 = arith.constant 21 : i32
        %mul3A_847 = arith.muli %scan3A_159, %mul3A_846 : i32
        %add3A_848 = arith.constant 15 : i32
        %add3A_849 = arith.addi %mul3A_847, %add3A_848 : i32
        %get3A_850 = arith.index_cast %add3A_849 : i32 to index
        %get3A_851 = tpu.vector_load %arg12[%get3A_850] {strides = array<i32>} : memref<352xi32, #tpu.memory_space<vmem>>, vector<16xi32>,
        %slice3A_852 = vector.extract_strided_slice %get3A_851 {offsets = [0], sizes = [1], strides = [1]} : vector<16xi32> to vector<1xi32>
        %squeeze3A_853 = vector.extract %slice3A_852[0] : i32 from vector<1xi32>
        %mul3A_854 = arith.constant 64 : i32
        %mul3A_855 = arith.muli %squeeze3A_853, %mul3A_854 : i32
        %get3A_856 = arith.index_cast %add3A_849 : i32 to index
        %get3A_857 = arith.index_cast %mul3A_855 : i32 to index
        %get3A_858 = tpu.vector_load %arg14[%get3A_856, %get3A_857] {strides = array<i32>} : memref<336x128xf32, #tpu.memory_space<vmem>>, vector<16xf32>,
        %mul3A_859 = arith.mulf %get3A_188, %get3A_858 : vector<16xf32>
        %add3A_860 = arith.constant 16 : i32
        %add3A_861 = arith.addi %mul3A_855, %add3A_860 : i32
        %get3A_862 = arith.index_cast %add3A_849 : i32 to index
        %get3A_863 = arith.index_cast %add3A_861 : i32 to index
        %get3A_864 = tpu.vector_load %arg14[%get3A_862, %get3A_863] {strides = array<i32>} : memref<336x128xf32, #tpu.memory_space<vmem>>, vector<16xf32>,
        %mul3A_865 = arith.mulf %get3A_193, %get3A_864 : vector<16xf32>
        %add3A_866 = arith.addf %mul3A_859, %mul3A_865 : vector<16xf32>
        %add3A_867 = arith.constant 32 : i32
        %add3A_868 = arith.addi %mul3A_855, %add3A_867 : i32
        %get3A_869 = arith.index_cast %add3A_849 : i32 to index
        %get3A_870 = arith.index_cast %add3A_868 : i32 to index
        %get3A_871 = tpu.vector_load %arg14[%get3A_869, %get3A_870] {strides = array<i32>} : memref<336x128xf32, #tpu.memory_space<vmem>>, vector<16xf32>,
        %mul3A_872 = arith.mulf %get3A_198, %get3A_871 : vector<16xf32>
        %add3A_873 = arith.addf %add3A_866, %mul3A_872 : vector<16xf32>
        %add3A_874 = arith.constant 48 : i32
        %add3A_875 = arith.addi %mul3A_855, %add3A_874 : i32
        %get3A_876 = arith.index_cast %add3A_849 : i32 to index
        %get3A_877 = arith.index_cast %add3A_875 : i32 to index
        %get3A_878 = tpu.vector_load %arg14[%get3A_876, %get3A_877] {strides = array<i32>} : memref<336x128xf32, #tpu.memory_space<vmem>>, vector<16xf32>,
        %mul3A_879 = arith.mulf %get3A_203, %get3A_878 : vector<16xf32>
        %add3A_880 = arith.addf %add3A_873, %mul3A_879 : vector<16xf32>
        %reduce_sum3A_881 = arith.constant true
        %reduce_sum3A_882 = vector.broadcast %reduce_sum3A_881 : i1 to vector<16xi1>
        %reduce_sum3A_883 = tpu.scan <sum>, %add3A_880 masked %reduce_sum3A_882 : vector<16xf32>, vector<16xi1> -> vector<16xf32>
        %reduce_sum3A_884 = vector.extract %reduce_sum3A_883[15] : f32 from vector<16xf32>
        %eq3A_885 = vector.broadcast %scan3A_159 : i32 to vector<16xi32>
        %eq3A_886 = arith.cmpi eq, %iota3A, %eq3A_885 : vector<16xi32>
        %broadcast_in_dim3A_887 = vector.broadcast %reduce_sum3A_884 : f32 to vector<16xf32>
        %select_n3A_888 = arith.select %eq3A_886, %broadcast_in_dim3A_887, %scan3A_175 : vector<16xi1>, vector<16xf32>
        %mul3A_889 = arith.constant 21 : i32
        %mul3A_890 = arith.muli %scan3A_159, %mul3A_889 : i32
        %add3A_891 = arith.constant 16 : i32
        %add3A_892 = arith.addi %mul3A_890, %add3A_891 : i32
        %get3A_893 = arith.index_cast %add3A_892 : i32 to index
        %get3A_894 = tpu.vector_load %arg12[%get3A_893] {strides = array<i32>} : memref<352xi32, #tpu.memory_space<vmem>>, vector<16xi32>,
        %slice3A_895 = vector.extract_strided_slice %get3A_894 {offsets = [0], sizes = [1], strides = [1]} : vector<16xi32> to vector<1xi32>
        %squeeze3A_896 = vector.extract %slice3A_895[0] : i32 from vector<1xi32>
        %mul3A_897 = arith.constant 64 : i32
        %mul3A_898 = arith.muli %squeeze3A_896, %mul3A_897 : i32
        %get3A_899 = arith.index_cast %add3A_892 : i32 to index
        %get3A_900 = arith.index_cast %mul3A_898 : i32 to index
        %get3A_901 = tpu.vector_load %arg14[%get3A_899, %get3A_900] {strides = array<i32>} : memref<336x128xf32, #tpu.memory_space<vmem>>, vector<16xf32>,
        %mul3A_902 = arith.mulf %get3A_188, %get3A_901 : vector<16xf32>
        %add3A_903 = arith.constant 16 : i32
        %add3A_904 = arith.addi %mul3A_898, %add3A_903 : i32
        %get3A_905 = arith.index_cast %add3A_892 : i32 to index
        %get3A_906 = arith.index_cast %add3A_904 : i32 to index
        %get3A_907 = tpu.vector_load %arg14[%get3A_905, %get3A_906] {strides = array<i32>} : memref<336x128xf32, #tpu.memory_space<vmem>>, vector<16xf32>,
        %mul3A_908 = arith.mulf %get3A_193, %get3A_907 : vector<16xf32>
        %add3A_909 = arith.addf %mul3A_902, %mul3A_908 : vector<16xf32>
        %add3A_910 = arith.constant 32 : i32
        %add3A_911 = arith.addi %mul3A_898, %add3A_910 : i32
        %get3A_912 = arith.index_cast %add3A_892 : i32 to index
        %get3A_913 = arith.index_cast %add3A_911 : i32 to index
        %get3A_914 = tpu.vector_load %arg14[%get3A_912, %get3A_913] {strides = array<i32>} : memref<336x128xf32, #tpu.memory_space<vmem>>, vector<16xf32>,
        %mul3A_915 = arith.mulf %get3A_198, %get3A_914 : vector<16xf32>
        %add3A_916 = arith.addf %add3A_909, %mul3A_915 : vector<16xf32>
        %add3A_917 = arith.constant 48 : i32
        %add3A_918 = arith.addi %mul3A_898, %add3A_917 : i32
        %get3A_919 = arith.index_cast %add3A_892 : i32 to index
        %get3A_920 = arith.index_cast %add3A_918 : i32 to index
        %get3A_921 = tpu.vector_load %arg14[%get3A_919, %get3A_920] {strides = array<i32>} : memref<336x128xf32, #tpu.memory_space<vmem>>, vector<16xf32>,
        %mul3A_922 = arith.mulf %get3A_203, %get3A_921 : vector<16xf32>
        %add3A_923 = arith.addf %add3A_916, %mul3A_922 : vector<16xf32>
        %reduce_sum3A_924 = arith.constant true
        %reduce_sum3A_925 = vector.broadcast %reduce_sum3A_924 : i1 to vector<16xi1>
        %reduce_sum3A_926 = tpu.scan <sum>, %add3A_923 masked %reduce_sum3A_925 : vector<16xf32>, vector<16xi1> -> vector<16xf32>
        %reduce_sum3A_927 = vector.extract %reduce_sum3A_926[15] : f32 from vector<16xf32>
        %eq3A_928 = vector.broadcast %scan3A_159 : i32 to vector<16xi32>
        %eq3A_929 = arith.cmpi eq, %iota3A, %eq3A_928 : vector<16xi32>
        %broadcast_in_dim3A_930 = vector.broadcast %reduce_sum3A_927 : f32 to vector<16xf32>
        %select_n3A_931 = arith.select %eq3A_929, %broadcast_in_dim3A_930, %scan3A_176 : vector<16xi1>, vector<16xf32>
        %mul3A_932 = arith.constant 21 : i32
        %mul3A_933 = arith.muli %scan3A_159, %mul3A_932 : i32
        %add3A_934 = arith.constant 17 : i32
        %add3A_935 = arith.addi %mul3A_933, %add3A_934 : i32
        %get3A_936 = arith.index_cast %add3A_935 : i32 to index
        %get3A_937 = tpu.vector_load %arg12[%get3A_936] {strides = array<i32>} : memref<352xi32, #tpu.memory_space<vmem>>, vector<16xi32>,
        %slice3A_938 = vector.extract_strided_slice %get3A_937 {offsets = [0], sizes = [1], strides = [1]} : vector<16xi32> to vector<1xi32>
        %squeeze3A_939 = vector.extract %slice3A_938[0] : i32 from vector<1xi32>
        %mul3A_940 = arith.constant 64 : i32
        %mul3A_941 = arith.muli %squeeze3A_939, %mul3A_940 : i32
        %get3A_942 = arith.index_cast %add3A_935 : i32 to index
        %get3A_943 = arith.index_cast %mul3A_941 : i32 to index
        %get3A_944 = tpu.vector_load %arg14[%get3A_942, %get3A_943] {strides = array<i32>} : memref<336x128xf32, #tpu.memory_space<vmem>>, vector<16xf32>,
        %mul3A_945 = arith.mulf %get3A_188, %get3A_944 : vector<16xf32>
        %add3A_946 = arith.constant 16 : i32
        %add3A_947 = arith.addi %mul3A_941, %add3A_946 : i32
        %get3A_948 = arith.index_cast %add3A_935 : i32 to index
        %get3A_949 = arith.index_cast %add3A_947 : i32 to index
        %get3A_950 = tpu.vector_load %arg14[%get3A_948, %get3A_949] {strides = array<i32>} : memref<336x128xf32, #tpu.memory_space<vmem>>, vector<16xf32>,
        %mul3A_951 = arith.mulf %get3A_193, %get3A_950 : vector<16xf32>
        %add3A_952 = arith.addf %mul3A_945, %mul3A_951 : vector<16xf32>
        %add3A_953 = arith.constant 32 : i32
        %add3A_954 = arith.addi %mul3A_941, %add3A_953 : i32
        %get3A_955 = arith.index_cast %add3A_935 : i32 to index
        %get3A_956 = arith.index_cast %add3A_954 : i32 to index
        %get3A_957 = tpu.vector_load %arg14[%get3A_955, %get3A_956] {strides = array<i32>} : memref<336x128xf32, #tpu.memory_space<vmem>>, vector<16xf32>,
        %mul3A_958 = arith.mulf %get3A_198, %get3A_957 : vector<16xf32>
        %add3A_959 = arith.addf %add3A_952, %mul3A_958 : vector<16xf32>
        %add3A_960 = arith.constant 48 : i32
        %add3A_961 = arith.addi %mul3A_941, %add3A_960 : i32
        %get3A_962 = arith.index_cast %add3A_935 : i32 to index
        %get3A_963 = arith.index_cast %add3A_961 : i32 to index
        %get3A_964 = tpu.vector_load %arg14[%get3A_962, %get3A_963] {strides = array<i32>} : memref<336x128xf32, #tpu.memory_space<vmem>>, vector<16xf32>,
        %mul3A_965 = arith.mulf %get3A_203, %get3A_964 : vector<16xf32>
        %add3A_966 = arith.addf %add3A_959, %mul3A_965 : vector<16xf32>
        %reduce_sum3A_967 = arith.constant true
        %reduce_sum3A_968 = vector.broadcast %reduce_sum3A_967 : i1 to vector<16xi1>
        %reduce_sum3A_969 = tpu.scan <sum>, %add3A_966 masked %reduce_sum3A_968 : vector<16xf32>, vector<16xi1> -> vector<16xf32>
        %reduce_sum3A_970 = vector.extract %reduce_sum3A_969[15] : f32 from vector<16xf32>
        %eq3A_971 = vector.broadcast %scan3A_159 : i32 to vector<16xi32>
        %eq3A_972 = arith.cmpi eq, %iota3A, %eq3A_971 : vector<16xi32>
        %broadcast_in_dim3A_973 = vector.broadcast %reduce_sum3A_970 : f32 to vector<16xf32>
        %select_n3A_974 = arith.select %eq3A_972, %broadcast_in_dim3A_973, %scan3A_177 : vector<16xi1>, vector<16xf32>
        %mul3A_975 = arith.constant 21 : i32
        %mul3A_976 = arith.muli %scan3A_159, %mul3A_975 : i32
        %add3A_977 = arith.constant 18 : i32
        %add3A_978 = arith.addi %mul3A_976, %add3A_977 : i32
        %get3A_979 = arith.index_cast %add3A_978 : i32 to index
        %get3A_980 = tpu.vector_load %arg12[%get3A_979] {strides = array<i32>} : memref<352xi32, #tpu.memory_space<vmem>>, vector<16xi32>,
        %slice3A_981 = vector.extract_strided_slice %get3A_980 {offsets = [0], sizes = [1], strides = [1]} : vector<16xi32> to vector<1xi32>
        %squeeze3A_982 = vector.extract %slice3A_981[0] : i32 from vector<1xi32>
        %mul3A_983 = arith.constant 64 : i32
        %mul3A_984 = arith.muli %squeeze3A_982, %mul3A_983 : i32
        %get3A_985 = arith.index_cast %add3A_978 : i32 to index
        %get3A_986 = arith.index_cast %mul3A_984 : i32 to index
        %get3A_987 = tpu.vector_load %arg14[%get3A_985, %get3A_986] {strides = array<i32>} : memref<336x128xf32, #tpu.memory_space<vmem>>, vector<16xf32>,
        %mul3A_988 = arith.mulf %get3A_188, %get3A_987 : vector<16xf32>
        %add3A_989 = arith.constant 16 : i32
        %add3A_990 = arith.addi %mul3A_984, %add3A_989 : i32
        %get3A_991 = arith.index_cast %add3A_978 : i32 to index
        %get3A_992 = arith.index_cast %add3A_990 : i32 to index
        %get3A_993 = tpu.vector_load %arg14[%get3A_991, %get3A_992] {strides = array<i32>} : memref<336x128xf32, #tpu.memory_space<vmem>>, vector<16xf32>,
        %mul3A_994 = arith.mulf %get3A_193, %get3A_993 : vector<16xf32>
        %add3A_995 = arith.addf %mul3A_988, %mul3A_994 : vector<16xf32>
        %add3A_996 = arith.constant 32 : i32
        %add3A_997 = arith.addi %mul3A_984, %add3A_996 : i32
        %get3A_998 = arith.index_cast %add3A_978 : i32 to index
        %get3A_999 = arith.index_cast %add3A_997 : i32 to index
        %get3A_1000 = tpu.vector_load %arg14[%get3A_998, %get3A_999] {strides = array<i32>} : memref<336x128xf32, #tpu.memory_space<vmem>>, vector<16xf32>,
        %mul3A_1001 = arith.mulf %get3A_198, %get3A_1000 : vector<16xf32>
        %add3A_1002 = arith.addf %add3A_995, %mul3A_1001 : vector<16xf32>
        %add3A_1003 = arith.constant 48 : i32
        %add3A_1004 = arith.addi %mul3A_984, %add3A_1003 : i32
        %get3A_1005 = arith.index_cast %add3A_978 : i32 to index
        %get3A_1006 = arith.index_cast %add3A_1004 : i32 to index
        %get3A_1007 = tpu.vector_load %arg14[%get3A_1005, %get3A_1006] {strides = array<i32>} : memref<336x128xf32, #tpu.memory_space<vmem>>, vector<16xf32>,
        %mul3A_1008 = arith.mulf %get3A_203, %get3A_1007 : vector<16xf32>
        %add3A_1009 = arith.addf %add3A_1002, %mul3A_1008 : vector<16xf32>
        %reduce_sum3A_1010 = arith.constant true
        %reduce_sum3A_1011 = vector.broadcast %reduce_sum3A_1010 : i1 to vector<16xi1>
        %reduce_sum3A_1012 = tpu.scan <sum>, %add3A_1009 masked %reduce_sum3A_1011 : vector<16xf32>, vector<16xi1> -> vector<16xf32>
        %reduce_sum3A_1013 = vector.extract %reduce_sum3A_1012[15] : f32 from vector<16xf32>
        %eq3A_1014 = vector.broadcast %scan3A_159 : i32 to vector<16xi32>
        %eq3A_1015 = arith.cmpi eq, %iota3A, %eq3A_1014 : vector<16xi32>
        %broadcast_in_dim3A_1016 = vector.broadcast %reduce_sum3A_1013 : f32 to vector<16xf32>
        %select_n3A_1017 = arith.select %eq3A_1015, %broadcast_in_dim3A_1016, %scan3A_178 : vector<16xi1>, vector<16xf32>
        %mul3A_1018 = arith.constant 21 : i32
        %mul3A_1019 = arith.muli %scan3A_159, %mul3A_1018 : i32
        %add3A_1020 = arith.constant 19 : i32
        %add3A_1021 = arith.addi %mul3A_1019, %add3A_1020 : i32
        %get3A_1022 = arith.index_cast %add3A_1021 : i32 to index
        %get3A_1023 = tpu.vector_load %arg12[%get3A_1022] {strides = array<i32>} : memref<352xi32, #tpu.memory_space<vmem>>, vector<16xi32>,
        %slice3A_1024 = vector.extract_strided_slice %get3A_1023 {offsets = [0], sizes = [1], strides = [1]} : vector<16xi32> to vector<1xi32>
        %squeeze3A_1025 = vector.extract %slice3A_1024[0] : i32 from vector<1xi32>
        %mul3A_1026 = arith.constant 64 : i32
        %mul3A_1027 = arith.muli %squeeze3A_1025, %mul3A_1026 : i32
        %get3A_1028 = arith.index_cast %add3A_1021 : i32 to index
        %get3A_1029 = arith.index_cast %mul3A_1027 : i32 to index
        %get3A_1030 = tpu.vector_load %arg14[%get3A_1028, %get3A_1029] {strides = array<i32>} : memref<336x128xf32, #tpu.memory_space<vmem>>, vector<16xf32>,
        %mul3A_1031 = arith.mulf %get3A_188, %get3A_1030 : vector<16xf32>
        %add3A_1032 = arith.constant 16 : i32
        %add3A_1033 = arith.addi %mul3A_1027, %add3A_1032 : i32
        %get3A_1034 = arith.index_cast %add3A_1021 : i32 to index
        %get3A_1035 = arith.index_cast %add3A_1033 : i32 to index
        %get3A_1036 = tpu.vector_load %arg14[%get3A_1034, %get3A_1035] {strides = array<i32>} : memref<336x128xf32, #tpu.memory_space<vmem>>, vector<16xf32>,
        %mul3A_1037 = arith.mulf %get3A_193, %get3A_1036 : vector<16xf32>
        %add3A_1038 = arith.addf %mul3A_1031, %mul3A_1037 : vector<16xf32>
        %add3A_1039 = arith.constant 32 : i32
        %add3A_1040 = arith.addi %mul3A_1027, %add3A_1039 : i32
        %get3A_1041 = arith.index_cast %add3A_1021 : i32 to index
        %get3A_1042 = arith.index_cast %add3A_1040 : i32 to index
        %get3A_1043 = tpu.vector_load %arg14[%get3A_1041, %get3A_1042] {strides = array<i32>} : memref<336x128xf32, #tpu.memory_space<vmem>>, vector<16xf32>,
        %mul3A_1044 = arith.mulf %get3A_198, %get3A_1043 : vector<16xf32>
        %add3A_1045 = arith.addf %add3A_1038, %mul3A_1044 : vector<16xf32>
        %add3A_1046 = arith.constant 48 : i32
        %add3A_1047 = arith.addi %mul3A_1027, %add3A_1046 : i32
        %get3A_1048 = arith.index_cast %add3A_1021 : i32 to index
        %get3A_1049 = arith.index_cast %add3A_1047 : i32 to index
        %get3A_1050 = tpu.vector_load %arg14[%get3A_1048, %get3A_1049] {strides = array<i32>} : memref<336x128xf32, #tpu.memory_space<vmem>>, vector<16xf32>,
        %mul3A_1051 = arith.mulf %get3A_203, %get3A_1050 : vector<16xf32>
        %add3A_1052 = arith.addf %add3A_1045, %mul3A_1051 : vector<16xf32>
        %reduce_sum3A_1053 = arith.constant true
        %reduce_sum3A_1054 = vector.broadcast %reduce_sum3A_1053 : i1 to vector<16xi1>
        %reduce_sum3A_1055 = tpu.scan <sum>, %add3A_1052 masked %reduce_sum3A_1054 : vector<16xf32>, vector<16xi1> -> vector<16xf32>
        %reduce_sum3A_1056 = vector.extract %reduce_sum3A_1055[15] : f32 from vector<16xf32>
        %eq3A_1057 = vector.broadcast %scan3A_159 : i32 to vector<16xi32>
        %eq3A_1058 = arith.cmpi eq, %iota3A, %eq3A_1057 : vector<16xi32>
        %broadcast_in_dim3A_1059 = vector.broadcast %reduce_sum3A_1056 : f32 to vector<16xf32>
        %select_n3A_1060 = arith.select %eq3A_1058, %broadcast_in_dim3A_1059, %scan3A_179 : vector<16xi1>, vector<16xf32>
        %mul3A_1061 = arith.constant 21 : i32
        %mul3A_1062 = arith.muli %scan3A_159, %mul3A_1061 : i32
        %add3A_1063 = arith.constant 20 : i32
        %add3A_1064 = arith.addi %mul3A_1062, %add3A_1063 : i32
        %get3A_1065 = arith.index_cast %add3A_1064 : i32 to index
        %get3A_1066 = tpu.vector_load %arg12[%get3A_1065] {strides = array<i32>} : memref<352xi32, #tpu.memory_space<vmem>>, vector<16xi32>,
        %slice3A_1067 = vector.extract_strided_slice %get3A_1066 {offsets = [0], sizes = [1], strides = [1]} : vector<16xi32> to vector<1xi32>
        %squeeze3A_1068 = vector.extract %slice3A_1067[0] : i32 from vector<1xi32>
        %mul3A_1069 = arith.constant 64 : i32
        %mul3A_1070 = arith.muli %squeeze3A_1068, %mul3A_1069 : i32
        %get3A_1071 = arith.index_cast %add3A_1064 : i32 to index
        %get3A_1072 = arith.index_cast %mul3A_1070 : i32 to index
        %get3A_1073 = tpu.vector_load %arg14[%get3A_1071, %get3A_1072] {strides = array<i32>} : memref<336x128xf32, #tpu.memory_space<vmem>>, vector<16xf32>,
        %mul3A_1074 = arith.mulf %get3A_188, %get3A_1073 : vector<16xf32>
        %add3A_1075 = arith.constant 16 : i32
        %add3A_1076 = arith.addi %mul3A_1070, %add3A_1075 : i32
        %get3A_1077 = arith.index_cast %add3A_1064 : i32 to index
        %get3A_1078 = arith.index_cast %add3A_1076 : i32 to index
        %get3A_1079 = tpu.vector_load %arg14[%get3A_1077, %get3A_1078] {strides = array<i32>} : memref<336x128xf32, #tpu.memory_space<vmem>>, vector<16xf32>,
        %mul3A_1080 = arith.mulf %get3A_193, %get3A_1079 : vector<16xf32>
        %add3A_1081 = arith.addf %mul3A_1074, %mul3A_1080 : vector<16xf32>
        %add3A_1082 = arith.constant 32 : i32
        %add3A_1083 = arith.addi %mul3A_1070, %add3A_1082 : i32
        %get3A_1084 = arith.index_cast %add3A_1064 : i32 to index
        %get3A_1085 = arith.index_cast %add3A_1083 : i32 to index
        %get3A_1086 = tpu.vector_load %arg14[%get3A_1084, %get3A_1085] {strides = array<i32>} : memref<336x128xf32, #tpu.memory_space<vmem>>, vector<16xf32>,
        %mul3A_1087 = arith.mulf %get3A_198, %get3A_1086 : vector<16xf32>
        %add3A_1088 = arith.addf %add3A_1081, %mul3A_1087 : vector<16xf32>
        %add3A_1089 = arith.constant 48 : i32
        %add3A_1090 = arith.addi %mul3A_1070, %add3A_1089 : i32
        %get3A_1091 = arith.index_cast %add3A_1064 : i32 to index
        %get3A_1092 = arith.index_cast %add3A_1090 : i32 to index
        %get3A_1093 = tpu.vector_load %arg14[%get3A_1091, %get3A_1092] {strides = array<i32>} : memref<336x128xf32, #tpu.memory_space<vmem>>, vector<16xf32>,
        %mul3A_1094 = arith.mulf %get3A_203, %get3A_1093 : vector<16xf32>
        %add3A_1095 = arith.addf %add3A_1088, %mul3A_1094 : vector<16xf32>
        %reduce_sum3A_1096 = arith.constant true
        %reduce_sum3A_1097 = vector.broadcast %reduce_sum3A_1096 : i1 to vector<16xi1>
        %reduce_sum3A_1098 = tpu.scan <sum>, %add3A_1095 masked %reduce_sum3A_1097 : vector<16xf32>, vector<16xi1> -> vector<16xf32>
        %reduce_sum3A_1099 = vector.extract %reduce_sum3A_1098[15] : f32 from vector<16xf32>
        %eq3A_1100 = vector.broadcast %scan3A_159 : i32 to vector<16xi32>
        %eq3A_1101 = arith.cmpi eq, %iota3A, %eq3A_1100 : vector<16xi32>
        %broadcast_in_dim3A_1102 = vector.broadcast %reduce_sum3A_1099 : f32 to vector<16xf32>
        %select_n3A_1103 = arith.select %eq3A_1101, %broadcast_in_dim3A_1102, %scan3A_180 : vector<16xi1>, vector<16xf32>
        scf.yield %select_n3A, %select_n3A_286, %select_n3A_329, %select_n3A_372, %select_n3A_415, %select_n3A_458, %select_n3A_501, %select_n3A_544, %select_n3A_587, %select_n3A_630, %select_n3A_673, %select_n3A_716, %select_n3A_759, %select_n3A_802, %select_n3A_845, %select_n3A_888, %select_n3A_931, %select_n3A_974, %select_n3A_1017, %select_n3A_1060, %select_n3A_1103 : vector<16xf32>, vector<16xf32>, vector<16xf32>, vector<16xf32>, vector<16xf32>, vector<16xf32>, vector<16xf32>, vector<16xf32>, vector<16xf32>, vector<16xf32>, vector<16xf32>, vector<16xf32>, vector<16xf32>, vector<16xf32>, vector<16xf32>, vector<16xf32>, vector<16xf32>, vector<16xf32>, vector<16xf32>, vector<16xf32>, vector<16xf32>
      }
      %scan3A_114 = arith.constant 16 : i32
      %swap3A = arith.constant 0 : index
      %swap3A_115 = tpu.vector_load %arg15[%swap3A] {strides = array<i32>} : memref<336xf32, #tpu.memory_space<vmem>>, vector<16xf32>,
      tpu.vector_store %arg15[%swap3A], %scan3A_113#0 {strides = array<i32>} : memref<336xf32, #tpu.memory_space<vmem>>, vector<16xf32>,
      %swap3A_116 = arith.constant 16 : index
      %swap3A_117 = tpu.vector_load %arg15[%swap3A_116] {strides = array<i32>} : memref<336xf32, #tpu.memory_space<vmem>>, vector<16xf32>,
      tpu.vector_store %arg15[%swap3A_116], %scan3A_113#1 {strides = array<i32>} : memref<336xf32, #tpu.memory_space<vmem>>, vector<16xf32>,
      %swap3A_118 = arith.constant 32 : index
      %swap3A_119 = tpu.vector_load %arg15[%swap3A_118] {strides = array<i32>} : memref<336xf32, #tpu.memory_space<vmem>>, vector<16xf32>,
      tpu.vector_store %arg15[%swap3A_118], %scan3A_113#2 {strides = array<i32>} : memref<336xf32, #tpu.memory_space<vmem>>, vector<16xf32>,
      %swap3A_120 = arith.constant 48 : index
      %swap3A_121 = tpu.vector_load %arg15[%swap3A_120] {strides = array<i32>} : memref<336xf32, #tpu.memory_space<vmem>>, vector<16xf32>,
      tpu.vector_store %arg15[%swap3A_120], %scan3A_113#3 {strides = array<i32>} : memref<336xf32, #tpu.memory_space<vmem>>, vector<16xf32>,
      %swap3A_122 = arith.constant 64 : index
      %swap3A_123 = tpu.vector_load %arg15[%swap3A_122] {strides = array<i32>} : memref<336xf32, #tpu.memory_space<vmem>>, vector<16xf32>,
      tpu.vector_store %arg15[%swap3A_122], %scan3A_113#4 {strides = array<i32>} : memref<336xf32, #tpu.memory_space<vmem>>, vector<16xf32>,
      %swap3A_124 = arith.constant 80 : index
      %swap3A_125 = tpu.vector_load %arg15[%swap3A_124] {strides = array<i32>} : memref<336xf32, #tpu.memory_space<vmem>>, vector<16xf32>,
      tpu.vector_store %arg15[%swap3A_124], %scan3A_113#5 {strides = array<i32>} : memref<336xf32, #tpu.memory_space<vmem>>, vector<16xf32>,
      %swap3A_126 = arith.constant 96 : index
      %swap3A_127 = tpu.vector_load %arg15[%swap3A_126] {strides = array<i32>} : memref<336xf32, #tpu.memory_space<vmem>>, vector<16xf32>,
      tpu.vector_store %arg15[%swap3A_126], %scan3A_113#6 {strides = array<i32>} : memref<336xf32, #tpu.memory_space<vmem>>, vector<16xf32>,
      %swap3A_128 = arith.constant 112 : index
      %swap3A_129 = tpu.vector_load %arg15[%swap3A_128] {strides = array<i32>} : memref<336xf32, #tpu.memory_space<vmem>>, vector<16xf32>,
      tpu.vector_store %arg15[%swap3A_128], %scan3A_113#7 {strides = array<i32>} : memref<336xf32, #tpu.memory_space<vmem>>, vector<16xf32>,
      %swap3A_130 = arith.constant 128 : index
      %swap3A_131 = tpu.vector_load %arg15[%swap3A_130] {strides = array<i32>} : memref<336xf32, #tpu.memory_space<vmem>>, vector<16xf32>,
      tpu.vector_store %arg15[%swap3A_130], %scan3A_113#8 {strides = array<i32>} : memref<336xf32, #tpu.memory_space<vmem>>, vector<16xf32>,
      %swap3A_132 = arith.constant 144 : index
      %swap3A_133 = tpu.vector_load %arg15[%swap3A_132] {strides = array<i32>} : memref<336xf32, #tpu.memory_space<vmem>>, vector<16xf32>,
      tpu.vector_store %arg15[%swap3A_132], %scan3A_113#9 {strides = array<i32>} : memref<336xf32, #tpu.memory_space<vmem>>, vector<16xf32>,
      %swap3A_134 = arith.constant 160 : index
      %swap3A_135 = tpu.vector_load %arg15[%swap3A_134] {strides = array<i32>} : memref<336xf32, #tpu.memory_space<vmem>>, vector<16xf32>,
      tpu.vector_store %arg15[%swap3A_134], %scan3A_113#10 {strides = array<i32>} : memref<336xf32, #tpu.memory_space<vmem>>, vector<16xf32>,
      %swap3A_136 = arith.constant 176 : index
      %swap3A_137 = tpu.vector_load %arg15[%swap3A_136] {strides = array<i32>} : memref<336xf32, #tpu.memory_space<vmem>>, vector<16xf32>,
      tpu.vector_store %arg15[%swap3A_136], %scan3A_113#11 {strides = array<i32>} : memref<336xf32, #tpu.memory_space<vmem>>, vector<16xf32>,
      %swap3A_138 = arith.constant 192 : index
      %swap3A_139 = tpu.vector_load %arg15[%swap3A_138] {strides = array<i32>} : memref<336xf32, #tpu.memory_space<vmem>>, vector<16xf32>,
      tpu.vector_store %arg15[%swap3A_138], %scan3A_113#12 {strides = array<i32>} : memref<336xf32, #tpu.memory_space<vmem>>, vector<16xf32>,
      %swap3A_140 = arith.constant 208 : index
      %swap3A_141 = tpu.vector_load %arg15[%swap3A_140] {strides = array<i32>} : memref<336xf32, #tpu.memory_space<vmem>>, vector<16xf32>,
      tpu.vector_store %arg15[%swap3A_140], %scan3A_113#13 {strides = array<i32>} : memref<336xf32, #tpu.memory_space<vmem>>, vector<16xf32>,
      %swap3A_142 = arith.constant 224 : index
      %swap3A_143 = tpu.vector_load %arg15[%swap3A_142] {strides = array<i32>} : memref<336xf32, #tpu.memory_space<vmem>>, vector<16xf32>,
      tpu.vector_store %arg15[%swap3A_142], %scan3A_113#14 {strides = array<i32>} : memref<336xf32, #tpu.memory_space<vmem>>, vector<16xf32>,
      %swap3A_144 = arith.constant 240 : index
      %swap3A_145 = tpu.vector_load %arg15[%swap3A_144] {strides = array<i32>} : memref<336xf32, #tpu.memory_space<vmem>>, vector<16xf32>,
      tpu.vector_store %arg15[%swap3A_144], %scan3A_113#15 {strides = array<i32>} : memref<336xf32, #tpu.memory_space<vmem>>, vector<16xf32>,
      %swap3A_146 = arith.constant 256 : index
      %swap3A_147 = tpu.vector_load %arg15[%swap3A_146] {strides = array<i32>} : memref<336xf32, #tpu.memory_space<vmem>>, vector<16xf32>,
      tpu.vector_store %arg15[%swap3A_146], %scan3A_113#16 {strides = array<i32>} : memref<336xf32, #tpu.memory_space<vmem>>, vector<16xf32>,
      %swap3A_148 = arith.constant 272 : index
      %swap3A_149 = tpu.vector_load %arg15[%swap3A_148] {strides = array<i32>} : memref<336xf32, #tpu.memory_space<vmem>>, vector<16xf32>,
      tpu.vector_store %arg15[%swap3A_148], %scan3A_113#17 {strides = array<i32>} : memref<336xf32, #tpu.memory_space<vmem>>, vector<16xf32>,
      %swap3A_150 = arith.constant 288 : index
      %swap3A_151 = tpu.vector_load %arg15[%swap3A_150] {strides = array<i32>} : memref<336xf32, #tpu.memory_space<vmem>>, vector<16xf32>,
      tpu.vector_store %arg15[%swap3A_150], %scan3A_113#18 {strides = array<i32>} : memref<336xf32, #tpu.memory_space<vmem>>, vector<16xf32>,
      %swap3A_152 = arith.constant 304 : index
      %swap3A_153 = tpu.vector_load %arg15[%swap3A_152] {strides = array<i32>} : memref<336xf32, #tpu.memory_space<vmem>>, vector<16xf32>,
      tpu.vector_store %arg15[%swap3A_152], %scan3A_113#19 {strides = array<i32>} : memref<336xf32, #tpu.memory_space<vmem>>, vector<16xf32>,
      %swap3A_154 = arith.constant 320 : index
      %swap3A_155 = tpu.vector_load %arg15[%swap3A_154] {strides = array<i32>} : memref<336xf32, #tpu.memory_space<vmem>>, vector<16xf32>,
      tpu.vector_store %arg15[%swap3A_154], %scan3A_113#20 {strides = array<i32>} : memref<336xf32, #tpu.memory_space<vmem>>, vector<16xf32>,
      %mul3A_156 = arith.constant 32 : i32
      %mul3A_157 = arith.muli %add3A, %mul3A_156 : i32
      %add3A_158 = arith.addi %mul3A_157, %scan3A_6 : i32
      "tpu.region"() ({
        %run_scoped3A = tpu.sem_alloc : memref<!tpu.dma_semaphore, #tpu.memory_space<semaphore_mem>>
        %dma_start3A_159 = arith.constant 0 : i32
        %dma_start3A_160 = tpu.memref_slice %arg8[%add3A_158, %dma_start3A_159] : memref<1024x336xf32, #tpu.memory_space<hbm>> -> memref<1x336xf32, #tpu.memory_space<hbm>>
        %dma_start3A_161 = tpu.memref_squeeze %dma_start3A_160 : memref<1x336xf32, #tpu.memory_space<hbm>> -> memref<336xf32, #tpu.memory_space<hbm>>
        %dma_start3A_162 = arith.constant 0 : i32
        %dma_start3A_163 = tpu.memref_slice %arg8[%add3A_158, %dma_start3A_162] : memref<1024x336xf32, #tpu.memory_space<hbm>> -> memref<1x336xf32, #tpu.memory_space<hbm>>
        %dma_start3A_164 = tpu.memref_squeeze %dma_start3A_163 : memref<1x336xf32, #tpu.memory_space<hbm>> -> memref<336xf32, #tpu.memory_space<hbm>>
        tpu.enqueue_dma source(%arg15 : memref<336xf32, #tpu.memory_space<vmem>>) target(%dma_start3A_164 : memref<336xf32, #tpu.memory_space<hbm>>) target_semaphore(%run_scoped3A : memref<!tpu.dma_semaphore, #tpu.memory_space<semaphore_mem>>)
        %dma_wait3A_165 = arith.constant 0 : i32
        %dma_wait3A_166 = tpu.memref_slice %arg8[%add3A_158, %dma_wait3A_165] : memref<1024x336xf32, #tpu.memory_space<hbm>> -> memref<1x336xf32, #tpu.memory_space<hbm>>
        %dma_wait3A_167 = tpu.memref_squeeze %dma_wait3A_166 : memref<1x336xf32, #tpu.memory_space<hbm>> -> memref<336xf32, #tpu.memory_space<hbm>>
        %dma_wait3A_168 = arith.constant 0 : i32
        %dma_wait3A_169 = tpu.memref_slice %arg8[%add3A_158, %dma_wait3A_168] : memref<1024x336xf32, #tpu.memory_space<hbm>> -> memref<1x336xf32, #tpu.memory_space<hbm>>
        %dma_wait3A_170 = tpu.memref_squeeze %dma_wait3A_169 : memref<1x336xf32, #tpu.memory_space<hbm>> -> memref<336xf32, #tpu.memory_space<hbm>>
        tpu.wait_dma2 semaphore(%run_scoped3A : memref<!tpu.dma_semaphore, #tpu.memory_space<semaphore_mem>>) src(%arg15 : memref<336xf32, #tpu.memory_space<vmem>>) dst(%dma_wait3A_170 : memref<336xf32, #tpu.memory_space<hbm>>)
        tpu.yield
      }) : () -> ()
    }
    %scan3A_5 = arith.constant 32 : i32
    return
  }
}

module attributes {stable_mosaic.version = 14 : i64} {
  func.func @_tc_transpose_body(%arg0: i32, %arg1: memref<64x4096xf32, #tpu.memory_space<vmem>>, %arg2: memref<2048x128xf32, #tpu.memory_space<vmem>>) attributes {dimension_semantics = [#tpu.dimension_semantics<arbitrary>], iteration_bounds = array<i64: 245>, scalar_prefetch = 0 : i64, scratch_operands = 0 : i64, tpu.core_type = #tpu.core_type<tc>, window_params = [{transform_indices = @transform_0, window_bounds = array<i64: 64, 4096>}, {transform_indices = @transform_1, window_bounds = array<i64: 2048, 128>}]} {
    %get3A = arith.constant 0 : index
    %get3A_0 = arith.constant 0 : index
    %get3A_1 = vector.load %arg1[%get3A, %get3A_0] : memref<64x4096xf32, #tpu.memory_space<vmem>>, vector<64x4096xf32>
    %slice3A = vector.extract_strided_slice %get3A_1 {offsets = [0, 0], sizes = [64, 2048], strides = [1, 1]} : vector<64x4096xf32> to vector<64x2048xf32>
    %transpose3A = tpu.transpose %slice3A, [1, 0] : vector<64x2048xf32> -> vector<2048x64xf32>
    %slice3A_2 = vector.extract_strided_slice %get3A_1 {offsets = [0, 2048], sizes = [64, 2048], strides = [1, 1]} : vector<64x4096xf32> to vector<64x2048xf32>
    %transpose3A_3 = tpu.transpose %slice3A_2, [1, 0] : vector<64x2048xf32> -> vector<2048x64xf32>
    %concatenate3A = tpu.concatenate %transpose3A, %transpose3A_3 in 1 : vector<2048x64xf32>, vector<2048x64xf32> -> vector<2048x128xf32>
    %swap3A = arith.constant 0 : index
    %swap3A_4 = arith.constant 0 : index
    %swap3A_5 = vector.load %arg2[%swap3A, %swap3A_4] : memref<2048x128xf32, #tpu.memory_space<vmem>>, vector<2048x128xf32>
    tpu.vector_store %arg2[%swap3A, %swap3A_4], %concatenate3A {strides = array<i32>} : memref<2048x128xf32, #tpu.memory_space<vmem>>, vector<2048x128xf32>,
    return
  }
  func.func @transform_0(%arg0: i32) -> (i32, i32) {
    %c0_i32 = arith.constant 0 : i32
    %c0_i32_0 = arith.constant 0 : i32
    return %c0_i32, %arg0 : i32, i32
  }
  func.func @transform_1(%arg0: i32) -> (i32, i32) {
    %c0_i32 = arith.constant 0 : i32
    %c0_i32_0 = arith.constant 0 : i32
    return %arg0, %c0_i32 : i32, i32
  }
}

module attributes {stable_mosaic.version = 14 : i64} {
  func.func @_tc_loss_body(%arg0: memref<2688x128xf32, #tpu.memory_space<vmem>>, %arg1: memref<1x1xf32, #tpu.memory_space<smem>>) attributes {dimension_semantics = [], scalar_prefetch = 0 : i64, scratch_operands = 0 : i64, tpu.core_type = #tpu.core_type<tc>} {
    %get3A = arith.constant 0 : index
    %get3A_0 = arith.constant 0 : index
    %get3A_1 = vector.load %arg0[%get3A, %get3A_0] : memref<2688x128xf32, #tpu.memory_space<vmem>>, vector<2688x128xf32>
    %iota3A = tpu.iota {dimensions = array<i32: 0>} : vector<2688x128xi32>
    %iota3A_2 = tpu.iota {dimensions = array<i32: 1>} : vector<2688x128xi32>
    %mul3A = arith.constant 8 : i32
    %mul3A_3 = vector.broadcast %mul3A : i32 to vector<2688x128xi32>
    %mul3A_4 = arith.muli %iota3A, %mul3A_3 : vector<2688x128xi32>
    %jit3A = arith.constant 16 : i32
    %div3A = vector.broadcast %jit3A : i32 to vector<2688x128xi32>
    %div3A_5 = arith.divsi %iota3A_2, %div3A : vector<2688x128xi32>
    %sign3A = arith.constant 0 : i32
    %sign3A_6 = vector.broadcast %sign3A : i32 to vector<2688x128xi32>
    %sign3A_7 = arith.cmpi sgt, %iota3A_2, %sign3A_6 : vector<2688x128xi32>
    %sign3A_8 = arith.extui %sign3A_7 : vector<2688x128xi1> to vector<2688x128xi32>
    %sign3A_9 = arith.constant 0 : i32
    %sign3A_10 = vector.broadcast %sign3A_9 : i32 to vector<2688x128xi32>
    %sign3A_11 = arith.cmpi slt, %iota3A_2, %sign3A_10 : vector<2688x128xi32>
    %sign3A_12 = arith.extui %sign3A_11 : vector<2688x128xi1> to vector<2688x128xi32>
    %sign3A_13 = arith.subi %sign3A_8, %sign3A_12 : vector<2688x128xi32>
    %sign3A_14 = arith.constant 0 : i32
    %sign3A_15 = arith.cmpi sgt, %jit3A, %sign3A_14 : i32
    %sign3A_16 = arith.extui %sign3A_15 : i1 to i32
    %sign3A_17 = arith.constant 0 : i32
    %sign3A_18 = arith.cmpi slt, %jit3A, %sign3A_17 : i32
    %sign3A_19 = arith.extui %sign3A_18 : i1 to i32
    %sign3A_20 = arith.subi %sign3A_16, %sign3A_19 : i32
    %ne3A = vector.broadcast %sign3A_20 : i32 to vector<2688x128xi32>
    %ne3A_21 = arith.cmpi ne, %sign3A_13, %ne3A : vector<2688x128xi32>
    %rem3A = vector.broadcast %jit3A : i32 to vector<2688x128xi32>
    %rem3A_22 = arith.remsi %iota3A_2, %rem3A : vector<2688x128xi32>
    %ne3A_23 = arith.constant 0 : i32
    %ne3A_24 = vector.broadcast %ne3A_23 : i32 to vector<2688x128xi32>
    %ne3A_25 = arith.cmpi ne, %rem3A_22, %ne3A_24 : vector<2688x128xi32>
    %and3A = arith.andi %ne3A_21, %ne3A_25 : vector<2688x128xi1>
    %sub3A = arith.constant 1 : i32
    %sub3A_26 = vector.broadcast %sub3A : i32 to vector<2688x128xi32>
    %sub3A_27 = arith.subi %div3A_5, %sub3A_26 : vector<2688x128xi32>
    %select_n3A = arith.select %and3A, %sub3A_27, %div3A_5 : vector<2688x128xi1>, vector<2688x128xi32>
    %add3A = arith.addi %mul3A_4, %select_n3A : vector<2688x128xi32>
    %jit3A_28 = arith.constant 21 : i32
    %eq3A = arith.constant 0 : i32
    %eq3A_29 = arith.cmpi eq, %jit3A_28, %eq3A : i32
    %jit3A_30 = arith.constant 1 : i32
    %select_n3A_31 = arith.select %eq3A_29, %jit3A_30, %jit3A_28 : i32
    %rem3A_32 = vector.broadcast %select_n3A_31 : i32 to vector<2688x128xi32>
    %rem3A_33 = arith.remsi %add3A, %rem3A_32 : vector<2688x128xi32>
    %ne3A_34 = arith.constant 0 : i32
    %ne3A_35 = vector.broadcast %ne3A_34 : i32 to vector<2688x128xi32>
    %ne3A_36 = arith.cmpi ne, %rem3A_33, %ne3A_35 : vector<2688x128xi32>
    %lt3A = arith.constant 0 : i32
    %lt3A_37 = vector.broadcast %lt3A : i32 to vector<2688x128xi32>
    %lt3A_38 = arith.cmpi slt, %rem3A_33, %lt3A_37 : vector<2688x128xi32>
    %lt3A_39 = arith.constant 0 : i32
    %lt3A_40 = arith.cmpi slt, %select_n3A_31, %lt3A_39 : i32
    %ne3A_41 = vector.broadcast %lt3A_40 : i1 to vector<2688x128xi1>
    %ne3A_42 = vector.broadcast %ne3A_41 : vector<2688x128xi1> to vector<2688x128xi1>
    %ne3A_43 = arith.xori %lt3A_38, %ne3A_42 : vector<2688x128xi1>
    %and3A_44 = arith.andi %ne3A_43, %ne3A_36 : vector<2688x128xi1>
    %add3A_45 = vector.broadcast %select_n3A_31 : i32 to vector<2688x128xi32>
    %add3A_46 = arith.addi %rem3A_33, %add3A_45 : vector<2688x128xi32>
    %select_n3A_47 = arith.select %and3A_44, %add3A_46, %rem3A_33 : vector<2688x128xi1>, vector<2688x128xi32>
    %eq3A_48 = arith.constant 0 : i32
    %eq3A_49 = vector.broadcast %eq3A_48 : i32 to vector<2688x128xi32>
    %eq3A_50 = arith.cmpi eq, %select_n3A_47, %eq3A_49 : vector<2688x128xi32>
    %neg3A = arith.constant 0.000000e+00 : f32
    %neg3A_51 = vector.broadcast %neg3A : f32 to vector<2688x128xf32>
    %neg3A_52 = arith.subf %neg3A_51, %get3A_1 : vector<2688x128xf32>
    %select_n3A_53 = arith.select %eq3A_50, %get3A_1, %neg3A_52 : vector<2688x128xi1>, vector<2688x128xf32>
    %logistic3A = arith.negf %select_n3A_53 : vector<2688x128xf32>
    %logistic3A_54 = math.exp %logistic3A : vector<2688x128xf32>
    %logistic3A_55 = arith.constant 1.000000e+00 : f32
    %logistic3A_56 = vector.broadcast %logistic3A_55 : f32 to vector<2688x128xf32>
    %logistic3A_57 = arith.addf %logistic3A_56, %logistic3A_54 : vector<2688x128xf32>
    %logistic3A_58 = arith.divf %logistic3A_56, %logistic3A_57 : vector<2688x128xf32>
    %add3A_59 = arith.constant 1.000000e-10 : f32
    %add3A_60 = vector.broadcast %add3A_59 : f32 to vector<2688x128xf32>
    %add3A_61 = arith.addf %logistic3A_58, %add3A_60 : vector<2688x128xf32>
    %log3A = math.log %add3A_61 : vector<2688x128xf32>
    %neg3A_62 = arith.constant 0.000000e+00 : f32
    %neg3A_63 = vector.broadcast %neg3A_62 : f32 to vector<2688x128xf32>
    %neg3A_64 = arith.subf %neg3A_63, %log3A : vector<2688x128xf32>
    %reduce_sum3A = vector.shape_cast %neg3A_64 : vector<2688x128xf32> to vector<1x2688x128xf32>
    %reduce_sum3A_65 = arith.constant dense<0.000000e+00> : vector<1xf32>
    %reduce_sum3A_66 = vector.multi_reduction <add>, %reduce_sum3A, %reduce_sum3A_65 [1, 2] : vector<1x2688x128xf32> to vector<1xf32>
    %reduce_sum3A_67 = vector.shape_cast %reduce_sum3A_66 : vector<1xf32> to vector<1x1x1xf32>
    %reduce_sum3A_68 = vector.extract %reduce_sum3A_67[0, 0, 0] : f32 from vector<1x1x1xf32>
    %mul3A_69 = arith.constant 6.10351563E-5 : f32
    %mul3A_70 = arith.mulf %reduce_sum3A_68, %mul3A_69 : f32
    %swap3A = arith.constant 0 : index
    %swap3A_71 = arith.constant 0 : index
    %swap3A_72 = memref.load %arg1[%swap3A, %swap3A_71] : memref<1x1xf32, #tpu.memory_space<smem>>
    memref.store %mul3A_70, %arg1[%swap3A, %swap3A_71] : memref<1x1xf32, #tpu.memory_space<smem>>
    return
  }
}

</mosaic_0001>

<sc_bundles>
// kernel: kernel.6.cloned.1.call-start
scs
__scs_entry_jumppad:
0x0: {  	(pc) =	sbr.rel $0x88, $3  }
0x1: {  	(tag) =	ssettag $0x0;
	lr =	simm.s32 $0x1  }
0x2: {  	[smem:$0x3F9C] =	sst lr;
	_ =	strace $0xD0000000  }
0x3: {  	_ = 	snop  }
0x4: {  	_ = 	snop  }
0x5: {  	_ = 	snop  }
0x6: {  	_ = 	snop  }
0x7: {  	_ = 	snop  }
__scs_overlays_trampoline_lowered:
0x8: {  	[smem:$0x3FAB] =	sst s0  }
0x9: {  	[smem:$0x3FAC] =	sst s1  }
0xa: {  	[smem:$0x3FAD] =	sst s2  }
0xb: {  	[smem:$0x3FAE] =	sst s3  }
0xc: {  	[smem:$0x3FAF] =	sst s4  }
0xd: {  	[smem:$0x3FB0] =	sst s5  }
0xe: {  	[smem:$0x3FB1] =	sst s6  }
0xf: {  	[smem:$0x3FB2] =	sst s7  }
0x10: {  	[smem:$0x3FB3] =	sst s8  }
0x11: {  	[smem:$0x3FB4] =	sst s9;
	s0 =	simm.s32 @!p0 $0x0  }
0x12: {  	s1 =	sld [smem:$0x3F9A];
	s0 =	simm.s32 @p0 $0x1  }
0x13: {  	[smem:$0x3FB5] =	sst s0;
	s0 =	simm.s32 @!p1 $0x0  }
0x14: {  	s2 =	sld [smem:$0x3F99];
	s0 =	simm.s32 @p1 $0x1  }
0x15: {  	[smem:$0x3FB6] =	sst s0;
	s0 =	simm.s32 @!p2 $0x0  }
0x16: {  	s3 =	sld [smem:$0x3FDB];
	s0 =	simm.s32 @p2 $0x1  }
0x17: {  	s4 =	simm.s32 $0x1BF5;
	[smem:$0x3FB8] =	sst s0  }
0x18: {  	s0 =	sld [smem:$0x3F9B];
	_ =	swait.ge [sflag:s4], $0x0  }
0x19: {  	s7 =	sld [smem:$0x3F9C]  }
0x1a: {  	s8 =	sadd.s32 $0xFFFFE003, lr  }
0x1b: {  	s9 =	sadd.s32 $0xFFFFFEF7, lr;
	s5 =	simm.s32 $0xFFFFFFFF;
	p2 =	slt.u32 s8, $0xFFFFF086  }
0x1c: {  	p1 =	slt.u32 s9, $0xF7A;
	s5 =	simm.s32 @!p2 $0x0  }
0x1d: {  	s5 =	simm.s32 @p1 $0x1;
	p0 =	seq.s32 s7, s2  }
0x1e: {  	s7 =	smul.u32 @!p0 $0xF7A, s2;
	p2 =	seq.s32 @!p0 s5, $0x0  }
0x1f: {  	s9 =	smul.u32 $0xF7A, s1;
	s8 =	simm.s32 @!p0 $0x1BF5;
	p2 =	por !p2, p0  }
0x20: {  	[sflag:s8] =	ssyncset.s32 @!p0 $0xFFFFF086;
	s6 =	sadd.s32 @!p0 s3, s7;
	s7 =	simm.s32 @!p0 $0x108  }
0x21: {  	s3 =	sadd.s32 s3, s9;
	s6 =	sadd.s32 @!p0 $0x88, s6;
	s7 =	simm.s32 @p2 $0x1082  }
0x22: {  	[simem:s7], [sflag:s8] =	dma.local @!p0 [hbm:s6], $0xF7A  }
0x23: {  	s9 =	sor.u32 $0xD0000000, s2;
	s6 =	simm.s32 $0x108;
	_ =	swait.ge @!p0 [sflag:s8], $0x0  }
0x24: {  	s3 =	sadd.s32 $0x88, s3;
	s6 =	simm.s32 @!p1 $0x1082;
	[sflag:s4] =	ssyncset.s32 $0xFFFFF086  }
0x25: {  	[simem:s6], [sflag:s4] =	dma.local [hbm:s3], $0xF7A  }
0x26: {  	[smem:$0x3F9C] =	sst s1;
	(tag) =	ssettag s2;
	_ =	strace s9  }
0x27: {  	s1 =	sld [smem:$0x3FAC]  }
0x28: {  	s2 =	sld [smem:$0x3FAD]  }
0x29: {  	s4 =	sld [smem:$0x3FAF]  }
0x2a: {  	p0 =	seq.s32 s5, $0x0;
	s5 =	sld [smem:$0x3FB0]  }
0x2b: {  	s6 =	sld [smem:$0x3FB1]  }
0x2c: {  	s7 =	sld [smem:$0x3FB2]  }
0x2d: {  	s3 =	simm.s32 $0x108;
	s8 =	sld [smem:$0x3FB3]  }
0x2e: {  	s3 =	simm.s32 @!p0 $0x1082;
	s9 =	sld [smem:$0x3FB4]  }
0x2f: {  	lr =	sadd.s32 s0, s3;
	s0 =	sld [smem:$0x3FAB]  }
0x30: {  	s3 =	sld [smem:$0x3FAE]  }
0x31: {  	[smem:$0x3FB7] =	sst s10  }
0x32: {  	s10 =	sld [smem:$0x3FB5];
	_ =	sdelay $0x3  }
0x33: {  	p0 =	seq.s32 s10, $0x1;
	s10 =	sld [smem:$0x3FB7];
	_ =	sdelay $0x3  }
0x34: {  	[smem:$0x3FB7] =	sst s10  }
0x35: {  	s10 =	sld [smem:$0x3FB6];
	_ =	sdelay $0x3  }
0x36: {  	p1 =	seq.s32 s10, $0x1;
	s10 =	sld [smem:$0x3FB7];
	_ =	sdelay $0x3  }
0x37: {  	[smem:$0x3FB7] =	sst s10  }
0x38: {  	s10 =	sld [smem:$0x3FB8]  }
0x39: {  	_ = 	snop;
	(pc) =	sbr.ind lr, $3  }
0x3a: {  	_ = 	snop  }
0x3b: {  	_ = 	snop  }
0x3c: {  	p2 =	seq.s32 s10, $0x1;
	s10 =	sld [smem:$0x3FB7]  }
0x3d: {  	_ =	shalt  }
0x3e: {  	_ =	shalt  }
0x3f: {  	_ =	shalt  }
0x40: {  	_ =	shalt  }
0x41: {  	_ =	shalt  }
0x42: {  	_ =	shalt  }
0x43: {  	_ =	shalt  }
0x44: {  	_ =	shalt  }
0x45: {  	_ =	shalt  }
0x46: {  	_ =	shalt  }
0x47: {  	_ =	shalt  }
0x48: {  	_ =	shalt  }
0x49: {  	_ =	shalt  }
0x4a: {  	_ =	shalt  }
0x4b: {  	_ =	shalt  }
0x4c: {  	_ =	shalt  }
0x4d: {  	_ =	shalt  }
0x4e: {  	_ =	shalt  }
0x4f: {  	_ =	shalt  }
0x50: {  	_ =	shalt  }
0x51: {  	_ =	shalt  }
0x52: {  	_ =	shalt  }
0x53: {  	_ =	shalt  }
0x54: {  	_ =	shalt  }
0x55: {  	_ =	shalt  }
0x56: {  	_ =	shalt  }
0x57: {  	_ =	shalt  }
0x58: {  	_ =	shalt  }
0x59: {  	_ =	shalt  }
0x5a: {  	_ =	shalt  }
0x5b: {  	_ =	shalt  }
0x5c: {  	_ =	shalt  }
0x5d: {  	_ =	shalt  }
0x5e: {  	_ =	shalt  }
0x5f: {  	_ =	shalt  }
0x60: {  	_ =	shalt  }
0x61: {  	_ =	shalt  }
0x62: {  	_ =	shalt  }
0x63: {  	_ =	shalt  }
0x64: {  	_ =	shalt  }
0x65: {  	_ =	shalt  }
0x66: {  	_ =	shalt  }
0x67: {  	_ =	shalt  }
0x68: {  	_ =	shalt  }
0x69: {  	_ =	shalt  }
0x6a: {  	_ =	shalt  }
0x6b: {  	_ =	shalt  }
0x6c: {  	_ =	shalt  }
0x6d: {  	_ =	shalt  }
0x6e: {  	_ =	shalt  }
0x6f: {  	_ =	shalt  }
0x70: {  	_ =	shalt  }
0x71: {  	_ =	shalt  }
0x72: {  	_ =	shalt  }
0x73: {  	_ =	shalt  }
0x74: {  	_ =	shalt  }
0x75: {  	_ =	shalt  }
0x76: {  	_ =	shalt  }
0x77: {  	_ =	shalt  }
0x78: {  	_ =	shalt  }
0x79: {  	_ =	shalt  }
0x7a: {  	_ =	shalt  }
0x7b: {  	_ =	shalt  }
0x7c: {  	_ =	shalt  }
0x7d: {  	_ =	shalt  }
0x7e: {  	_ =	shalt  }
0x7f: {  	_ =	shalt  }
0x80: {  	_ =	shalt  }
0x81: {  	_ =	shalt  }
0x82: {  	_ =	shalt  }
0x83: {  	_ =	shalt  }
0x84: {  	_ =	shalt  }
0x85: {  	_ =	shalt  }
0x86: {  	_ =	shalt  }
0x87: {  	_ =	shalt  }
.Lfunc_end0:
.L_simem_size_0:
called_computation_lowered:
.L_overlay_start_0:
0x88: {  	s2 =	sld [smem:$0x3FD9]  }
0x89: {  	s3 =	sld [smem:$0x3FFE];
	_ =	sdelay $0x1  }
0x8a: {  	s1 =	srdreg.scid  }
0x8b: {  	s0 =	sand.u32 $0x1, s1  }
0x8c: {  	s16 =	sshll.u32 s0, $0xA;
	s2 =	sadd.s32 s3, s2  }
0x8d: {  	s2 =	sadd.s32 s2, s16  }
0x8e: {  	[smem:$0x3FC3] =	sst s2  }
0x8f: {  	_ = 	snop  }
0x90: {  	(tm) =	ssettm $0x1  }
0x91: {  	s17 =	sld [smem:$0x3FFB];
	_ =	sdelay $0x3  }
0x92: {  	_ =	strace s17  }
0x93: {  	s2 =	sld [smem:$0x3FFC];
	_ =	sdelay $0x3  }
0x94: {  	_ =	strace s2  }
0x95: {  	s2 =	sld [smem:$0x3FFD];
	_ =	sdelay $0x3  }
0x96: {  	_ =	strace s2  }
0x97: {  	_ =	strace $0x8FFFFFFF  }
0x98: {  	s18 =	sld [smem:$0x3FDB];
	_ =	sdelay $0x1  }
0x99: {  	s19 =	simm.s32 $_scs_section_size  }
0x9a: {  	s4 =	simm.s32 $_size__tile_overlayer_lowered;
	s5 =	simm.s32 $_tile_overlayer_lowered  }
0x9b: {  	s22 =	simm.s32 $0x1BFF;
	s21 =	sshll.u32 s5, $0x1;
	s2 =	sadd.s32 s19, s18  }
0x9c: {  	s6 =	simm.s32 $0x0;
	s20 =	sshll.u32 s4, $0x1;
	s4 =	sadd.s32 s21, s2  }
0x9d: {  	[timem:s6], [sflag:s22] =	dma.local [hbm:s4], s20  }
0x9e: {  	_ =	swait.ge [sflag:s22], s20  }
0x9f: {  	s3 =	ssub.s32 $0x0, s20;
	[sflag:s22] =	ssyncset.done $0x0  }
0xa0: {  	[sflag:s22] =	ssyncadd.s32 s3;
	_ =	sdelay $0x1  }
0xa1: {  	s23 =	simm.s32 $0x1B8B  }
0xa2: {  	_ =	swait.ge [sflag:s23], $0x1  }
0xa3: {  	[sflag:s23] =	ssyncset.done $0x0  }
0xa4: {  	s25 =	simm.s32 $0x1B8E;
	s24 =	sld [smem:$0x3FFE];
	[sflag:s23] =	ssyncadd.s32 $0xFFFFFFFF  }
0xa5: {  	s26 =	simm.s32 $execute0_lowered;
	[smem:$0x3FD2] =	sst s25  }
0xa6: {  	s4 =	sshll.u32 s26, $0x1;
	_ =	strace $0x80000046;
	[dreg:$0x1] =	wrdreg $0xFFFFFFFF  }
0xa7: {  	s28 =	simm.s32 $_size_execute0_lowered;
	s2 =	sadd.s32 s2, s4;
	[dreg:$0x0] =	wrdreg $0x0  }
0xa8: {  	s4 =	sshll.u32 s28, $0x1;
	[dreg:$0x2] =	wrdreg s2  }
0xa9: {  	[dreg:$0x3] =	wrdreg s4  }
0xaa: {  	[dreg:$0x4] =	wrdreg $0xC0  }
0xab: {  	_ =	task [dreg:s6], $0x5FFFF  }
0xac: {  	[dreg:$0x1] =	wrdreg $0xFFFFFFFF  }
0xad: {  	[dreg:$0x0] =	wrdreg $0x60  }
0xae: {  	[dreg:$0x2] =	wrdreg s24  }
0xaf: {  	[dreg:$0x3] =	wrdreg $0x9  }
0xb0: {  	_ =	task.clear_ibuf [dreg:s6], $0x4FFFF;
	_ =	strace $0x90000046  }
0xb1: {  	s29 =	simm.s32 $0x9;
	_ =	strace $0x80000048  }
0xb2: {  	_ =	swait.ge [sflag:s29], $0x1  }
0xb3: {  	[sflag:s29] =	ssyncadd.s32 $0xFFFFFFFF  }
0xb4: {  	_ =	strace $0x90000048  }
0xb5: {  	_ =	sfence  }
0xb6: {  	s30 =	sld [smem:$0x0];
	_ =	sdelay $0x2  }
0xb7: {  	s31 =	sshll.u32 s1, $0xD;
	s1 =	sshrl.u32 s1, $0x2  }
0xb8: {  	s3 =	sand.u32 $0x4000, s31;
	s1 =	sadd.s32 s1, s30  }
0xb9: {  	s0 =	sor.u32 s3, s0;
	s1 =	sshll.u32 s1, $0x11  }
0xba: {  	s0 =	sor.u32 s1, s0  }
0xbb: {  	s0 =	sadd.s32 $0x8F2B, s0  }
0xbc: {  	[sflag:s0] =	ssyncadd.remote.s32 $0x1  }
0xbd: {  	_ =	sfence.sel $0xFFFF  }
0xbe: {  	[dreg:$0x0] =	wrdreg $0xFFFFFFFF;
	(pc) =	sbr.abs _section_cstart, $3  }
0xbf: {  	[dreg:$0x1] =	wrdreg $0xFFFFFFFF  }
0xc0: {  	_ =	task.clear_ibuf [dreg:s6], $0x2FFFF;
	_ =	strace $0x9FFFFFFF  }
0xc1: {  	(tm) =	ssettm $0x7FFFFFFF  }
tec
execute0_lowered:
.L_overlay_start_1:
0x0: {  	(tag) =	ssettag $0x1  }
0x1: {  	s0 =	rddreg [dreg:$0x0];
	s5 =	simm.s32 $0x0  }
0x2: {  	s25 =	srdreg.scid;
	[smem:$0x7FF] =	sst s5;
	s1 =	sadd.s32 $0x1000, s0  }
0x3: {  	s23 =	sadd.s32 $0xC000, s0;
	_ =	strace $0x80000047;
	[smem:$0x7F4] =	sst s1  }
0x4: {  	s3 =	stileid.u32;
	s24 =	sadd.s32 $0x800, s0;
	[smem:$0x7F5] =	sst s23  }
0x5: {  	s2 =	sadd.s32 $0x1800, s0;
	s26 =	sadd.s32 $0x16800, s0;
	[smem:$0x7F6] =	sst s24  }
0x6: {  	s3 =	sshll.u32 s3, $0x1;
	s4 =	sadd.s32 $0x7BE800, s0;
	[smem:$0x7F7] =	sst s2  }
0x7: {  	s0 =	sadd.s32 $0xF66800, s0;
	s1 =	sand.u32 $0x1, s25;
	[smem:$0x7F8] =	sst s26  }
0x8: {  	[smem:$0x7F9] =	sst s4;
	s28 =	ssub.s32 $0x2, s1;
	s1 =	sor.u32 s1, s3  }
0x9: {  	[smem:$0x7FA] =	sst s0;
	s29 =	sshrl.u32 s28, $0x1;
	s31 =	sshll.u32 s1, $0x9  }
0xa: {  	s1 =	sshll.u32 s1, $0x5;
	s30 =	ssub.s32 s28, s29;
	[smem:$0x7FB] =	sst s31  }
0xb: {  	[smem:$0x7FC] =	sst s1;
	s0 =	smax.u32 s30, $0x1  }
0xc: {  	s6 =	simm.s32 $0x80;
	v0 =	vlaneseq.u32;
	s4 =	simm.s32 $0x2;
	[smem:$0x7FD] =	sst s0  }
.LBB2_1:
0xd: {  	[smem:$0x7F3] =	sst s5;
	s3 =	simm.s32 $0x0  }
.LBB2_2:
0xe: {  	s1 =	sld [smem:$0x7FB];
	_ =	sdelay $0x1  }
0xf: {  	s0 =	sshll.u32 s3, $0x4;
	s11 =	sld [smem:$0x7F4]  }
0x10: {  	s1 =	sadd.s32 s1, s0  }
0x11: {  	s2 =	sshrl.u32 s1, $0x3  }
0x12: {  	[smem:$0x7F2] =	sst s3;
	s0 =	simm.s32 $0x0;
	s12 =	sadd.s32 s11, s2  }
0x13: {  	[tilespmem:s0], [sflag:$0x2] =	stream.linear.gather [hbm4b:s12+s0], $0x10, $0x38;
	[tilespmem:$0xB580] =	vst v63  }
0x14: {  	_ =	swait.ge [sflag:s4], $0x10  }
0x15: {  	s1 =	smul.u32 $0x15, s1;
	s13 =	sld [smem:$0x7F5]  }
0x16: {  	_ = 	snop  }
0x17: {  	s1 =	sshrl.u32 s1, $0x3;
	[sflag:s4] =	ssyncset.done $0x0  }
0x18: {  	[sflag:s4] =	ssyncadd.s32 $0xFFFFFFF0;
	s3 =	sadd.s32 s13, s1  }
0x19: {  	[tilespmem:s6], [sflag:$0x2] =	stream.linear.gather [hbm4b:s3+s0], $0x150, $0x38;
	[tilespmem:$0xB580] =	vst v63  }
0x1a: {  	_ =	swait.ge [sflag:s4], $0x150  }
0x1b: {  	s14 =	sld [smem:$0x7F6];
	_ =	sdelay $0x1  }
0x1c: {  	[sflag:s4] =	ssyncset.done $0x0  }
0x1d: {  	s15 =	simm.s32 $0x200;
	[sflag:s4] =	ssyncadd.s32 $0xFFFFFEB0;
	s2 =	sadd.s32 s14, s2  }
0x1e: {  	[tilespmem:s15], [sflag:$0x2] =	stream.linear.gather [hbm4b:s2+s0], $0x10, $0x38;
	[tilespmem:$0xB580] =	vst v63  }
0x1f: {  	_ =	swait.ge [sflag:s4], $0x10  }
0x20: {  	s16 =	sld [smem:$0x7F7];
	_ =	sdelay $0x1  }
0x21: {  	[sflag:s4] =	ssyncset.done $0x0  }
0x22: {  	s17 =	simm.s32 $0x280;
	[sflag:s4] =	ssyncadd.s32 $0xFFFFFFF0;
	s1 =	sadd.s32 s16, s1  }
0x23: {  	[tilespmem:s17], [sflag:$0x2] =	stream.linear.gather [hbm4b:s1+s0], $0x150, $0x38;
	[tilespmem:$0xB580] =	vst v63  }
0x24: {  	_ =	swait.ge [sflag:s4], $0x150  }
0x25: {  	s19 =	sld [smem:$0x7F8]  }
0x26: {  	s18 =	simm.s32 $0x400;
	[sflag:s4] =	ssyncset.done $0x0  }
0x27: {  	s20 =	simm.s32 $0x10;
	s21 =	sld [smem:$0x7F9];
	[sflag:s4] =	ssyncadd.s32 $0xFFFFFEB0  }
0x28: {  	[tilespmem:s18], [sflag:$0x1] =	stream.indirect.gather [hbm4b:s19+s20], $0x80, s0, s20, $0xb8;
	[tilespmem:$0xB580] =	vst v63  }
0x29: {  	s22 =	simm.s32 $0x70;
	s23 =	simm.s32 $0xC00  }
0x2a: {  	[tilespmem:s23], [sflag:$0x1] =	stream.indirect.gather [hbm4b:s21+s22], $0x80, s6, s22, $0xb8;
	[tilespmem:$0xB580] =	vst v63  }
0x2b: {  	s24 =	simm.s32 $0xF0;
	s5 =	simm.s32 $0x4400  }
0x2c: {  	[tilespmem:s5], [sflag:$0x1] =	stream.indirect.gather [hbm4b:s21+s22], $0x80, s24, s22, $0xb8;
	[tilespmem:$0xB580] =	vst v63  }
0x2d: {  	s25 =	simm.s32 $0x160;
	s26 =	simm.s32 $0x7C00;
	s30 =	simm.s32 $0x1  }
0x2e: {  	[tilespmem:s26], [sflag:$0x1] =	stream.indirect.gather [hbm4b:s21+s22], $0x80, s25, s22, $0xb8;
	[tilespmem:$0xB580] =	vst v63  }
0x2f: {  	_ =	swait.ge [sflag:s30], $0x800  }
0x30: {  	[sflag:s30] =	ssyncset.done $0x0  }
0x31: {  	[sflag:s30] =	ssyncadd.s32 $0xFFFFF800  }
0x32: {  	_ =	swait.ge [sflag:s30], $0x3800  }
0x33: {  	[sflag:s30] =	ssyncset.done $0x0  }
0x34: {  	[sflag:s30] =	ssyncadd.s32 $0xFFFFC800  }
0x35: {  	_ =	swait.ge [sflag:s30], $0x3800  }
0x36: {  	[sflag:s30] =	ssyncset.done $0x0  }
0x37: {  	[sflag:s30] =	ssyncadd.s32 $0xFFFFC800  }
0x38: {  	_ =	swait.ge [sflag:s30], $0x3800  }
0x39: {  	[sflag:s30] =	ssyncset.done $0x0  }
0x3a: {  	[sflag:s30] =	ssyncadd.s32 $0xFFFFC800  }
0x3b: {  	v1 =	vld [tilespmem:s15+$0x0]  }
0x3c: {  	s31 =	simm.s32 $0x28A  }
0x3d: {  	v2 =	vld [tilespmem:s31+$0xA]  }
0x3e: {  	v3 =	vld [tilespmem:s31+$0xFFFFFFF6];
	_ =	sdelay $0x1  }
0x3f: {  	(v2sf) =	vpush v1, $0x0;
	_ =	sdelay $0x1  }
0x40: {  	v1 =	vld [tilespmem:s31+$0xFFFFFFF7];
	(v2sf) =	vpush v2, $0x0  }
0x41: {  	v4 =	vld [tilespmem:s31+$0xFFFFFFF8];
	(v2sf) =	vpush v3, $0x0  }
0x42: {  	v2 =	vld [tilespmem:s31+$0xFFFFFFF9];
	_ =	sdelay $0x1  }
0x43: {  	v5 =	vld [tilespmem:s31+$0xFFFFFFFA]  }
0x44: {  	(v2sf) =	vpush v1, $0x0  }
0x45: {  	(v2sf) =	vpush v4, $0x0  }
0x46: {  	v6 =	vld [tilespmem:s31+$0xFFFFFFFB];
	(v2sf) =	vpush v2, $0x0;
	_ =	sdelay $0x1  }
0x47: {  	v3 =	vld [tilespmem:s31+$0xFFFFFFFC];
	(v2sf) =	vpush v5, $0x0;
	_ =	sdelay $0x1  }
0x48: {  	v1 =	vld [tilespmem:s31+$0xFFFFFFFD]  }
0x49: {  	(v2sf) =	vpush v6, $0x0  }
0x4a: {  	v4 =	vld [tilespmem:s31+$0xFFFFFFFE];
	s6 =	spop (v2sf)  }
0x4b: {  	(v2sf) =	vpush v3, $0x0;
	s7 =	sshll.u32 s6, $0x8;
	s2 =	sand.u32 $0x1, s6  }
0x4c: {  	v2 =	vld [tilespmem:s31+$0xFFFFFFFF];
	s8 =	spop (v2sf);
	s3 =	sand.u32 $0xFFFFFE00, s7;
	s2 =	sshll.u32 s2, $0x8  }
0x4d: {  	v5 =	vld [tilespmem:s31+$0x0];
	(v2sf) =	vpush v1, $0x0;
	s9 =	sshll.u32 s8, $0x8;
	s4 =	sand.u32 $0x1, s8;
	s10 =	spop (v2sf)  }
0x4e: {  	v6 =	vld [tilespmem:s31+$0x1];
	s2 =	sor.u32 s2, s3;
	s3 =	sand.u32 $0xFFFFFE00, s9;
	s4 =	sshll.u32 s4, $0x8  }
0x4f: {  	(v2sf) =	vpush v4, $0x0;
	s8 =	sshll.u32 s10, $0x8;
	s2 =	sshra.s32 s2, $0x2;
	s3 =	sor.u32 s4, s3  }
0x50: {  	s4 =	sand.u32 $0x1, s10;
	s8 =	sand.u32 $0xFFFFFE00, s8;
	s2 =	sadd.s32 $0x400, s2  }
0x51: {  	(v2sf) =	vpush v2, $0x0;
	s3 =	sshra.s32 s3, $0x2;
	s11 =	spop (v2sf);
	s4 =	sshll.u32 s4, $0x8  }
0x52: {  	v1 =	vld [tilespmem:s31+$0x2];
	(v2sf) =	vpush v5, $0x0;
	s3 =	sadd.s32 $0x0, s3;
	s12 =	spop (v2sf);
	s13 =	sshll.u32 s11, $0x8  }
0x53: {  	(v2sf) =	vpush v6, $0x0;
	s18 =	sand.u32 $0x1, s11;
	v6 =	vld [tilespmem:s2+$0x0];
	s4 =	sor.u32 s4, s8;
	s7 =	spop (v2sf)  }
0x54: {  	v8 =	vld [tilespmem:s2+$0x10];
	s20 =	sshll.u32 s12, $0x8;
	s22 =	sand.u32 $0x1, s12;
	s13 =	sand.u32 $0xFFFFFE00, s13  }
0x55: {  	v12 =	vld [tilespmem:s2+$0x20];
	s18 =	sshll.u32 s18, $0x8;
	s4 =	sshra.s32 s4, $0x2;
	s14 =	spop (v2sf)  }
0x56: {  	v13 =	vld [tilespmem:s2+$0x30];
	s23 =	sshll.u32 s7, $0x8;
	s24 =	sand.u32 $0x1, s7;
	s2 =	sor.u32 s18, s13  }
0x57: {  	v25 =	vld [tilespmem:s31+$0x8];
	s1 =	sadd.s32 $0x0, s4;
	s20 =	sand.u32 $0xFFFFFE00, s20;
	s22 =	sshll.u32 s22, $0x8  }
0x58: {  	v2 =	vld [tilespmem:s31+$0x3];
	s15 =	spop (v2sf);
	s25 =	sshll.u32 s14, $0x8;
	s26 =	sand.u32 $0x1, s14  }
0x59: {  	v3 =	vld [tilespmem:s31+$0x4];
	s2 =	sshra.s32 s2, $0x2;
	s23 =	sand.u32 $0xFFFFFE00, s23;
	s24 =	sshll.u32 s24, $0x8  }
0x5a: {  	(v2sf) =	vpush v1, $0x0;
	v1 =	vld [tilespmem:s31+$0x5];
	s9 =	spop (v2sf);
	s5 =	sshll.u32 s15, $0x8;
	s21 =	sand.u32 $0x1, s15  }
0x5b: {  	v4 =	vld [tilespmem:s31+$0x6];
	s2 =	sadd.s32 $0x0, s2;
	s4 =	sor.u32 s24, s23;
	s25 =	sand.u32 $0xFFFFFE00, s25  }
0x5c: {  	v48 =	vld [tilespmem:s3+$0x1610];
	s10 =	spop (v2sf);
	s7 =	sshll.u32 s9, $0x8;
	s19 =	sand.u32 $0x1, s9  }
0x5d: {  	(v2sf) =	vpush v2, $0x0;
	v5 =	vld [tilespmem:s3+$0x1620];
	s4 =	sshra.s32 s4, $0x2;
	s5 =	sand.u32 $0xFFFFFE00, s5;
	s21 =	sshll.u32 s21, $0x8  }
0x5e: {  	(v2sf) =	vpush v3, $0x0;
	v7 =	vld [tilespmem:s3+$0x1630];
	s16 =	spop (v2sf);
	s9 =	sshll.u32 s10, $0x8;
	s17 =	sand.u32 $0x1, s10  }
0x5f: {  	(v2sf) =	vpush v1, $0x0;
	v1 =	vld [tilespmem:s3+$0x1600];
	s3 =	sor.u32 s22, s20;
	s4 =	sadd.s32 $0x0, s4;
	s21 =	sor.u32 s21, s5  }
0x60: {  	v2 =	vld [tilespmem:s31+$0x9];
	s7 =	sand.u32 $0xFFFFFE00, s7;
	s19 =	sshll.u32 s19, $0x8;
	s30 =	spop (v2sf)  }
0x61: {  	v3 =	vld [tilespmem:s31+$0x7];
	s10 =	sshll.u32 s16, $0x8;
	s16 =	sand.u32 $0x1, s16;
	s3 =	sshra.s32 s3, $0x2  }
0x62: {  	v9 =	vld [tilespmem:s1+$0xC00];
	s21 =	sshra.s32 s21, $0x2;
	s19 =	sor.u32 s19, s7;
	s9 =	sand.u32 $0xFFFFFE00, s9  }
0x63: {  	v10 =	vld [tilespmem:s1+$0xC10];
	s17 =	sshll.u32 s17, $0x8;
	s12 =	spop (v2sf);
	s11 =	sshll.u32 s30, $0x8  }
0x64: {  	v11 =	vld [tilespmem:s2+$0xC80];
	s15 =	sand.u32 $0x1, s30;
	s3 =	sadd.s32 $0x0, s3;
	s30 =	sshll.u32 s26, $0x8  }
0x65: {  	v14 =	vld [tilespmem:s2+$0xC90];
	s7 =	sadd.s32 $0x0, s21;
	s19 =	sshra.s32 s19, $0x2;
	s17 =	sor.u32 s17, s9  }
0x66: {  	v15 =	vld [tilespmem:s4+$0xD80];
	s10 =	sand.u32 $0xFFFFFE00, s10;
	s16 =	sshll.u32 s16, $0x8;
	s31 =	spop (v2sf)  }
0x67: {  	v17 =	vld [tilespmem:s4+$0xD90];
	s6 =	sshll.u32 s12, $0x8;
	s14 =	sand.u32 $0x1, s12;
	s23 =	sor.u32 s30, s25  }
0x68: {  	v50 =	vld [tilespmem:s3+$0xD00];
	s9 =	sadd.s32 $0x0, s19;
	s17 =	sshra.s32 s17, $0x2;
	s16 =	sor.u32 s16, s10  }
0x69: {  	(v2sf) =	vpush v4, $0x0;
	v4 =	vld [tilespmem:s3+$0xD10];
	s11 =	sand.u32 $0xFFFFFE00, s11;
	s15 =	sshll.u32 s15, $0x8;
	s28 =	spop (v2sf)  }
0x6a: {  	v36 =	vld [tilespmem:s7+$0xE80];
	s8 =	sshll.u32 s31, $0x8;
	s12 =	sand.u32 $0x1, s31;
	s23 =	sshra.s32 s23, $0x2  }
0x6b: {  	v38 =	vld [tilespmem:s7+$0xE90];
	(v2sf) =	vpush v3, $0x0;
	s10 =	sadd.s32 $0x0, s17;
	s16 =	sshra.s32 s16, $0x2;
	s15 =	sor.u32 s15, s11  }
0x6c: {  	v40 =	vld [tilespmem:s9+$0xF00];
	s6 =	sand.u32 $0xFFFFFE00, s6;
	s14 =	sshll.u32 s14, $0x8;
	s13 =	sshll.u32 s28, $0x8  }
0x6d: {  	v3 =	vld [tilespmem:s9+$0xF10];
	s18 =	sand.u32 $0x1, s28;
	s5 =	sadd.s32 $0x0, s23;
	s11 =	sadd.s32 $0x0, s16  }
0x6e: {  	v35 =	vld [tilespmem:s10+$0xF80];
	s15 =	sshra.s32 s15, $0x2;
	s6 =	sor.u32 s14, s6;
	s8 =	sand.u32 $0xFFFFFE00, s8  }
0x6f: {  	(v2sf) =	vpush v25, $0x0;
	s12 =	sshll.u32 s12, $0x8;
	s29 =	spop (v2sf);
	v34 =	vld [tilespmem:s5+$0xE00];
	s15 =	sadd.s32 $0x0, s15  }
0x70: {  	v51 =	vld [tilespmem:s5+$0xE10];
	s6 =	sshra.s32 s6, $0x2;
	s8 =	sor.u32 s12, s8;
	s26 =	sand.u32 $0xFFFFFE00, s13  }
0x71: {  	s30 =	sshll.u32 s18, $0x8;
	s20 =	sshll.u32 s29, $0x8;
	s23 =	sand.u32 $0x1, s29;
	v27 =	vld [tilespmem:s15+$0x1090]  }
0x72: {  	s16 =	sadd.s32 $0x0, s6;
	s8 =	sshra.s32 s8, $0x2;
	s6 =	sor.u32 s30, s26;
	[tilespmem:$0x1FF70] =	vst v3;
	v3 =	vld [tilespmem:s10+$0xF90]  }
0x73: {  	s18 =	sadd.s32 $0x0, s8;
	v33 =	vld [tilespmem:s16+$0x1110];
	s19 =	sand.u32 $0xFFFFFE00, s20;
	s20 =	sshll.u32 s23, $0x8  }
0x74: {  	s6 =	sshra.s32 s6, $0x2;
	s22 =	spop (v2sf);
	v30 =	vld [tilespmem:s18+$0x1180];
	s8 =	sor.u32 s20, s19  }
0x75: {  	s19 =	sadd.s32 $0x0, s6;
	v41 =	vld [tilespmem:s18+$0x1190];
	s21 =	sshll.u32 s22, $0x8;
	s17 =	sand.u32 $0x1, s22  }
0x76: {  	s8 =	sshra.s32 s8, $0x2;
	v32 =	vld [tilespmem:s19+$0x1200];
	s21 =	sand.u32 $0xFFFFFE00, s21;
	s24 =	sshll.u32 s17, $0x8  }
0x77: {  	s20 =	sadd.s32 $0x0, s8;
	s6 =	sor.u32 s24, s21;
	[tilespmem:$0x1FF80] =	vst v3;
	v3 =	vld [tilespmem:s11+$0x1000];
	s31 =	spop (v2sf)  }
0x78: {  	v39 =	vld [tilespmem:s19+$0x1210];
	s6 =	sshra.s32 s6, $0x2;
	s22 =	sshll.u32 s31, $0x8;
	s31 =	sand.u32 $0x1, s31  }
0x79: {  	v28 =	vld [tilespmem:s20+$0x1280];
	s26 =	sand.u32 $0xFFFFFE00, s22;
	s30 =	sshll.u32 s31, $0x8;
	s25 =	spop (v2sf)  }
0x7a: {  	v44 =	vld [tilespmem:s20+$0x1290];
	s21 =	sadd.s32 $0x0, s6;
	s8 =	sor.u32 s30, s26;
	s14 =	spop (v2sf)  }
0x7b: {  	v37 =	vld [tilespmem:s21+$0x1300];
	s23 =	sshll.u32 s25, $0x8;
	s25 =	sand.u32 $0x1, s25;
	s8 =	sshra.s32 s8, $0x2  }
0x7c: {  	[tilespmem:$0x1FF90] =	vst v3;
	v3 =	vld [tilespmem:s11+$0x1010];
	s31 =	sshll.u32 s14, $0x8;
	s24 =	sand.u32 $0xFFFFFE00, s23;
	s25 =	sshll.u32 s25, $0x8  }
0x7d: {  	v42 =	vld [tilespmem:s21+$0x1310];
	s14 =	sand.u32 $0x1, s14;
	s22 =	sadd.s32 $0x0, s8;
	s6 =	sor.u32 s25, s24  }
0x7e: {  	s26 =	sand.u32 $0xFFFFFE00, s31;
	s30 =	sshll.u32 s14, $0x8;
	v43 =	vld [tilespmem:s22+$0x1380];
	s31 =	spop (v2sf)  }
0x7f: {  	v45 =	vld [tilespmem:s22+$0x1390];
	s25 =	simm.s32 $0x201;
	s6 =	sshra.s32 s6, $0x2;
	s8 =	sor.u32 s30, s26  }
0x80: {  	v30 =	vmul.f32 v30, v6;
	v41 =	vmul.f32 v41, v8;
	s12 =	sshll.u32 s31, $0x8;
	s17 =	sand.u32 $0x1, s31;
	v46 =	vld [tilespmem:s25+$0x0];
	s14 =	sadd.s32 $0x0, s6  }
0x81: {  	s8 =	sshra.s32 s8, $0x2;
	s23 =	sand.u32 $0xFFFFFE00, s12;
	s12 =	sshll.u32 s17, $0x8;
	[tilespmem:$0x1FFA0] =	vst v3;
	v3 =	vld [tilespmem:s15+$0x1080]  }
0x82: {  	v41 =	vadd.f32 v41, v30;
	v28 =	vmul.f32 v28, v6;
	v30 =	vmul.f32 v44, v8;
	s6 =	sadd.s32 $0x0, s8;
	v29 =	vld [tilespmem:s14+$0x1410];
	s24 =	sor.u32 s12, s23  }
0x83: {  	v31 =	vld [tilespmem:s6+$0x1480];
	s8 =	sshra.s32 s24, $0x2  }
0x84: {  	v44 =	vadd.f32 v30, v28;
	s12 =	sadd.s32 $0x0, s8;
	v30 =	vmul.f32 v45, v8;
	v45 =	vld [tilespmem:s2+$0xCB0]  }
0x85: {  	(v2sf) =	vpush v2, $0x0;
	s8 =	simm.s32 $0x29F;
	v2 =	vld [tilespmem:s12+$0x1500]  }
0x86: {  	v47 =	vld [tilespmem:s8+$0xA]  }
0x87: {  	v52 =	vld [tilespmem:s8+$0xFFFFFFF6]  }
0x88: {  	v53 =	vld [tilespmem:s8+$0xFFFFFFF7]  }
0x89: {  	v54 =	vld [tilespmem:s8+$0xFFFFFFF8]  }
0x8a: {  	v55 =	vld [tilespmem:s8+$0xFFFFFFF9]  }
0x8b: {  	v56 =	vld [tilespmem:s8+$0xFFFFFFFA]  }
0x8c: {  	v57 =	vld [tilespmem:s8+$0xFFFFFFFB]  }
0x8d: {  	v58 =	vld [tilespmem:s8+$0xFFFFFFFC]  }
0x8e: {  	v59 =	vld [tilespmem:s8+$0xFFFFFFFD]  }
0x8f: {  	v60 =	vld [tilespmem:s8+$0xFFFFFFFE]  }
0x90: {  	[tilespmem:$0x1FFB0] =	vst v3;
	v3 =	vld [tilespmem:s16+$0x1100]  }
0x91: {  	v61 =	vld [tilespmem:s8+$0xFFFFFFFF]  }
0x92: {  	v62 =	vld [tilespmem:s8+$0x0]  }
0x93: {  	(v2sf) =	vpush v46, $0x0;
	v63 =	vld [tilespmem:s8+$0x1]  }
0x94: {  	v18 =	vld [tilespmem:s8+$0x2];
	(v2sf) =	vpush v47, $0x0;
	v47 =	vmul.f32 v1, v6;
	v1 =	vmul.f32 v48, v8  }
0x95: {  	[tilespmem:$0x1FFC0] =	vst v3;
	v3 =	vld [tilespmem:s14+$0x1400]  }
0x96: {  	v5 =	vmul.f32 v5, v12;
	v21 =	vld [tilespmem:s8+$0x3];
	v1 =	vadd.f32 v1, v47  }
0x97: {  	v22 =	vmul.f32 v11, v6;
	v23 =	vld [tilespmem:s8+$0x4];
	[tilespmem:$0x1FFF0] =	vst v2;
	v2 =	vmul.f32 v14, v8  }
0x98: {  	v19 =	vld [tilespmem:s8+$0x5];
	v47 =	vmul.f32 v7, v13;
	v1 =	vadd.f32 v5, v1  }
0x99: {  	s26 =	spop (v2sf);
	v24 =	vld [tilespmem:s8+$0x6];
	v22 =	vadd.f32 v2, v22  }
0x9a: {  	s30 =	sshll.u32 s26, $0x8;
	s13 =	sand.u32 $0x1, s26;
	v2 =	vmul.f32 v34, v6;
	v16 =	vadd.f32 v47, v1;
	v1 =	vmul.f32 v51, v8;
	[tilespmem:$0x1FFD0] =	vst v3;
	v3 =	vld [tilespmem:s6+$0x1490]  }
0x9b: {  	s17 =	sand.u32 $0xFFFFFE00, s30;
	s13 =	sshll.u32 s13, $0x8;
	v49 =	vld [tilespmem:s8+$0x7]  }
0x9c: {  	v9 =	vmul.f32 v9, v6;
	s13 =	sor.u32 s13, s17;
	v34 =	vadd.f32 v1, v2;
	v1 =	vld [tilespmem:$0x1FF80]  }
0x9d: {  	v11 =	vmul.f32 v15, v6;
	s13 =	sshra.s32 s13, $0x2;
	v46 =	vld [tilespmem:s8+$0x9];
	v7 =	vmul.f32 v10, v8  }
0x9e: {  	v35 =	vmul.f32 v35, v6;
	s24 =	sadd.s32 $0x0, s13;
	v26 =	vld [tilespmem:s12+$0x1510];
	v47 =	vmul.f32 v50, v6  }
0x9f: {  	v25 =	vld [tilespmem:s24+$0x1580];
	v50 =	vadd.f32 v7, v9;
	v9 =	vmul.f32 v17, v8;
	[tilespmem:$0x1FFE0] =	vst v3;
	v3 =	vmul.f32 v4, v8  }
0xa0: {  	v20 =	vld [tilespmem:s24+$0x1590];
	v10 =	vmul.f32 v36, v6;
	v7 =	vmul.f32 v38, v8  }
0xa1: {  	v1 =	vmul.f32 v1, v8;
	v51 =	vadd.f32 v3, v47;
	v47 =	vadd.f32 v9, v11;
	v11 =	vld [tilespmem:$0x1FF70]  }
0xa2: {  	v36 =	vadd.f32 v7, v10;
	v7 =	vld [tilespmem:$0x1FFA0]  }
0xa3: {  	v9 =	vmul.f32 v40, v6;
	v40 =	vadd.f32 v1, v35;
	v1 =	vld [tilespmem:$0x1FF90]  }
0xa4: {  	v28 =	vmul.f32 v43, v6;
	v48 =	vld [tilespmem:s8+$0x8]  }
0xa5: {  	(v2sf) =	vpush v52, $0x0;
	v52 =	vld [tilespmem:s2+$0xCA0]  }
0xa6: {  	(v2sf) =	vpush v53, $0x0;
	(xrf2) =	vadd.scan.msk.f32 $0xffff, v16;
	v16 =	vadd.f32 v30, v28;
	v30 =	vld [tilespmem:s14+$0x1420];
	v11 =	vmul.f32 v11, v8  }
0xa7: {  	(v2sf) =	vpush v54, $0x0;
	v28 =	vld [tilespmem:s15+$0x10B0];
	s31 =	spop (v2sf)  }
0xa8: {  	s23 =	sshll.u32 s31, $0x8;
	s17 =	sand.u32 $0x1, s31;
	v10 =	vmul.f32 v7, v8;
	v1 =	vmul.f32 v1, v6;
	v38 =	vadd.f32 v11, v9;
	v11 =	vld [tilespmem:$0x1FFB0]  }
0xa9: {  	(v2sf) =	vpush v55, $0x0;
	v55 =	vld [tilespmem:s7+$0xEA0];
	s13 =	sand.u32 $0xFFFFFE00, s23;
	s17 =	sshll.u32 s17, $0x8  }
0xaa: {  	s26 =	sor.u32 s17, s13;
	s25 =	spop (v2sf);
	v35 =	vadd.f32 v10, v1;
	v10 =	vld [tilespmem:$0x1FFC0]  }
0xab: {  	v7 =	vld [tilespmem:s1+$0xC20];
	s8 =	sshra.s32 s26, $0x2;
	s30 =	sshll.u32 s25, $0x8;
	s31 =	sand.u32 $0x1, s25  }
0xac: {  	s8 =	sadd.s32 $0x480, s8;
	(v2sf) =	vpush v56, $0x0;
	v56 =	vld [tilespmem:s9+$0xF20];
	s13 =	sand.u32 $0xFFFFFE00, s30;
	s17 =	sshll.u32 s31, $0x8  }
0xad: {  	v27 =	vmul.f32 v27, v8;
	v5 =	vld [tilespmem:s8+$0x0];
	s13 =	sor.u32 s17, s13;
	v11 =	vmul.f32 v11, v6  }
0xae: {  	v4 =	vld [tilespmem:s8+$0x10];
	s13 =	sshra.s32 s13, $0x2  }
0xaf: {  	v3 =	vld [tilespmem:s8+$0x20];
	s13 =	sadd.s32 $0xA80, s13;
	v10 =	vmul.f32 v10, v6;
	v53 =	vadd.f32 v27, v11;
	v11 =	vmul.f32 v33, v8  }
0xb0: {  	(v2sf) =	vpush v57, $0x0;
	v14 =	vld [tilespmem:s13+$0x1610]  }
0xb1: {  	v2 =	vld [tilespmem:s8+$0x30];
	v54 =	vadd.f32 v11, v10;
	v10 =	vmul.f32 v32, v6;
	v11 =	vmul.f32 v39, v8  }
0xb2: {  	v57 =	vld [tilespmem:s10+$0xFA0];
	(v2sf) =	vpush v58, $0x0  }
0xb3: {  	v58 =	vld [tilespmem:s11+$0x1020];
	v39 =	vadd.f32 v11, v10;
	v10 =	vmul.f32 v37, v6;
	v11 =	vmul.f32 v42, v8  }
0xb4: {  	(v2sf) =	vpush v59, $0x0;
	v17 =	vld [tilespmem:s13+$0x1600]  }
0xb5: {  	(v2sf) =	vpush v60, $0x0;
	v37 =	vadd.f32 v11, v10;
	v11 =	vmul.f32 v14, v4;
	v14 =	vld [tilespmem:$0x1FFD0]  }
0xb6: {  	v59 =	vld [tilespmem:s15+$0x10A0];
	(v2sf) =	vpush v61, $0x0  }
0xb7: {  	v7 =	vmul.f32 v7, v12;
	v60 =	vld [tilespmem:s16+$0x1120];
	(v2sf) =	vpush v62, $0x0  }
0xb8: {  	v61 =	vld [tilespmem:s18+$0x11A0];
	(v2sf) =	vpush v63, $0x0  }
0xb9: {  	v7 =	vadd.f32 v7, v50;
	v50 =	vld [tilespmem:s20+$0x12B0];
	(v2sf) =	vpush v18, $0x0;
	v18 =	vmul.f32 v29, v8  }
0xba: {  	v15 =	vld [tilespmem:s13+$0x1620];
	v10 =	vmul.f32 v17, v5;
	v17 =	vmul.f32 v14, v6  }
0xbb: {  	v9 =	vld [tilespmem:s13+$0x1630]  }
0xbc: {  	v10 =	vadd.f32 v11, v10;
	v11 =	vadd.f32 v18, v17;
	v17 =	vld [tilespmem:$0x1FFE0]  }
0xbd: {  	v1 =	vld [tilespmem:s3+$0xD20];
	(v2sf) =	vpush v21, $0x0  }
0xbe: {  	v29 =	vld [tilespmem:s10+$0xFB0];
	(v2sf) =	vpush v23, $0x0  }
0xbf: {  	(v2sf) =	vpush v19, $0x0;
	v19 =	vmul.f32 v31, v6;
	v31 =	vld [tilespmem:s3+$0xD30]  }
0xc0: {  	v15 =	vmul.f32 v15, v3;
	v27 =	vld [tilespmem:s4+$0xDA0]  }
0xc1: {  	v33 =	vld [tilespmem:s5+$0xE20];
	v18 =	vmov s0;
	v17 =	vmul.f32 v17, v8  }
0xc2: {  	v9 =	vmul.f32 v9, v2;
	s3 =	spop (v2sf);
	v15 =	vadd.f32 v15, v10;
	vm0 =	veq.s32 v18, v0;
	v18 =	vld [tilespmem:s4+$0xDB0]  }
0xc3: {  	s29 =	sshll.u32 s3, $0x8;
	s10 =	sand.u32 $0x1, s3;
	s4 =	spop (v2sf);
	v10 =	vadd.f32 v17, v19;
	v17 =	vld [tilespmem:$0x1FFF0]  }
0xc4: {  	s10 =	sshll.u32 s10, $0x8;
	v15 =	vadd.f32 v9, v15;
	v9 =	vld [tilespmem:s5+$0xE30];
	s5 =	spop (v2sf);
	s2 =	sshll.u32 s4, $0x8  }
0xc5: {  	(v2sf) =	vpush v24, $0x0;
	v24 =	vld [tilespmem:s1+$0xC30];
	s4 =	sand.u32 $0x1, s4;
	s8 =	spop (v2sf);
	s26 =	sshll.u32 s5, $0x8  }
0xc6: {  	v21 =	vld [tilespmem:s21+$0x1320];
	s28 =	sand.u32 $0x1, s5;
	s2 =	sand.u32 $0xFFFFFE00, s2;
	s4 =	sshll.u32 s4, $0x8  }
0xc7: {  	v20 =	vmul.f32 v20, v8;
	v30 =	vmul.f32 v30, v12;
	v32 =	vld [tilespmem:s9+$0xF30];
	s9 =	spop (v2sf);
	s23 =	sshll.u32 s8, $0x8;
	s25 =	sand.u32 $0x1, s8  }
0xc8: {  	v23 =	vld [tilespmem:s22+$0x13A0];
	s26 =	sand.u32 $0xFFFFFE00, s26;
	s15 =	spop (v2sf);
	s13 =	sshll.u32 s9, $0x8;
	v17 =	vmul.f32 v17, v6;
	v6 =	vmul.f32 v25, v6  }
0xc9: {  	v62 =	vld [tilespmem:s20+$0x12A0];
	v1 =	vmul.f32 v1, v12;
	(v2sf) =	vpush v49, $0x0;
	s17 =	sand.u32 $0x1, s9;
	s23 =	sand.u32 $0xFFFFFE00, s23;
	s1 =	sshll.u32 s15, $0x8;
	v25 =	vmul.f32 v52, v12  }
0xca: {  	(v2sf) =	vpush v48, $0x0;
	v48 =	vld [tilespmem:s19+$0x1230];
	v24 =	vmul.f32 v24, v13;
	s3 =	sand.u32 $0x1, s15;
	s13 =	sand.u32 $0xFFFFFE00, s13;
	s17 =	sshll.u32 s17, $0x8;
	v6 =	vadd.f32 v20, v6  }
0xcb: {  	s13 =	sor.u32 s17, s13;
	s3 =	sshll.u32 s3, $0x8;
	v20 =	vadd.f32 v25, v22;
	v25 =	vadd.f32 v1, v51;
	v1 =	vmul.f32 v33, v12;
	v33 =	vld [tilespmem:s16+$0x1130];
	s16 =	spop (v2sf)  }
0xcc: {  	v63 =	vmul.f32 v57, v12;
	v21 =	vmul.f32 v21, v12;
	v14 =	vld [tilespmem:s6+$0x14A0];
	(xrf2) =	vadd.scan.msk.f32 $0xffff, v15;
	s13 =	sshra.s32 s13, $0x2;
	s30 =	spop (v2sf);
	s0 =	sshll.u32 s16, $0x8  }
0xcd: {  	(v2sf) =	vpush v46, $0x0;
	v46 =	vld [tilespmem:s18+$0x11B0];
	v23 =	vmul.f32 v23, v12;
	v7 =	vadd.f32 v24, v7;
	s8 =	sand.u32 $0x1, s16;
	s16 =	simm.s32 $0x1;
	s31 =	spop (v2sf)  }
0xce: {  	v42 =	vld [tilespmem:s19+$0x1220];
	v19 =	vmul.f32 v26, v8;
	v26 =	vmul.f32 v55, v12;
	s15 =	sshll.u32 s30, $0x8;
	s18 =	sand.u32 $0x1, s30;
	s30 =	sand.u32 $0xFFFFFE00, s29  }
0xcf: {  	(xrf2) =	vadd.scan.msk.f32 $0xffff, v7;
	v7 =	vadd.f32 v23, v16;
	v55 =	vmul.f32 v60, v12;
	v60 =	vld [tilespmem:s12+$0x1520];
	v22 =	vmul.f32 v27, v12;
	s17 =	sand.u32 $0xFFFFFE00, s0;
	s8 =	sshll.u32 s8, $0x8;
	s5 =	spop (v2sf)  }
0xd0: {  	v16 =	vadd.f32 v30, v11;
	v11 =	vmul.f32 v31, v13;
	v26 =	vadd.f32 v26, v36;
	v27 =	vld [tilespmem:s11+$0x1030];
	s9 =	sshll.u32 s31, $0x8;
	s11 =	sand.u32 $0x1, s31;
	s31 =	simm.s32 $0x1  }
0xd1: {  	v14 =	vmul.f32 v14, v12;
	v22 =	vadd.f32 v22, v47;
	v34 =	vadd.f32 v1, v34;
	v47 =	vld [tilespmem:s21+$0x1330];
	s21 =	sor.u32 s10, s30;
	s8 =	sor.u32 s8, s17;
	s19 =	spop (v2sf)  }
0xd2: {  	v8 =	vld [tilespmem:s7+$0xEB0];
	v1 =	vmul.f32 v56, v12;
	v56 =	vmul.f32 v61, v12;
	v61 =	vmov s16;
	s7 =	sshll.u32 s5, $0x8;
	[dreg:$0x2] =	wrdreg s31;
	s16 =	sand.u32 $0x1, s5  }
0xd3: {  	v36 =	vadd.f32 v63, v40;
	v63 =	vld [tilespmem:s24+$0x15A0];
	v14 =	vadd.f32 v14, v10;
	v52 =	vmul.f32 v58, v12;
	s31 =	sor.u32 s4, s2;
	s20 =	sshra.s32 s21, $0x2;
	s8 =	sshra.s32 s8, $0x2  }
0xd4: {  	v24 =	vld [tilespmem:s6+$0x14B0];
	v43 =	vmul.f32 v60, v12;
	v38 =	vadd.f32 v1, v38;
	v1 =	vmul.f32 v59, v12;
	s9 =	sand.u32 $0xFFFFFE00, s9;
	s11 =	sshll.u32 s11, $0x8;
	s30 =	spop (v2sf)  }
0xd5: {  	v17 =	vadd.f32 v19, v17;
	v19, _, _ =	vpop (xrf2);
	v35 =	vadd.f32 v52, v35;
	v59 =	vmul.f32 v62, v12;
	v62 =	vld [tilespmem:s14+$0x1430];
	s5 =	sshll.u32 s19, $0x8;
	s10 =	sand.u32 $0x1, s19;
	s14 =	sshra.s32 s31, $0x2  }
0xd6: {  	v15 =	vbroadcast v19, $0xF;
	v58, _, _ =	vpop (xrf2);
	s9 =	sor.u32 s11, s9;
	v57 =	vadd.f32 v1, v53;
	v1 =	vmul.f32 v42, v12;
	v42 =	vld [tilespmem:s22+$0x13B0];
	s22 =	spop (v2sf);
	s31 =	sadd.s32 $0xA80, s14  }
0xd7: {  	v19 =	vimm.f32 $0.0e+00;
	v52 =	vbroadcast v58, $0xF;
	v11 =	vadd.f32 v11, v25;
	s4 =	sshll.u32 s30, $0x8;
	s6 =	sand.u32 $0x1, s30;
	s30 =	sshll.u32 s28, $0x8;
	v25 =	vld [tilespmem:s31+$0xC80]  }
0xd8: {  	v10 =	vmul.f32 v63, v12;
	v15 =	vsel vm0, v15, v19;
	vm1 =	veq.s32 v61, v0;
	s9 =	sshra.s32 s9, $0x2;
	s10 =	sshll.u32 s10, $0x8;
	s19 =	spop (v2sf);
	v31 =	vld [tilespmem:s31+$0xC90]  }
0xd9: {  	s2 =	sshll.u32 s22, $0x8;
	s14 =	sand.u32 $0x1, s22;
	s22 =	smov.u32 s31;
	v39 =	vadd.f32 v1, v39;
	v1 =	vsel vm1, v52, v15;
	v15 =	vmul.f32 v45, v13;
	v45 =	vld [tilespmem:s12+$0x1530]  }
0xda: {  	v12 =	vadd.f32 v43, v17;
	v17 =	vmul.f32 v18, v13;
	v18 =	vmul.f32 v28, v13;
	s31 =	sand.u32 $0xFFFFFE00, s1;
	s28 =	sadd.s32 $0xA80, s9;
	v52 =	vld [tilespmem:s24+$0x15B0];
	s24 =	sadd.s32 $0xA80, s20  }
0xdb: {  	s20 =	sor.u32 s30, s26;
	s30 =	sshll.u32 s25, $0x8;
	s26 =	sadd.s32 $0xA80, s13;
	v23 =	vld [tilespmem:s24+$0xC00];
	v15 =	vadd.f32 v15, v20  }
0xdc: {  	v24 =	vmul.f32 v24, v13;
	v49 =	vadd.f32 v55, v54;
	s3 =	sor.u32 s3, s31;
	v55 =	vadd.f32 v18, v57;
	s0 =	sand.u32 $0x1, s19;
	s20 =	sshra.s32 s20, $0x2;
	v57 =	vld [tilespmem:s26+$0xE00]  }
0xdd: {  	v9 =	vmul.f32 v9, v13;
	v40 =	vadd.f32 v56, v41;
	v41 =	vadd.f32 v59, v44;
	s21 =	sor.u32 s30, s23;
	s3 =	sshra.s32 s3, $0x2;
	v59 =	vld [tilespmem:s26+$0xE10];
	s23 =	sadd.s32 $0xA80, s20;
	(xrf2) =	vadd.scan.msk.f32 $0xffff, v15  }
0xde: {  	v30 =	vadd.f32 v10, v6;
	v10 =	vadd.f32 v17, v22;
	s21 =	sshra.s32 s21, $0x2;
	s20 =	sshll.u32 s19, $0x8;
	s17 =	sadd.s32 $0xA80, s3;
	v22 =	vld [tilespmem:s23+$0xD00];
	(xrf2) =	vadd.scan.msk.f32 $0xffff, v11;
	v11 =	vmul.f32 v27, v13  }
0xdf: {  	v21 =	vadd.f32 v21, v37;
	v6 =	vmul.f32 v8, v13;
	v17 =	vmul.f32 v29, v13;
	s19 =	sand.u32 $0xFFFFFE00, s15;
	s25 =	sadd.s32 $0xA80, s21;
	v29 =	vld [tilespmem:s23+$0xD10];
	s21 =	sshll.u32 s18, $0x8  }
0xe0: {  	v8 =	vmul.f32 v32, v13;
	s12 =	spop (v2sf);
	s15 =	sadd.s32 $0xA80, s8;
	v60 =	vld [tilespmem:s17+$0xE80];
	s13 =	sor.u32 s21, s19;
	(xrf2) =	vadd.scan.msk.f32 $0xffff, v10;
	v27 =	vadd.f32 v11, v35;
	v11 =	vmul.f32 v48, v13  }
0xe1: {  	vm0 =	vmmov vm0;
	v9 =	vadd.f32 v9, v34;
	s31 =	sshll.u32 s16, $0x8;
	s30 =	sand.u32 $0xFFFFFE00, s7;
	v20 =	vmul.f32 v33, v13;
	v63 =	vld [tilespmem:s15+$0xF00];
	s13 =	sshra.s32 s13, $0x2  }
0xe2: {  	v6 =	vadd.f32 v6, v26;
	v8 =	vadd.f32 v8, v38;
	s11 =	sor.u32 s31, s30;
	v15 =	vld [tilespmem:s24+$0xC10];
	v10 =	vmul.f32 v46, v13;
	s18 =	sadd.s32 $0xA80, s13;
	s13 =	sand.u32 $0xFFFFFE00, s5  }
0xe3: {  	v18 =	vmul.f32 v50, v13;
	s7 =	sand.u32 $0x1, s12;
	v17 =	vadd.f32 v17, v36;
	s11 =	sshra.s32 s11, $0x2;
	v28 =	vld [tilespmem:s25+$0xD80];
	v56 =	vadd.f32 v20, v49;
	(xrf2) =	vadd.scan.msk.f32 $0xffff, v9;
	s9 =	sor.u32 s10, s13  }
0xe4: {  	s3 =	sshll.u32 s12, $0x8;
	v54 =	vld [tilespmem:s25+$0xD90];
	v20 =	vmul.f32 v47, v13;
	s12 =	sadd.s32 $0xA80, s11;
	v58 =	vadd.f32 v10, v40;
	s9 =	sshra.s32 s9, $0x2;
	v10 =	vadd.f32 v11, v39;
	v11, _, _ =	vpop (xrf2)  }
0xe5: {  	s6 =	sshll.u32 s6, $0x8;
	v26 =	vmul.f32 v42, v13;
	v42 =	vadd.f32 v24, v14;
	s21 =	sand.u32 $0xFFFFFE00, s4;
	v49 =	vld [tilespmem:s12+$0x1090];
	s13 =	sadd.s32 $0xA80, s9;
	v9 =	vbroadcast v11, $0xF  }
0xe6: {  	s2 =	sand.u32 $0xFFFFFE00, s2;
	s1 =	spop (v2sf);
	s6 =	sor.u32 s6, s21;
	(xrf2) =	vadd.scan.msk.f32 $0xffff, v6;
	v50 =	vld [tilespmem:s13+$0x1100];
	v11 =	vadd.f32 v18, v41;
	v18 =	vadd.f32 v20, v21;
	v20 =	vmul.f32 v62, v13  }
0xe7: {  	s0 =	sshll.u32 s0, $0x8;
	s8 =	spop (v2sf);
	s6 =	sshra.s32 s6, $0x2;
	v51 =	vld [tilespmem:s13+$0x1110];
	v21 =	vadd.f32 v26, v7;
	v61, _, _ =	vpop (xrf2);
	v6 =	vsel vm0, v9, v19;
	v9 =	vmul.f32 v45, v13  }
0xe8: {  	s16 =	sshll.u32 s1, $0x8;
	s11 =	smov.u32 s17;
	v62 =	vld [tilespmem:s17+$0xE90];
	s17 =	sadd.s32 $0xA80, s6;
	v20 =	vadd.f32 v20, v16;
	(xrf2) =	vadd.scan.msk.f32 $0xffff, v8;
	v8 =	vmul.f32 v52, v13;
	v13 =	vmul.f32 v23, v5;
	v14, _, _ =	vpop (xrf2)  }
0xe9: {  	s1 =	sand.u32 $0x1, s1;
	s7 =	sshll.u32 s7, $0x8;
	s30 =	sand.u32 $0xFFFFFE00, s20;
	v53 =	vld [tilespmem:s17+$0x1180];
	(xrf2) =	vadd.scan.msk.f32 $0xffff, v17;
	v48 =	vadd.f32 v9, v12;
	v9 =	vmul.f32 v15, v4;
	v12 =	vbroadcast v14, $0xF  }
0xea: {  	s31 =	sshll.u32 s8, $0x8;
	s10 =	smov.u32 s23;
	s23 =	sshll.u32 s14, $0x8;
	v16 =	vld [tilespmem:s15+$0xF10];
	v44 =	vadd.f32 v8, v30;
	v14 =	vmul.f32 v25, v5;
	v15 =	vmul.f32 v31, v4;
	v24, _, _ =	vpop (xrf2);
	(xrf2) =	vadd.scan.msk.f32 $0xffff, v27  }
0xeb: {  	s1 =	sshll.u32 s1, $0x8;
	s0 =	sor.u32 s0, s30;
	s2 =	sor.u32 s23, s2;
	v23 =	vld [tilespmem:s18+$0xF80];
	v26 =	vadd.f32 v9, v13;
	v8 =	vsel vm0, v12, v19;
	v9 =	vbroadcast v24, $0xF  }
0xec: {  	s0 =	sshra.s32 s0, $0x2;
	s2 =	sshra.s32 s2, $0x2;
	s6 =	sand.u32 $0xFFFFFE00, s3;
	v17 =	vld [tilespmem:s18+$0xF90];
	v12 =	vmul.f32 v22, v5;
	v27 =	vadd.f32 v15, v14;
	v14 =	vmul.f32 v29, v4  }
0xed: {  	s14 =	sand.u32 $0x1, s8;
	s19 =	sadd.s32 $0xA80, s2;
	s2 =	sor.u32 s7, s6;
	v25 =	vld [tilespmem:s28+$0x1000];
	v15 =	vmul.f32 v28, v5;
	v24, _, _ =	vpop (xrf2);
	v29 =	vmul.f32 v54, v4  }
0xee: {  	s8 =	smov.u32 s15;
	s15 =	sand.u32 $0xFFFFFE00, s16;
	s2 =	sshra.s32 s2, $0x2;
	v7 =	vbroadcast v61, $0xF;
	v13 =	vld [tilespmem:s28+$0x1010];
	(xrf2) =	vadd.scan.msk.f32 $0xffff, v55;
	v28 =	vadd.f32 v14, v12;
	v12 =	vbroadcast v24, $0xF  }
0xef: {  	s23 =	sadd.s32 $0xA80, s0;
	s0 =	sor.u32 s1, s15;
	s21 =	sadd.s32 $0xA80, s2;
	v22 =	vld [tilespmem:s12+$0x1080];
	v24 =	vmul.f32 v57, v5;
	v29 =	vadd.f32 v29, v15;
	v15 =	vmul.f32 v59, v4  }
0xf0: {  	v31 =	vmul.f32 v60, v5;
	s0 =	sshra.s32 s0, $0x2;
	v60 =	vld [tilespmem:s21+$0x1310];
	v30, _, _ =	vpop (xrf2);
	v16 =	vmul.f32 v16, v4;
	v14 =	vsel vm0, v12, v19  }
0xf1: {  	s20 =	sadd.s32 $0xA80, s0;
	v55 =	vld [tilespmem:s17+$0x1190];
	v12 =	vbroadcast v30, $0xF;
	v30 =	vadd.f32 v15, v24;
	v24 =	vmul.f32 v63, v5  }
0xf2: {  	v7 =	vsel vm0, v7, v19;
	v52 =	vmul.f32 v62, v4;
	v61 =	vld [tilespmem:s20+$0x1390];
	(xrf2) =	vadd.scan.msk.f32 $0xffff, v56;
	v23 =	vmul.f32 v23, v5;
	v54, _, _ =	vpop (xrf2)  }
0xf3: {  	v56 =	vld [tilespmem:s19+$0x1200];
	v25 =	vmul.f32 v25, v5;
	(xrf2) =	vadd.scan.msk.f32 $0xffff, v58;
	v32 =	vadd.f32 v16, v24;
	v16 =	vmul.f32 v17, v4;
	v17, _, _ =	vpop (xrf2)  }
0xf4: {  	s30 =	sand.u32 $0xFFFFFE00, s31;
	s31 =	sshll.u32 s14, $0x8;
	v31 =	vadd.f32 v52, v31;
	v57 =	vld [tilespmem:s23+$0x1280];
	(xrf2) =	vadd.scan.msk.f32 $0xffff, v10;
	v10 =	vmul.f32 v13, v4;
	v13 =	vmul.f32 v22, v5;
	v22, _, _ =	vpop (xrf2)  }
0xf5: {  	s4 =	spop (v2sf);
	s9 =	smov.u32 s18;
	s1 =	sor.u32 s31, s30;
	v24 =	vld [tilespmem:s19+$0x1210];
	v17 =	vbroadcast v17, $0xF;
	v33 =	vadd.f32 v16, v23;
	v22 =	vbroadcast v22, $0xF  }
0xf6: {  	s16 =	sshll.u32 s4, $0x8;
	s4 =	sand.u32 $0x1, s4;
	s1 =	sshra.s32 s1, $0x2;
	v58 =	vld [tilespmem:s21+$0x1300];
	v34 =	vadd.f32 v10, v25;
	v10 =	vmul.f32 v50, v5;
	v25 =	vmul.f32 v51, v4  }
0xf7: {  	s3 =	sand.u32 $0xFFFFFE00, s16;
	s4 =	sshll.u32 s4, $0x8;
	s18 =	sadd.s32 $0xA80, s1;
	v23 =	vld [tilespmem:s23+$0x1290];
	(xrf2) =	vadd.scan.msk.f32 $0xffff, v11;
	v16 =	vsel vm0, v17, v19;
	v17 =	vmul.f32 v49, v4;
	v11 =	vsel vm0, v22, v19  }
0xf8: {  	s0 =	sor.u32 s4, s3;
	v62 =	vld [tilespmem:s18+$0x1400];
	v59, _, _ =	vpop (xrf2);
	v22 =	vmul.f32 v53, v5;
	v38 =	vadd.f32 v25, v10;
	v25 =	vmul.f32 v55, v4  }
0xf9: {  	s0 =	sshra.s32 s0, $0x2;
	v15 =	vsel vm0, v12, v19;
	v35 =	vadd.f32 v17, v13;
	v13 =	vbroadcast v59, $0xF;
	v17 =	vld [tilespmem:s20+$0x1380]  }
0xfa: {  	s15 =	sadd.s32 $0xA80, s0;
	v12 =	vbroadcast v54, $0xF;
	v24 =	vmul.f32 v24, v4;
	v40 =	vadd.f32 v25, v22;
	v25 =	vld [tilespmem:s18+$0x1410]  }
0xfb: {  	v9 =	vsel vm0, v9, v19;
	v36 =	vmul.f32 v56, v5;
	v22 =	vmul.f32 v57, v5;
	v57 =	vld [tilespmem:s15+$0x1480]  }
0xfc: {  	s5 =	spop (v2sf);
	v12 =	vsel vm0, v12, v19;
	v63 =	vmul.f32 v58, v5;
	v23 =	vmul.f32 v23, v4  }
0xfd: {  	s6 =	sshll.u32 s5, $0x8;
	s7 =	spop (v2sf);
	s1 =	sand.u32 $0x1, s5;
	v58 =	vmul.f32 v60, v4;
	v59 =	vmul.f32 v61, v4;
	v10 =	vsel vm0, v13, v19;
	v13, _, _ =	vpop (xrf2)  }
0xfe: {  	s14 =	sshll.u32 s7, $0x8;
	s1 =	sshll.u32 s1, $0x8;
	s0 =	sand.u32 $0xFFFFFE00, s6;
	v61 =	vmul.f32 v62, v5;
	v37 =	vadd.f32 v24, v36;
	v13 =	vbroadcast v13, $0xF;
	v24, _, _ =	vpop (xrf2)  }
0xff: {  	s16 =	sand.u32 $0x1, s7;
	s7 =	simm.s32 $0x2B4;
	s0 =	sor.u32 s1, s0;
	v39 =	vadd.f32 v23, v22;
	v22 =	vmul.f32 v17, v5;
	v24 =	vbroadcast v24, $0xF  }
0x100: {  	v46 =	vld [tilespmem:s7+$0xA];
	s4 =	simm.s32 $0x202;
	s0 =	sshra.s32 s0, $0x2;
	v41 =	vadd.f32 v58, v63;
	v23, _, _ =	vpop (xrf2);
	v62 =	vmul.f32 v25, v4;
	v63 =	vmul.f32 v57, v5  }
0x101: {  	s30 =	sand.u32 $0xFFFFFE00, s14;
	s1 =	sshll.u32 s16, $0x8;
	s16 =	sadd.s32 $0xA80, s0;
	v36 =	vld [tilespmem:s4+$0x0];
	v25 =	vimm.f32 $0.0e+00;
	v13 =	vsel vm0, v13, v19;
	v23 =	vbroadcast v23, $0xF  }
0x102: {  	s31 =	sor.u32 s1, s30;
	v50 =	vld [tilespmem:s16+$0x1500];
	(xrf2) =	vadd.scan.msk.f32 $0xffff, v18;
	v43 =	vadd.f32 v59, v22;
	v17 =	vsel vm0, v24, v19;
	v24 =	vimm.f32 $0.0e+00  }
0x103: {  	s14 =	simm.s32 $0x5400;
	s0 =	sshra.s32 s31, $0x2;
	v55 =	vld [tilespmem:s15+$0x1490];
	v22, _, _ =	vpop (xrf2);
	v18 =	vsel vm0, v23, v19;
	(xrf2) =	vadd.scan.msk.f32 $0xffff, v21;
	v23 =	vimm.f32 $0.0e+00;
	v21 =	vimm.f32 $0.0e+00  }
0x104: {  	s2 =	simm.s32 $0x480;
	s29 =	sadd.s32 $0xA80, s0;
	s0 =	simm.s32 $0x7E00;
	v57 =	vld [tilespmem:s7+$0xFFFFFFF6];
	v60 =	vbroadcast v22, $0xF;
	(xrf2) =	vadd.scan.msk.f32 $0xffff, v20;
	v22 =	vimm.f32 $0.0e+00;
	v20 =	vimm.f32 $0.0e+00  }
.LBB2_3:
0x105: {  	_ = 	snop  }
0x106: {  	v47 =	vld [tilespmem:s7+$0xFFFFFFF7];
	(v2sf) =	vpush v36, $0x0  }
0x107: {  	v51 =	vld [tilespmem:s7+$0xFFFFFFF8]  }
0x108: {  	(v2sf) =	vpush v46, $0x0  }
0x109: {  	v52 =	vld [tilespmem:s7+$0xFFFFFFF9]  }
0x10a: {  	(v2sf) =	vpush v57, $0x0  }
0x10b: {  	(v2sf) =	vpush v47, $0x0  }
0x10c: {  	(v2sf) =	vpush v51, $0x0  }
0x10d: {  	v49 =	vmul.f32 v55, v4  }
0x10e: {  	[smem:$0x7EF] =	sst s20;
	(v2sf) =	vpush v52, $0x0  }
0x10f: {  	[smem:$0x7EE] =	sst s21;
	(xrf2) =	vadd.scan.msk.f32 $0xffff, v42;
	v42 =	vadd.f32 v49, v63;
	v63 =	vld [tilespmem:s7+$0xFFFFFFFA]  }
0x110: {  	[smem:$0x7F0] =	sst s18  }
0x111: {  	[smem:$0x7F1] =	sst s15;
	v46 =	vld [tilespmem:s7+$0xFFFFFFFB]  }
0x112: {  	[dreg:$0x1f] =	wrdreg s16  }
0x113: {  	[dreg:$0x5] =	wrdreg s0;
	v58 =	vld [tilespmem:s7+$0xFFFFFFFC]  }
0x114: {  	[dreg:$0x4] =	wrdreg s4;
	(v2sf) =	vpush v63, $0x0  }
0x115: {  	p0 =	sne.s32 s0, $0x27600;
	v59 =	vld [tilespmem:s7+$0xFFFFFFFD];
	s2 =	sadd.s32 $0x80, s2;
	s3 =	spop (v2sf)  }
0x116: {  	v45 =	vadd.f32 v62, v61;
	[dreg:$0x3] =	wrdreg s2;
	v62, _, _ =	vpop (xrf2);
	v49 =	vmul.f32 v50, v5;
	(xrf2) =	vadd.scan.msk.f32 $0xffff, v48;
	v50 =	vld [tilespmem:s7+$0x2];
	(v2sf) =	vpush v46, $0x0;
	s1 =	sshll.u32 s3, $0x8;
	s0 =	sand.u32 $0x1, s3  }
0x117: {  	v56, _, _ =	vpop (xrf2);
	(xrf2) =	vadd.scan.msk.f32 $0xffff, v44;
	v44 =	vld [tilespmem:s7+$0xFFFFFFFE];
	s4 =	spop (v2sf);
	s3 =	rddreg [dreg:$0x3];
	s1 =	sand.u32 $0xFFFFFE00, s1  }
0x118: {  	v47 =	vld [tilespmem:s7+$0xFFFFFFFF];
	(v2sf) =	vpush v58, $0x0;
	s0 =	sshll.u32 s0, $0x8;
	s5 =	sshll.u32 s4, $0x8;
	s2 =	sand.u32 $0x1, s4  }
0x119: {  	v53 =	vbroadcast v62, $0xF;
	v62 =	vld [tilespmem:s7+$0x0];
	s30 =	spop (v2sf);
	s0 =	sor.u32 s0, s1;
	s1 =	sand.u32 $0xFFFFFE00, s5  }
0x11a: {  	v52 =	vld [tilespmem:s7+$0x1];
	(v2sf) =	vpush v59, $0x0;
	s2 =	sshll.u32 s2, $0x8;
	s31 =	spop (v2sf);
	s0 =	sshra.s32 s0, $0x2  }
0x11b: {  	v57 =	vld [tilespmem:s7+$0x3];
	s6 =	sor.u32 s2, s1;
	s5 =	spop (v2sf);
	s4 =	sand.u32 $0x1, s31  }
0x11c: {  	v19 =	vsel vm0, v60, v19;
	v48 =	vld [tilespmem:s7+$0x4];
	v60, _, _ =	vpop (xrf2);
	(v2sf) =	vpush v44, $0x0;
	s3 =	sadd.s32 s0, s3;
	s2 =	sshra.s32 s6, $0x2;
	s0 =	sshll.u32 s30, $0x8  }
0x11d: {  	v54 =	vbroadcast v56, $0xF;
	v56 =	vld [tilespmem:s7+$0x7];
	v61 =	vbroadcast v60, $0xF;
	(v2sf) =	vpush v47, $0x0;
	s6 =	sand.u32 $0x1, s30;
	s30 =	sshll.u32 s31, $0x8;
	s1 =	spop (v2sf)  }
0x11e: {  	v59 =	vld [tilespmem:s7+$0x5];
	(v2sf) =	vpush v62, $0x0;
	[dreg:$0x7] =	wrdreg s4;
	s31 =	sshll.u32 s5, $0x8;
	s5 =	sand.u32 $0x1, s5  }
0x11f: {  	v63, _, _ =	vpop (xrf2);
	v24 =	vsel vm0, v61, v24;
	v61 =	vld [tilespmem:s7+$0x6];
	(v2sf) =	vpush v52, $0x0;
	[dreg:$0x8] =	wrdreg s5;
	s5 =	sshll.u32 s1, $0x8  }
0x120: {  	v36 =	vbroadcast v63, $0xF;
	v63 =	vld [tilespmem:s7+$0x8];
	v58, _, _ =	vpop (xrf2);
	(v2sf) =	vpush v50, $0x0;
	s1 =	sand.u32 $0x1, s1;
	[dreg:$0x9] =	wrdreg s5  }
0x121: {  	v60 =	vbroadcast v58, $0xF;
	v58 =	vld [tilespmem:s29+$0x1580];
	(v2sf) =	vpush v57, $0x0;
	s0 =	sand.u32 $0xFFFFFE00, s0;
	[dreg:$0xa] =	wrdreg s1  }
0x122: {  	v57 =	vld [tilespmem:s16+$0x1510];
	(v2sf) =	vpush v48, $0x0;
	s6 =	sshll.u32 s6, $0x8;
	[smem:$0x7D2] =	sst s0  }
0x123: {  	(v2sf) =	vpush v59, $0x0;
	v59 =	vld [tilespmem:s29+$0x1590];
	s4 =	spop (v2sf);
	[smem:$0x7D3] =	sst s6  }
0x124: {  	s14 =	sshra.s32 s14, $0x2;
	v21 =	vsel vm0, v60, v21;
	v62, _, _ =	vpop (xrf2);
	v60 =	vld [tilespmem:s3+$0x0];
	s6 =	rddreg [dreg:$0x8];
	s1 =	sshll.u32 s4, $0x8  }
0x125: {  	v22 =	vsel vm0, v36, v22;
	v36 =	vbroadcast v62, $0xF;
	(v2sf) =	vpush v61, $0x0;
	v61 =	vld [tilespmem:s3+$0x10];
	s5 =	spop (v2sf);
	s4 =	sand.u32 $0x1, s4;
	[dreg:$0xb] =	wrdreg s1  }
0x126: {  	s2 =	sadd.s32 s14, s2;
	v46 =	vld [tilespmem:s3+$0x20];
	[dreg:$0x11] =	wrdreg s4;
	s4 =	sshll.u32 s5, $0x8  }
0x127: {  	v20 =	vsel vm0, v36, v20;
	v36 =	vld [tilespmem:s3+$0x30];
	s1 =	spop (v2sf);
	s5 =	sand.u32 $0x1, s5;
	[dreg:$0xc] =	wrdreg s4  }
0x128: {  	v62 =	vld [tilespmem:s2+$0x1600];
	[dreg:$0x12] =	wrdreg s5;
	s5 =	sshll.u32 s1, $0x8  }
0x129: {  	v55 =	vld [tilespmem:s2+$0x1610];
	s3 =	spop (v2sf);
	s1 =	sand.u32 $0x1, s1;
	[dreg:$0x13] =	wrdreg s5  }
0x12a: {  	(v2sf) =	vpush v56, $0x0;
	v56 =	vmul.f32 v58, v5;
	v58 =	vld [tilespmem:s2+$0x1620];
	[dreg:$0xd] =	wrdreg s1;
	s4 =	sshll.u32 s3, $0x8  }
0x12b: {  	(v2sf) =	vpush v63, $0x0;
	v63 =	vmul.f32 v57, v4;
	v57 =	vmul.f32 v59, v4;
	v59 =	vld [tilespmem:s2+$0x1630];
	s2 =	spop (v2sf);
	[dreg:$0xe] =	wrdreg s4;
	s4 =	smov.u32 s29  }
0x12c: {  	s5 =	sshll.u32 s2, $0x8;
	[dreg:$0x6] =	wrdreg s4  }
0x12d: {  	s2 =	sand.u32 $0x1, s2;
	[dreg:$0x14] =	wrdreg s5  }
0x12e: {  	s1 =	spop (v2sf);
	s29 =	sand.u32 $0x1, s3;
	[dreg:$0x18] =	wrdreg s2  }
0x12f: {  	s5 =	sshll.u32 s1, $0x8;
	s1 =	sand.u32 $0x1, s1;
	s3 =	spop (v2sf)  }
0x130: {  	v5 =	vmov v60;
	v60 =	vld [tilespmem:s24+$0xC20];
	[dreg:$0x16] =	wrdreg s1;
	s1 =	sshll.u32 s3, $0x8  }
0x131: {  	v52 =	vld [tilespmem:s7+$0x9];
	s2 =	spop (v2sf);
	s3 =	sand.u32 $0x1, s3;
	[dreg:$0x17] =	wrdreg s1  }
0x132: {  	v4 =	vmov v61;
	v50 =	vmul.f32 v62, v5;
	v62 =	vld [tilespmem:s10+$0xD20];
	[dreg:$0xf] =	wrdreg s3;
	s3 =	sshll.u32 s2, $0x8  }
0x133: {  	v51 =	vmul.f32 v55, v4;
	s1 =	spop (v2sf);
	s2 =	sand.u32 $0x1, s2;
	[dreg:$0x10] =	wrdreg s3  }
0x134: {  	v44 =	vadd.f32 v63, v49;
	v47 =	vadd.f32 v57, v56;
	v48 =	vmul.f32 v58, v46;
	v56 =	vld [tilespmem:s26+$0xE20];
	[dreg:$0x19] =	wrdreg s2;
	s2 =	sshll.u32 s1, $0x8  }
0x135: {  	v50 =	vadd.f32 v51, v50;
	v49 =	vmul.f32 v59, v36;
	v59 =	vmul.f32 v60, v3;
	s3 =	spop (v2sf);
	s1 =	sand.u32 $0x1, s1;
	[dreg:$0x15] =	wrdreg s2  }
0x136: {  	(v2sf) =	vpush v52, $0x0;
	[dreg:$0x1a] =	wrdreg s1;
	s1 =	sshll.u32 s3, $0x8  }
0x137: {  	v48 =	vadd.f32 v48, v50;
	v50 =	vadd.f32 v59, v26;
	v26 =	vmul.f32 v62, v3;
	s3 =	sand.u32 $0x1, s3;
	[dreg:$0x1b] =	wrdreg s1  }
0x138: {  	v61 =	vld [tilespmem:s22+$0xCA0];
	[dreg:$0x1c] =	wrdreg s3  }
0x139: {  	s2 =	spop (v2sf);
	v55 =	vadd.f32 v26, v28;
	v26 =	vmul.f32 v56, v3;
	v56 =	vld [tilespmem:s15+$0x14A0];
	s15 =	rddreg [dreg:$0x16]  }
0x13a: {  	v59 =	vld [tilespmem:s24+$0xC30];
	s3 =	sshll.u32 s2, $0x8;
	s24 =	rddreg [dreg:$0x15]  }
0x13b: {  	v63 =	vld [tilespmem:s25+$0xDA0];
	s1 =	spop (v2sf);
	s2 =	sand.u32 $0x1, s2;
	[dreg:$0x1d] =	wrdreg s3  }
0x13c: {  	[smem:$0x7C9] =	sst s2;
	s2 =	sshll.u32 s1, $0x8  }
0x13d: {  	v52 =	vld [tilespmem:s11+$0xEA0];
	s3 =	spop (v2sf);
	s1 =	sand.u32 $0x1, s1;
	[dreg:$0x1e] =	wrdreg s2  }
0x13e: {  	v60 =	vmul.f32 v61, v3;
	[smem:$0x7CA] =	sst s1;
	s1 =	sshll.u32 s3, $0x8  }
0x13f: {  	v62 =	vld [tilespmem:s9+$0xFA0];
	s2 =	spop (v2sf);
	s3 =	sand.u32 $0x1, s3;
	[smem:$0x7CB] =	sst s1  }
0x140: {  	v23 =	vsel vm0, v54, v23;
	v54 =	vadd.f32 v60, v27;
	v27 =	vmul.f32 v63, v3;
	[smem:$0x7CC] =	sst s3;
	s3 =	sshll.u32 s2, $0x8  }
0x141: {  	v28 =	vld [tilespmem:s12+$0x10A0];
	s1 =	spop (v2sf);
	s2 =	sand.u32 $0x1, s2;
	[smem:$0x7CD] =	sst s3  }
0x142: {  	v51 =	vadd.f32 v27, v29;
	v27 =	vmul.f32 v52, v3;
	[smem:$0x7CE] =	sst s2;
	s2 =	sshll.u32 s1, $0x8  }
0x143: {  	s1 =	sand.u32 $0x1, s1;
	[smem:$0x7CF] =	sst s2  }
0x144: {  	v25 =	vsel vm0, v53, v25;
	v61 =	vld [tilespmem:s8+$0xF20];
	v53 =	vadd.f32 v27, v31;
	v27 =	vmul.f32 v62, v3;
	[smem:$0x7D0] =	sst s1  }
0x145: {  	v63 =	vld [tilespmem:s28+$0x1020];
	s1 =	sand.u32 $0xFFFFFE00, s30;
	s30 =	rddreg [dreg:$0x9]  }
0x146: {  	v48 =	vadd.f32 v49, v48;
	s3 =	spop (v2sf);
	v49 =	vadd.f32 v27, v33;
	v27 =	vmul.f32 v28, v3;
	v28 =	vld [tilespmem:s21+$0x1320];
	s21 =	rddreg [dreg:$0xd]  }
0x147: {  	s2 =	sshll.u32 s3, $0x8;
	v33 =	vld [tilespmem:s18+$0x1420];
	s18 =	rddreg [dreg:$0xf]  }
0x148: {  	s3 =	sand.u32 $0x1, s3;
	[smem:$0x7D1] =	sst s2  }
0x149: {  	v29 =	vld [tilespmem:s13+$0x1120];
	[smem:$0x7D6] =	sst s3  }
0x14a: {  	v52 =	vadd.f32 v26, v30;
	v26 =	vmul.f32 v61, v3;
	[smem:$0x7D4] =	sst s1  }
0x14b: {  	s2 =	rddreg [dreg:$0x7]  }
0x14c: {  	(xrf2) =	vadd.scan.msk.f32 $0xffff, v48;
	v48 =	vadd.f32 v26, v32;
	v26 =	vmul.f32 v63, v3;
	s3 =	sand.u32 $0xFFFFFE00, s31;
	s31 =	rddreg [dreg:$0xa]  }
0x14d: {  	s1 =	rddreg [dreg:$0xb]  }
0x14e: {  	v34 =	vadd.f32 v26, v34;
	v26 =	vmul.f32 v29, v3;
	v29 =	vld [tilespmem:s20+$0x13A0];
	s20 =	rddreg [dreg:$0x13]  }
0x14f: {  	v61 =	vld [tilespmem:s19+$0x1220];
	[smem:$0x7D7] =	sst s3  }
0x150: {  	v60 =	vld [tilespmem:s17+$0x11A0];
	s0 =	sshll.u32 s2, $0x8;
	s2 =	rddreg [dreg:$0x11]  }
0x151: {  	s3 =	rddreg [dreg:$0xc]  }
0x152: {  	[smem:$0x7D5] =	sst s0  }
0x153: {  	v58 =	vld [tilespmem:s23+$0x12A0];
	s0 =	sshll.u32 s6, $0x8;
	s6 =	rddreg [dreg:$0x12]  }
0x154: {  	v31 =	vadd.f32 v26, v38;
	v26 =	vmul.f32 v61, v3;
	v61 =	vld [tilespmem:s4+$0x15A0];
	s4 =	rddreg [dreg:$0x1d]  }
0x155: {  	v30 =	vadd.f32 v27, v35;
	v27 =	vmul.f32 v60, v3;
	[smem:$0x7D8] =	sst s0  }
0x156: {  	s0 =	sand.u32 $0xFFFFFE00, s30;
	s30 =	rddreg [dreg:$0xe]  }
0x157: {  	v32 =	vadd.f32 v27, v40;
	v40 =	vld [tilespmem:s16+$0x1520];
	s16 =	rddreg [dreg:$0x17]  }
0x158: {  	v27 =	vmul.f32 v58, v3;
	v58 =	vmul.f32 v59, v2;
	v59 =	vld [tilespmem:s11+$0xEB0];
	s11 =	sld [smem:$0x7D4]  }
0x159: {  	[smem:$0x7D9] =	sst s0;
	s0 =	sshll.u32 s31, $0x8  }
0x15a: {  	s31 =	sshll.u32 s29, $0x8;
	[smem:$0x7DA] =	sst s0  }
0x15b: {  	[smem:$0x7E2] =	sst s31  }
0x15c: {  	s0 =	sand.u32 $0xFFFFFE00, s1;
	s1 =	rddreg [dreg:$0x14]  }
0x15d: {  	s31 =	rddreg [dreg:$0x1b]  }
0x15e: {  	v28 =	vmul.f32 v28, v3;
	[smem:$0x7DB] =	sst s0  }
0x15f: {  	s0 =	sshll.u32 s2, $0x8;
	s2 =	rddreg [dreg:$0x18]  }
0x160: {  	v38 =	vadd.f32 v28, v41;
	v41 =	vld [tilespmem:s25+$0xDB0];
	s25 =	sld [smem:$0x7CE]  }
0x161: {  	v35 =	vadd.f32 v26, v37;
	v26 =	vmul.f32 v29, v3;
	[smem:$0x7DC] =	sst s0  }
0x162: {  	v37 =	vadd.f32 v27, v39;
	v27 =	vmul.f32 v33, v3;
	s0 =	sand.u32 $0xFFFFFE00, s3;
	s3 =	rddreg [dreg:$0x2]  }
0x163: {  	v33 =	vadd.f32 v26, v43;
	v26 =	vmul.f32 v56, v3;
	v56 =	vmul.f32 v61, v3;
	v61 =	vld [tilespmem:s8+$0xF30];
	s8 =	sld [smem:$0x7D9]  }
0x164: {  	[smem:$0x7DD] =	sst s0  }
0x165: {  	s0 =	sshll.u32 s6, $0x8;
	s6 =	sand.u32 $0xFFFFFE00, s5;
	s5 =	sld [smem:$0x7C9]  }
0x166: {  	[smem:$0x7DE] =	sst s0  }
0x167: {  	[smem:$0x7E5] =	sst s6  }
0x168: {  	s0 =	sand.u32 $0xFFFFFE00, s20;
	s20 =	rddreg [dreg:$0x10]  }
0x169: {  	s6 =	rddreg [dreg:$0x1e]  }
0x16a: {  	[smem:$0x7DF] =	sst s0  }
0x16b: {  	s0 =	sshll.u32 s21, $0x8;
	s21 =	rddreg [dreg:$0x19]  }
0x16c: {  	[smem:$0x7E0] =	sst s0  }
0x16d: {  	v62, _, _ =	vpop (xrf2);
	s0 =	sand.u32 $0xFFFFFE00, s30;
	s30 =	rddreg [dreg:$0x1a]  }
0x16e: {  	v60 =	vbroadcast v62, $0xF;
	v62 =	vld [tilespmem:s22+$0xCB0];
	s22 =	sshll.u32 s5, $0x8;
	s5 =	sld [smem:$0x7D3]  }
0x16f: {  	[smem:$0x7E1] =	sst s0;
	s0 =	sand.u32 $0xFFFFFE00, s1  }
0x170: {  	s1 =	smov.u32 s26;
	[smem:$0x7E3] =	sst s0  }
0x171: {  	s0 =	sshll.u32 s2, $0x8;
	s2 =	sand.u32 $0xFFFFFE00, s31;
	s31 =	sld [smem:$0x7CF]  }
0x172: {  	v28 =	vadd.f32 v27, v45;
	v27 =	vmul.f32 v40, v3;
	v40 =	vld [tilespmem:s1+$0xE30];
	s1 =	sld [smem:$0x7D0]  }
0x173: {  	[smem:$0x7E4] =	sst s0  }
0x174: {  	[smem:$0x7EB] =	sst s2  }
0x175: {  	s0 =	sadd.s32 $0x1, s3;
	s2 =	sand.u32 $0xFFFFFE00, s4;
	s4 =	sld [smem:$0x7D2]  }
0x176: {  	[dreg:$0x2] =	wrdreg s0  }
0x177: {  	[smem:$0x7EC] =	sst s2  }
0x178: {  	v63 =	vmov s0;
	s0 =	sshll.u32 s15, $0x8;
	s15 =	sld [smem:$0x7CB]  }
0x179: {  	s2 =	sand.u32 $0xFFFFFE00, s6;
	[smem:$0x7E6] =	sst s0  }
0x17a: {  	[smem:$0x7ED] =	sst s2  }
0x17b: {  	vm0 =	vmmov vm1;
	vm1 =	veq.s32 v63, v0;
	v63 =	vld [tilespmem:s10+$0xD30];
	s10 =	sld [smem:$0x7CA]  }
0x17c: {  	s0 =	sand.u32 $0xFFFFFE00, s16;
	s16 =	sld [smem:$0x7CC]  }
0x17d: {  	s2 =	sld [smem:$0x7D1]  }
0x17e: {  	[smem:$0x7E7] =	sst s0  }
0x17f: {  	s26 =	sshll.u32 s18, $0x8;
	s0 =	sand.u32 $0xFFFFFE00, s20;
	s20 =	sld [smem:$0x7CD]  }
0x180: {  	s3 =	smov.u32 s28;
	[smem:$0x7E8] =	sst s0;
	s0 =	sshll.u32 s21, $0x8  }
0x181: {  	[smem:$0x7E9] =	sst s0;
	s0 =	sand.u32 $0xFFFFFE00, s24;
	s24 =	sshll.u32 s30, $0x8  }
0x182: {  	s18 =	sshll.u32 s10, $0x8;
	s30 =	sand.u32 $0xFFFFFE00, s15;
	s15 =	sshll.u32 s16, $0x8  }
0x183: {  	s16 =	sshll.u32 s25, $0x8;
	s10 =	sand.u32 $0xFFFFFE00, s2;
	s2 =	sld [smem:$0x7D6]  }
0x184: {  	s25 =	smov.u32 s23;
	s23 =	sor.u32 s5, s4;
	s4 =	sld [smem:$0x7D7]  }
0x185: {  	s28 =	sand.u32 $0xFFFFFE00, s20;
	s20 =	sand.u32 $0xFFFFFE00, s31;
	s31 =	sld [smem:$0x7D5]  }
0x186: {  	s5 =	sld [smem:$0x7D8]  }
0x187: {  	[smem:$0x7EA] =	sst s0  }
0x188: {  	s11 =	sor.u32 s31, s11;
	s31 =	sld [smem:$0x7DA]  }
0x189: {  	s0 =	rddreg [dreg:$0x1c]  }
0x18a: {  	s6 =	sshll.u32 s1, $0x8;
	v39 =	vmul.f32 v63, v2;
	v63 =	vld [tilespmem:s9+$0xFB0];
	s9 =	sld [smem:$0x7DD]  }
0x18b: {  	s1 =	sor.u32 s5, s4;
	s4 =	sor.u32 s31, s8;
	s31 =	sld [smem:$0x7DE]  }
0x18c: {  	s5 =	sld [smem:$0x7DB]  }
0x18d: {  	s21 =	sshll.u32 s0, $0x8;
	s8 =	sld [smem:$0x7DC]  }
0x18e: {  	s0 =	sshll.u32 s2, $0x8;
	s2 =	sor.u32 s31, s9;
	s9 =	sld [smem:$0x7DF]  }
0x18f: {  	s31 =	sld [smem:$0x7E0];
	_ =	sdelay $0x2  }
0x190: {  	s5 =	sor.u32 s8, s5;
	s8 =	sor.u32 s31, s9;
	s9 =	sld [smem:$0x7E1]  }
0x191: {  	s31 =	sld [smem:$0x7E2]  }
0x192: {  	v29 =	vadd.f32 v26, v42  }
0x193: {  	v26 =	vadd.f32 v27, v44;
	v27 =	vadd.f32 v56, v47;
	v56 =	vld [tilespmem:s3+$0x1030];
	s3 =	sld [smem:$0x7E3]  }
0x194: {  	s9 =	sor.u32 s31, s9;
	s31 =	sld [smem:$0x7E4];
	_ =	sdelay $0x1  }
0x195: {  	s29 =	sld [smem:$0x7E6]  }
0x196: {  	s3 =	sor.u32 s31, s3;
	s31 =	sld [smem:$0x7E5]  }
0x197: {  	v1 =	vsel vm1, v60, v1  }
0x198: {  	v60 =	vmul.f32 v62, v2;
	v62 =	vadd.f32 v58, v50;
	v58 =	vmul.f32 v59, v2;
	v59 =	vld [tilespmem:s13+$0x1130];
	s13 =	sld [smem:$0x7EC]  }
0x199: {  	s31 =	sor.u32 s29, s31;
	s29 =	sld [smem:$0x7E7]  }
0x19a: {  	v57 =	vld [tilespmem:s12+$0x10B0];
	s12 =	sld [smem:$0x7E8]  }
0x19b: {  	(xrf2) =	vadd.scan.msk.f32 $0xffff, v62;
	s22 =	sor.u32 s22, s13;
	s13 =	sld [smem:$0x7ED]  }
0x19c: {  	s26 =	sor.u32 s26, s29;
	s29 =	sld [smem:$0x7E9]  }
0x19d: {  	s15 =	sor.u32 s15, s30;
	s30 =	sld [smem:$0x7EF];
	v39 =	vadd.f32 v39, v55;
	v55 =	vmul.f32 v56, v2;
	v56 =	vld [tilespmem:s25+$0x12B0]  }
0x19e: {  	v41 =	vmul.f32 v41, v2;
	s25 =	sld [smem:$0x7EE];
	v62 =	vmul.f32 v63, v2;
	v63 =	vld [tilespmem:s19+$0x1230]  }
0x19f: {  	v40 =	vmul.f32 v40, v2;
	s29 =	sor.u32 s29, s12;
	s12 =	sld [smem:$0x7EA]  }
0x1a0: {  	v41 =	vadd.f32 v41, v51;
	v44 =	vadd.f32 v60, v54;
	v60 =	vmul.f32 v61, v2;
	v61 =	vld [tilespmem:s17+$0x11B0];
	s16 =	sor.u32 s16, s28;
	s6 =	sor.u32 s6, s20  }
0x1a1: {  	v51 =	vadd.f32 v40, v52;
	v52 =	vadd.f32 v58, v53;
	v59 =	vmul.f32 v59, v2;
	s18 =	sor.u32 s18, s13;
	v58 =	vld [tilespmem:s25+$0x1330];
	s25 =	rddreg [dreg:$0x1f];
	s5 =	sshra.s32 s5, $0x2  }
0x1a2: {  	v57 =	vmul.f32 v57, v2;
	v53 =	vadd.f32 v60, v48;
	v60 =	vld [tilespmem:s30+$0x13B0];
	s3 =	sshra.s32 s3, $0x2;
	s24 =	sor.u32 s24, s12;
	s12 =	sld [smem:$0x7EB]  }
0x1a3: {  	v40 =	vadd.f32 v59, v31;
	v31 =	vmul.f32 v63, v2;
	v63 =	vld [tilespmem:s25+$0x1530];
	s28 =	sadd.s32 s14, s3;
	s13 =	sshra.s32 s26, $0x2;
	s26 =	rddreg [dreg:$0x6]  }
0x1a4: {  	v45 =	vadd.f32 v57, v30;
	v54 =	vld [tilespmem:s26+$0x15B0];
	s26 =	sadd.s32 s14, s5;
	s20 =	sshra.s32 s24, $0x2;
	s24 =	sld [smem:$0x7F1]  }
0x1a5: {  	v30 =	vmul.f32 v61, v2;
	v47 =	vadd.f32 v62, v49;
	v49 =	vadd.f32 v55, v34;
	v55, _, _ =	vpop (xrf2);
	v50 =	vld [tilespmem:s28+$0x1010];
	s21 =	sor.u32 s21, s12;
	s12 =	sshra.s32 s31, $0x2;
	s31 =	sld [smem:$0x7F0]  }
0x1a6: {  	(xrf2) =	vadd.scan.msk.f32 $0xffff, v44;
	v57 =	vbroadcast v55, $0xF;
	v55 =	vld [tilespmem:s26+$0xE10]  }
0x1a7: {  	s0 =	sor.u32 s0, s10;
	s10 =	sshra.s32 s23, $0x2;
	v34 =	vadd.f32 v30, v32;
	v30 =	vmul.f32 v56, v2;
	v62 =	vld [tilespmem:s24+$0x14B0]  }
0x1a8: {  	(xrf2) =	vadd.scan.msk.f32 $0xffff, v39;
	s24 =	sadd.s32 s14, s10;
	v61 =	vld [tilespmem:s31+$0x1430]  }
0x1a9: {  	s11 =	sshra.s32 s11, $0x2;
	(xrf2) =	vadd.scan.msk.f32 $0xffff, v41;
	v39 =	vadd.f32 v30, v37;
	v56 =	vld [tilespmem:s24+$0xC00]  }
0x1aa: {  	s2 =	sshra.s32 s2, $0x2;
	v30 =	vmul.f32 v60, v2;
	v35 =	vadd.f32 v31, v35;
	v31 =	vmul.f32 v58, v2;
	v58 =	vld [tilespmem:s24+$0xC10];
	s31 =	sshra.s32 s22, $0x2;
	s22 =	sadd.s32 s14, s11  }
0x1ab: {  	s1 =	sshra.s32 s1, $0x2;
	s11 =	sadd.s32 s14, s2;
	v59 =	vld [tilespmem:s22+$0xC80]  }
0x1ac: {  	v6 =	vsel vm0, v57, v6;
	v41 =	vadd.f32 v30, v33;
	s10 =	sadd.s32 s14, s1;
	v57 =	vld [tilespmem:s11+$0xE80];
	v30 =	vmul.f32 v62, v2  }
0x1ad: {  	v37 =	vadd.f32 v31, v38;
	v62 =	vld [tilespmem:s10+$0xD10];
	v31 =	vmul.f32 v61, v2  }
0x1ae: {  	s4 =	sshra.s32 s4, $0x2;
	(xrf2) =	vadd.scan.msk.f32 $0xffff, v51;
	v61 =	vld [tilespmem:s22+$0xC90];
	v42 =	vadd.f32 v30, v29  }
0x1af: {  	s25 =	sadd.s32 s14, s4;
	v29 =	vmul.f32 v54, v2;
	v43 =	vadd.f32 v31, v28;
	v28 =	vmul.f32 v63, v2;
	v31 =	vld [tilespmem:s10+$0xD00]  }
0x1b0: {  	v60, _, _ =	vpop (xrf2);
	(xrf2) =	vadd.scan.msk.f32 $0xffff, v52;
	v30 =	vmul.f32 v56, v5;
	v63 =	vld [tilespmem:s25+$0xD80]  }
0x1b1: {  	v44 =	vadd.f32 v29, v27;
	v29 =	vld [tilespmem:s25+$0xD90];
	v48 =	vadd.f32 v28, v26;
	v28 =	vmul.f32 v58, v4  }
0x1b2: {  	s12 =	sadd.s32 s14, s12;
	v27 =	vmul.f32 v59, v5;
	v26, _, _ =	vpop (xrf2);
	(xrf2) =	vadd.scan.msk.f32 $0xffff, v53;
	v58 =	vld [tilespmem:s11+$0xE90]  }
0x1b3: {  	s8 =	sshra.s32 s8, $0x2;
	v52 =	vbroadcast v26, $0xF;
	v54, _, _ =	vpop (xrf2);
	(xrf2) =	vadd.scan.msk.f32 $0xffff, v47;
	v47 =	vld [tilespmem:s12+$0x1080];
	v26 =	vadd.f32 v28, v30;
	v28 =	vmul.f32 v61, v4  }
0x1b4: {  	v33 =	vbroadcast v60, $0xF;
	s8 =	sadd.s32 s14, s8;
	s9 =	sshra.s32 s9, $0x2;
	v30 =	vld [tilespmem:s26+$0xE00]  }
0x1b5: {  	s9 =	sadd.s32 s14, s9;
	v61 =	vld [tilespmem:s8+$0xF10];
	v31 =	vmul.f32 v31, v5;
	v27 =	vadd.f32 v28, v27;
	v28 =	vmul.f32 v62, v4  }
0x1b6: {  	v7 =	vsel vm0, v33, v7;
	v56 =	vbroadcast v54, $0xF;
	v33 =	vmul.f32 v63, v5;
	v63 =	vld [tilespmem:s9+$0xF80]  }
0x1b7: {  	s15 =	sshra.s32 s15, $0x2;
	s18 =	sshra.s32 s18, $0x2;
	v28 =	vadd.f32 v28, v31;
	v31 =	vld [tilespmem:s8+$0xF00]  }
0x1b8: {  	s19 =	sadd.s32 s14, s20;
	s20 =	sadd.s32 s14, s18;
	s18 =	sadd.s32 s14, s15;
	v32 =	vmul.f32 v57, v5;
	v57 =	vld [tilespmem:s9+$0xF90];
	v59, _, _ =	vpop (xrf2);
	(xrf2) =	vadd.scan.msk.f32 $0xffff, v49;
	v29 =	vmul.f32 v29, v4  }
0x1b9: {  	v53 =	vld [tilespmem:s18+$0x1410];
	v62 =	vmul.f32 v55, v4;
	v30 =	vmul.f32 v30, v5  }
0x1ba: {  	v60 =	vbroadcast v59, $0xF;
	v9 =	vsel vm0, v56, v9;
	v55 =	vld [tilespmem:s28+$0x1000];
	v54 =	vmul.f32 v58, v4;
	v56, _, _ =	vpop (xrf2);
	(xrf2) =	vadd.scan.msk.f32 $0xffff, v45  }
0x1bb: {  	s13 =	sadd.s32 s14, s13;
	v47 =	vmul.f32 v47, v5;
	v30 =	vadd.f32 v62, v30;
	v62 =	vmul.f32 v63, v5;
	v63 =	vld [tilespmem:s12+$0x1090]  }
0x1bc: {  	s17 =	sshra.s32 s29, $0x2;
	v49 =	vld [tilespmem:s13+$0x1110];
	v14 =	vsel vm0, v60, v14;
	v60 =	vmul.f32 v61, v4;
	v58 =	vmul.f32 v31, v5  }
0x1bd: {  	s17 =	sadd.s32 s14, s17;
	v2 =	vmov v36;
	v45 =	vld [tilespmem:s13+$0x1100];
	v36 =	vbroadcast v56, $0xF;
	v56 =	vmul.f32 v57, v4;
	v59, _, _ =	vpop (xrf2)  }
0x1be: {  	v3 =	vmovc v46;
	v31 =	vadd.f32 v54, v32;
	v61 =	vbroadcast v59, $0xF;
	v32 =	vadd.f32 v60, v58;
	v60 =	vld [tilespmem:s17+$0x1180]  }
0x1bf: {  	v29 =	vadd.f32 v29, v33;
	v46 =	vmul.f32 v55, v5;
	(xrf2) =	vadd.scan.msk.f32 $0xffff, v40;
	v57, _, _ =	vpop (xrf2);
	v59 =	vmul.f32 v50, v4;
	v50 =	vld [tilespmem:s17+$0x1190]  }
0x1c0: {  	s23 =	sshra.s32 s21, $0x2;
	s21 =	sadd.s32 s14, s31;
	v33 =	vadd.f32 v56, v62;
	(xrf2) =	vadd.scan.msk.f32 $0xffff, v34;
	v58 =	vbroadcast v57, $0xF;
	v57 =	vld [tilespmem:s19+$0x1210];
	v62 =	vmul.f32 v63, v4  }
0x1c1: {  	s23 =	sadd.s32 s14, s23;
	v34 =	vadd.f32 v59, v46;
	v46 =	vld [tilespmem:s21+$0x1310]  }
0x1c2: {  	v45 =	vmul.f32 v45, v5;
	v12 =	vsel vm0, v61, v12;
	v61, _, _ =	vpop (xrf2);
	(xrf2) =	vadd.scan.msk.f32 $0xffff, v35;
	v35 =	vadd.f32 v62, v47;
	v47 =	vld [tilespmem:s23+$0x1280]  }
0x1c3: {  	v16 =	vsel vm0, v58, v16;
	v58 =	vmul.f32 v49, v4;
	v40 =	vmul.f32 v60, v5;
	v60 =	vld [tilespmem:s23+$0x1290]  }
0x1c4: {  	v63 =	vld [tilespmem:s19+$0x1200];
	v59, _, _ =	vpop (xrf2);
	(xrf2) =	vadd.scan.msk.f32 $0xffff, v39  }
0x1c5: {  	v56 =	vbroadcast v61, $0xF;
	v38 =	vadd.f32 v58, v45;
	v45 =	vld [tilespmem:s21+$0x1300]  }
0x1c6: {  	v62 =	vmul.f32 v50, v4;
	v61 =	vbroadcast v59, $0xF;
	v58 =	vld [tilespmem:s20+$0x1380]  }
0x1c7: {  	v8 =	vsel vm0, v52, v8;
	v59 =	vld [tilespmem:s20+$0x1390];
	v57 =	vmul.f32 v57, v4;
	v46 =	vmul.f32 v46, v4  }
0x1c8: {  	s16 =	sshra.s32 s16, $0x2;
	v11 =	vsel vm0, v56, v11;
	v47 =	vmul.f32 v47, v5;
	v60 =	vmul.f32 v60, v4  }
0x1c9: {  	s15 =	sadd.s32 s14, s16;
	v63 =	vmul.f32 v63, v5;
	v10 =	vsel vm0, v61, v10;
	v61 =	vld [tilespmem:s18+$0x1400];
	v56, _, _ =	vpop (xrf2);
	v40 =	vadd.f32 v62, v40  }
0x1ca: {  	s30 =	rddreg [dreg:$0x4];
	v50 =	vbroadcast v56, $0xF;
	v62, _, _ =	vpop (xrf2);
	v45 =	vmul.f32 v45, v5;
	v39 =	vadd.f32 v60, v47;
	v47 =	vld [tilespmem:s15+$0x1480]  }
.Ltmp0:
0x1cb: {  	s6 =	sshra.s32 s6, $0x2;
	s4 =	sadd.s32 $0x1, s30;
	v55 =	vld [tilespmem:s15+$0x1490];
	(xrf2) =	vadd.scan.msk.f32 $0xffff, v37;
	v37 =	vadd.f32 v57, v63;
	v63 =	vbroadcast v62, $0xF;
	v51 =	vmul.f32 v58, v5;
	(pc) =	sbr.rel @p0 .LBB2_3-.Ltmp0, $4  }
0x1cc: {  	s16 =	sadd.s32 s14, s6;
	v15 =	vsel vm0, v36, v15;
	v36 =	vld [tilespmem:s4+$0x0];
	v58 =	vmul.f32 v59, v4;
	v62 =	vmul.f32 v53, v4;
	v57, _, _ =	vpop (xrf2)  }
0x1cd: {  	s7 =	sadd.s32 $0x15, s7;
	s0 =	sshra.s32 s0, $0x2;
	(xrf2) =	vadd.scan.msk.f32 $0xffff, v41;
	v13 =	vsel vm0, v50, v13;
	v50 =	vld [tilespmem:s16+$0x1500];
	v17 =	vsel vm0, v63, v17;
	v59 =	vbroadcast v57, $0xF  }
0x1ce: {  	s29 =	sadd.s32 s14, s0;
	s31 =	rddreg [dreg:$0x5];
	v41 =	vadd.f32 v46, v45;
	v61 =	vmul.f32 v61, v5;
	v46 =	vld [tilespmem:s7+$0xA];
	(xrf2) =	vadd.scan.msk.f32 $0xffff, v43;
	v43 =	vadd.f32 v58, v51;
	v54, _, _ =	vpop (xrf2)  }
0x1cf: {  	s2 =	rddreg [dreg:$0x3];
	s14 =	smov.u32 s31;
	s0 =	sadd.s32 $0x2A00, s31;
	v57 =	vld [tilespmem:s7+$0xFFFFFFF6];
	v60 =	vbroadcast v54, $0xF;
	v18 =	vsel vm0, v59, v18;
	v63 =	vmul.f32 v47, v5  }
0x1d0: {  	_ = 	snop  }
0x1d1: {  	(v2sf) =	vpush v36, $0x0;
	_ =	sdelay $0x1  }
0x1d2: {  	(v2sf) =	vpush v46, $0x0  }
0x1d3: {  	v49 =	vld [tilespmem:s7+$0xFFFFFFF7]  }
0x1d4: {  	v51 =	vld [tilespmem:s7+$0xFFFFFFF8]  }
0x1d5: {  	v52 =	vld [tilespmem:s7+$0xFFFFFFF9]  }
0x1d6: {  	v53 =	vld [tilespmem:s7+$0xFFFFFFFA]  }
0x1d7: {  	v54 =	vld [tilespmem:s7+$0xFFFFFFFB]  }
0x1d8: {  	v59 =	vld [tilespmem:s7+$0xFFFFFFFE]  }
0x1d9: {  	v45 =	vld [tilespmem:s7+$0xFFFFFFFF]  }
0x1da: {  	v47 =	vld [tilespmem:s7+$0x1]  }
0x1db: {  	v46 =	vld [tilespmem:s7+$0x0]  }
0x1dc: {  	v56 =	vld [tilespmem:s7+$0xFFFFFFFC]  }
0x1dd: {  	[tilespmem:$0x1FB70] =	vst v59;
	v59 =	vld [tilespmem:s7+$0x2]  }
0x1de: {  	[tilespmem:$0x1FB80] =	vst v45;
	v45 =	vld [tilespmem:s7+$0x3]  }
0x1df: {  	[tilespmem:$0x1FBA0] =	vst v47;
	v47 =	vld [tilespmem:s7+$0x5];
	s0 =	spop (v2sf)  }
0x1e0: {  	s4 =	sadd.s32 $0x80, s2;
	[tilespmem:$0x1FB90] =	vst v46;
	v46 =	vld [tilespmem:s7+$0x4];
	s1 =	sshll.u32 s0, $0x8  }
0x1e1: {  	v58 =	vld [tilespmem:s7+$0xFFFFFFFD];
	s0 =	sand.u32 $0x1, s0;
	s1 =	sand.u32 $0xFFFFFE00, s1;
	s5 =	spop (v2sf)  }
0x1e2: {  	[tilespmem:$0x1FBB0] =	vst v59;
	v59 =	vld [tilespmem:s7+$0x6];
	s0 =	sshll.u32 s0, $0x8;
	s6 =	sshll.u32 s5, $0x8;
	s2 =	sand.u32 $0x1, s5  }
0x1e3: {  	[tilespmem:$0x1FBC0] =	vst v45;
	v45 =	vld [tilespmem:s7+$0x7];
	s0 =	sor.u32 s0, s1;
	s1 =	sand.u32 $0xFFFFFE00, s6;
	s2 =	sshll.u32 s2, $0x8  }
0x1e4: {  	[tilespmem:$0x1FBE0] =	vst v47;
	v47 =	vld [tilespmem:s7+$0x9];
	s1 =	sor.u32 s2, s1  }
0x1e5: {  	[tilespmem:$0x1FBD0] =	vst v46;
	v46 =	vld [tilespmem:s7+$0x8];
	s7 =	sshra.s32 s14, $0x2;
	s1 =	sshra.s32 s1, $0x2  }
0x1e6: {  	s1 =	sadd.s32 s7, s1  }
0x1e7: {  	[tilespmem:$0x1FBF0] =	vst v59;
	v59 =	vld [tilespmem:s1+$0x1600];
	_ =	sdelay $0x4  }
0x1e8: {  	[tilespmem:$0x1FC00] =	vst v59;
	v59 =	vld [tilespmem:s1+$0x1610];
	_ =	sdelay $0x4  }
0x1e9: {  	[tilespmem:$0x1FC10] =	vst v59;
	v59 =	vld [tilespmem:s1+$0x1620];
	_ =	sdelay $0x4  }
0x1ea: {  	[tilespmem:$0x1FC40] =	vst v59;
	v59 =	vld [tilespmem:s1+$0x1630];
	_ =	sdelay $0x4  }
0x1eb: {  	[tilespmem:$0x1FC90] =	vst v59;
	v59 =	vld [tilespmem:s24+$0xC20];
	_ =	sdelay $0x4  }
0x1ec: {  	[tilespmem:$0x1FCA0] =	vst v59;
	v59 =	vld [tilespmem:s24+$0xC30];
	_ =	sdelay $0x4  }
0x1ed: {  	[tilespmem:$0x1FD80] =	vst v59;
	v59 =	vld [tilespmem:s22+$0xCA0];
	_ =	sdelay $0x4  }
0x1ee: {  	[tilespmem:$0x1FCB0] =	vst v59;
	v59 =	vld [tilespmem:s22+$0xCB0];
	_ =	sdelay $0x4  }
0x1ef: {  	[tilespmem:$0x1FD90] =	vst v59;
	v59 =	vld [tilespmem:s10+$0xD20];
	_ =	sdelay $0x4  }
0x1f0: {  	[tilespmem:$0x1FCC0] =	vst v59;
	v59 =	vld [tilespmem:s10+$0xD30];
	_ =	sdelay $0x4  }
0x1f1: {  	[tilespmem:$0x1FDA0] =	vst v59;
	v59 =	vld [tilespmem:s25+$0xDA0];
	_ =	sdelay $0x4  }
0x1f2: {  	[tilespmem:$0x1FCD0] =	vst v59;
	v59 =	vld [tilespmem:s25+$0xDB0];
	_ =	sdelay $0x4  }
0x1f3: {  	[tilespmem:$0x1FDB0] =	vst v59;
	v59 =	vld [tilespmem:s26+$0xE20];
	_ =	sdelay $0x4  }
0x1f4: {  	[tilespmem:$0x1FCE0] =	vst v59;
	v59 =	vld [tilespmem:s26+$0xE30];
	_ =	sdelay $0x4  }
0x1f5: {  	[tilespmem:$0x1FDC0] =	vst v59;
	v59 =	vld [tilespmem:s16+$0x1510];
	_ =	sdelay $0x4  }
0x1f6: {  	[tilespmem:$0x1FC60] =	vst v59;
	v59 =	vld [tilespmem:s29+$0x1580];
	_ =	sdelay $0x1  }
0x1f7: {  	(xrf2) =	vadd.scan.msk.f32 $0xffff, v42  }
0x1f8: {  	(xrf2) =	vadd.scan.msk.f32 $0xffff, v48;
	v48 =	vld [tilespmem:s9+$0xFB0]  }
0x1f9: {  	(v2sf) =	vpush v57, $0x0;
	v57 =	vld [tilespmem:s11+$0xEA0]  }
0x1fa: {  	[tilespmem:$0x1FC30] =	vst v59;
	v59 =	vld [tilespmem:s29+$0x1590]  }
0x1fb: {  	(v2sf) =	vpush v49, $0x0;
	v49 =	vld [tilespmem:$0x1FB80]  }
0x1fc: {  	(v2sf) =	vpush v51, $0x0;
	v51 =	vld [tilespmem:s28+$0x1030]  }
0x1fd: {  	(v2sf) =	vpush v52, $0x0;
	v52 =	vld [tilespmem:s28+$0x1020]  }
0x1fe: {  	(v2sf) =	vpush v53, $0x0;
	v53 =	vld [tilespmem:s12+$0x10A0]  }
0x1ff: {  	[tilespmem:$0x1FC70] =	vst v59;
	v59 =	vld [tilespmem:s8+$0xF20]  }
0x200: {  	(v2sf) =	vpush v54, $0x0;
	v54 =	vld [tilespmem:s13+$0x1120]  }
0x201: {  	(v2sf) =	vpush v56, $0x0;
	v56 =	vld [tilespmem:s11+$0xEB0]  }
0x202: {  	(v2sf) =	vpush v58, $0x0;
	v58 =	vld [tilespmem:$0x1FB70]  }
0x203: {  	v19 =	vsel vm0, v60, v19;
	[tilespmem:$0x1FDF0] =	vst v48;
	v60 =	vld [tilespmem:$0x1FBC0]  }
0x204: {  	[tilespmem:$0x1FCF0] =	vst v59;
	v59 =	vld [tilespmem:s9+$0xFA0]  }
0x205: {  	[tilespmem:$0x1FD10] =	vst v52;
	v52 =	vld [tilespmem:s19+$0x1220]  }
0x206: {  	[tilespmem:$0x1FD20] =	vst v53;
	v53 =	vld [tilespmem:s23+$0x12A0]  }
0x207: {  	[tilespmem:$0x1FD30] =	vst v54;
	v54 =	vld [tilespmem:s21+$0x1320]  }
0x208: {  	[tilespmem:$0x1FDD0] =	vst v56;
	v56 =	vld [tilespmem:s17+$0x11B0]  }
0x209: {  	[tilespmem:$0x1FD00] =	vst v59;
	v59 =	vld [tilespmem:s17+$0x11A0]  }
0x20a: {  	(v2sf) =	vpush v58, $0x0;
	v58 =	vmul.f32 v55, v4;
	[tilespmem:$0x1FD50] =	vst v52;
	v52 =	vld [tilespmem:s12+$0x10B0]  }
0x20b: {  	[tilespmem:$0x1FD60] =	vst v53;
	v53 =	vld [tilespmem:s13+$0x1130]  }
0x20c: {  	[tilespmem:$0x1FE00] =	vst v51;
	v48 =	vadd.f32 v58, v63;
	v58 =	vld [tilespmem:$0x1FBA0]  }
0x20d: {  	[tilespmem:$0x1FE30] =	vst v56;
	v56 =	vld [tilespmem:s23+$0x12B0]  }
0x20e: {  	s0 =	sshra.s32 s0, $0x2;
	[tilespmem:$0x1FD40] =	vst v59;
	v59 =	vld [tilespmem:s8+$0xF30]  }
0x20f: {  	[tilespmem:$0x1FD70] =	vst v54;
	v54 =	vld [tilespmem:$0x1FB90];
	s0 =	sadd.s32 s0, s4  }
0x210: {  	[tilespmem:$0x1FC80] =	vst v47;
	v47 =	vld [tilespmem:s0+$0x0]  }
0x211: {  	[tilespmem:$0x1FC50] =	vst v46;
	v46 =	vld [tilespmem:s0+$0x10]  }
0x212: {  	[tilespmem:$0x1FE50] =	vst v56;
	v56 =	vld [tilespmem:$0x1FBB0]  }
0x213: {  	v51, _, _ =	vpop (xrf2);
	[tilespmem:$0x1FDE0] =	vst v59;
	v59 =	vld [tilespmem:s19+$0x1230]  }
0x214: {  	v42 =	vadd.f32 v62, v61;
	v62, _, _ =	vpop (xrf2);
	[tilespmem:$0x1FC20] =	vst v45;
	(v2sf) =	vpush v49, $0x0;
	v45 =	vld [tilespmem:s0+$0x20]  }
0x215: {  	v63, _, _ =	vpop (xrf2);
	s12 =	spop (v2sf);
	[tilespmem:$0x1FE20] =	vst v53;
	v53 =	vld [tilespmem:$0x1FBD0];
	(v2sf) =	vpush v54, $0x0  }
0x216: {  	s14 =	spop (v2sf);
	v36 =	vld [tilespmem:s0+$0x30];
	(v2sf) =	vpush v58, $0x0;
	v58, _, _ =	vpop (xrf2)  }
0x217: {  	s3 =	spop (v2sf);
	[tilespmem:$0x1FE10] =	vst v52;
	v52 =	vbroadcast v62, $0xF;
	v62 =	vbroadcast v58, $0xF;
	v58 =	vld [tilespmem:$0x1FBE0]  }
0x218: {  	s5 =	spop (v2sf);
	(v2sf) =	vpush v56, $0x0;
	[tilespmem:$0x1FE40] =	vst v59;
	v59 =	vbroadcast v51, $0xF;
	v51 =	vbroadcast v63, $0xF;
	v63 =	vld [tilespmem:s20+$0x13B0]  }
0x219: {  	v56 =	vsel vm0, v62, v22;
	v62 =	vld [tilespmem:$0x1FBF0];
	(v2sf) =	vpush v60, $0x0;
	s24 =	spop (v2sf)  }
0x21a: {  	v60 =	vld [tilespmem:s18+$0x1430];
	s26 =	spop (v2sf);
	(v2sf) =	vpush v53, $0x0  }
0x21b: {  	v59 =	vsel vm0, v59, v25;
	v25 =	vsel vm0, v52, v23;
	v52 =	vsel vm0, v51, v24;
	v24 =	vld [tilespmem:$0x1FC10]  }
0x21c: {  	(v2sf) =	vpush v58, $0x0;
	v58 =	vld [tilespmem:$0x1FC20]  }
0x21d: {  	[tilespmem:$0x1FE60] =	vst v63;
	v63 =	vld [tilespmem:$0x1FC00]  }
0x21e: {  	(v2sf) =	vpush v62, $0x0;
	v62 =	vld [tilespmem:$0x1FC40]  }
0x21f: {  	v54, _, _ =	vpop (xrf2);
	v22 =	vld [tilespmem:$0x1FC60];
	[tilespmem:$0x1FF00] =	vst v59  }
0x220: {  	[tilespmem:$0x1FF10] =	vst v25;
	v59 =	vbroadcast v54, $0xF;
	v25 =	vmul.f32 v24, v46;
	v24 =	vld [tilespmem:$0x1FC70]  }
0x221: {  	[tilespmem:$0x1FE70] =	vst v60;
	v60 =	vld [tilespmem:$0x1FC30]  }
0x222: {  	[tilespmem:$0x1FF30] =	vst v56;
	v56 =	vsel vm0, v59, v21;
	v59 =	vld [tilespmem:s15+$0x14B0];
	v23 =	vmul.f32 v63, v47  }
0x223: {  	v21 =	vld [tilespmem:$0x1FC50]  }
0x224: {  	v49 =	vadd.f32 v25, v23;
	v23 =	vmul.f32 v22, v4;
	v22 =	vld [tilespmem:$0x1FCA0]  }
0x225: {  	v63 =	vmul.f32 v62, v45;
	v25 =	vmul.f32 v24, v4;
	v24 =	vld [tilespmem:$0x1FCB0]  }
0x226: {  	v50 =	vmul.f32 v50, v5;
	v62 =	vld [tilespmem:$0x1FC80]  }
0x227: {  	v49 =	vadd.f32 v63, v49;
	v63 =	vld [tilespmem:$0x1FC90]  }
0x228: {  	v5 =	vmul.f32 v60, v5;
	[tilespmem:$0x1FF40] =	vst v56;
	v56 =	vadd.f32 v23, v50;
	v23 =	vld [tilespmem:s29+$0x15B0]  }
0x229: {  	(v2sf) =	vpush v58, $0x0;
	v4 =	vmul.f32 v22, v3;
	v22 =	vld [tilespmem:$0x1FCD0]  }
0x22a: {  	v55 =	vld [tilespmem:s21+$0x1330];
	s4 =	sshll.u32 s14, $0x8;
	s1 =	sand.u32 $0x1, s14;
	[tilespmem:$0x1FE80] =	vst v59;
	(v2sf) =	vpush v21, $0x0;
	v59 =	vadd.f32 v25, v5;
	v25 =	vmul.f32 v24, v3  }
0x22b: {  	s4 =	sand.u32 $0xFFFFFE00, s4;
	s1 =	sshll.u32 s1, $0x8;
	(v2sf) =	vpush v62, $0x0;
	v62 =	vadd.f32 v4, v26;
	v26 =	vld [tilespmem:$0x1FCE0]  }
0x22c: {  	s0 =	sand.u32 $0x1, s12;
	s4 =	sor.u32 s1, s4;
	s22 =	sshll.u32 s12, $0x8;
	v27 =	vadd.f32 v25, v27;
	v25 =	vld [tilespmem:$0x1FD00]  }
0x22d: {  	s0 =	sshll.u32 s0, $0x8;
	s4 =	sshra.s32 s4, $0x2;
	s2 =	sand.u32 $0xFFFFFE00, s22;
	v21 =	vmul.f32 v63, v36;
	v63 =	vld [tilespmem:$0x1FCC0]  }
0x22e: {  	s0 =	sor.u32 s0, s2;
	s25 =	sshll.u32 s5, $0x8;
	s30 =	spop (v2sf);
	v60 =	vld [tilespmem:s16+$0x1530];
	[tilespmem:$0x1FEA0] =	vst v23;
	v23 =	vmul.f32 v22, v3  }
0x22f: {  	s0 =	sshra.s32 s0, $0x2;
	s21 =	sand.u32 $0xFFFFFE00, s25;
	s14 =	spop (v2sf);
	v54 =	vld [tilespmem:s16+$0x1520]  }
0x230: {  	s23 =	sshll.u32 s14, $0x8;
	s25 =	sand.u32 $0x1, s14;
	s14 =	sadd.s32 s7, s0;
	v29 =	vadd.f32 v23, v29;
	v23 =	vld [tilespmem:$0x1FCF0]  }
0x231: {  	s16 =	sadd.s32 s7, s4;
	v49 =	vadd.f32 v21, v49;
	v21 =	vld [tilespmem:s14+$0xC00];
	v4 =	vmul.f32 v26, v3;
	v26 =	vmul.f32 v25, v3  }
0x232: {  	[tilespmem:$0x1FEE0] =	vst v19;
	v22 =	vld [tilespmem:s16+$0xC80];
	v19 =	vmul.f32 v63, v3  }
0x233: {  	[tilespmem:$0x1FE90] =	vst v60;
	v60 =	vadd.f32 v26, v33;
	v26 =	vld [tilespmem:$0x1FD40]  }
0x234: {  	v25 =	vld [tilespmem:$0x1FD30];
	v28 =	vadd.f32 v19, v28;
	v19 =	vmul.f32 v57, v3  }
0x235: {  	v24 =	vmul.f32 v23, v3;
	v23 =	vld [tilespmem:$0x1FD20]  }
0x236: {  	[tilespmem:$0x1FF20] =	vst v52;
	v52 =	vadd.f32 v19, v31;
	v19 =	vld [tilespmem:$0x1FD10]  }
0x237: {  	v61 =	vld [tilespmem:s20+$0x13A0]  }
0x238: {  	v53 =	vld [tilespmem:s15+$0x14A0];
	[tilespmem:$0x1FEB0] =	vst v21;
	v21 =	vadd.f32 v4, v30;
	v30 =	vmul.f32 v26, v3  }
0x239: {  	v4 =	vmul.f32 v25, v3;
	v26 =	vld [tilespmem:$0x1FD70]  }
0x23a: {  	v32 =	vadd.f32 v24, v32;
	v25 =	vadd.f32 v30, v40;
	v40 =	vld [tilespmem:$0x1FD80];
	v24 =	vmul.f32 v23, v3  }
0x23b: {  	v51 =	vld [tilespmem:s18+$0x1420];
	[tilespmem:$0x1FED0] =	vst v22;
	v22 =	vmul.f32 v19, v3  }
0x23c: {  	v57 =	vadd.f32 v24, v35;
	v24 =	vld [tilespmem:$0x1FD60]  }
0x23d: {  	v63 =	vadd.f32 v22, v34;
	v22 =	vld [tilespmem:$0x1FD50]  }
0x23e: {  	v58 =	vld [tilespmem:s29+$0x15A0];
	v30 =	vmul.f32 v61, v3  }
0x23f: {  	v5 =	vmul.f32 v26, v3;
	v61 =	vmul.f32 v40, v2  }
0x240: {  	v51 =	vmul.f32 v51, v3;
	v19 =	vadd.f32 v4, v38  }
0x241: {  	v4 =	vmul.f32 v24, v3;
	v24 =	vadd.f32 v5, v41;
	v41 =	vadd.f32 v61, v62;
	v61 =	vld [tilespmem:$0x1FD90]  }
0x242: {  	v54 =	vmul.f32 v54, v3;
	v23 =	vmul.f32 v22, v3  }
0x243: {  	v22 =	vmul.f32 v53, v3;
	v3 =	vmul.f32 v58, v3;
	_ =	sdelay $0x1  }
0x244: {  	v48 =	vadd.f32 v22, v48;
	v22 =	vadd.f32 v3, v59;
	v3 =	vld [tilespmem:$0x1FDC0]  }
0x245: {  	v62 =	vmul.f32 v61, v2  }
0x246: {  	(xrf2) =	vadd.scan.msk.f32 $0xffff, v44  }
0x247: {  	(xrf2) =	vadd.scan.msk.f32 $0xffff, v49;
	v61 =	vld [tilespmem:$0x1FDA0];
	v27 =	vadd.f32 v62, v27  }
0x248: {  	(xrf2) =	vadd.scan.msk.f32 $0xffff, v41  }
0x249: {  	(xrf2) =	vadd.scan.msk.f32 $0xffff, v27;
	v27 =	vmul.f32 v3, v2;
	v3 =	vld [tilespmem:$0x1FDD0];
	_ =	sdelay $0x2  }
0x24a: {  	v62 =	vmul.f32 v61, v2;
	_ =	sdelay $0x1  }
0x24b: {  	v28 =	vadd.f32 v62, v28;
	v62 =	vmul.f32 v3, v2;
	v3 =	vld [tilespmem:$0x1FDE0];
	_ =	sdelay $0x4  }
0x24c: {  	v21 =	vadd.f32 v27, v21;
	v27 =	vmul.f32 v3, v2;
	v3 =	vld [tilespmem:$0x1FDF0];
	_ =	sdelay $0x3  }
0x24d: {  	v58 =	vadd.f32 v54, v56;
	v54 =	vld [tilespmem:$0x1FDB0]  }
0x24e: {  	v59 =	vmul.f32 v3, v2;
	v3 =	vld [tilespmem:$0x1FE00];
	_ =	sdelay $0x3  }
0x24f: {  	v56 =	vmul.f32 v54, v2;
	v61, _, _ =	vpop (xrf2)  }
0x250: {  	v54 =	vbroadcast v61, $0xF;
	v61 =	vadd.f32 v62, v52;
	v62 =	vmul.f32 v3, v2;
	v3 =	vld [tilespmem:$0x1FE10];
	_ =	sdelay $0x3  }
0x251: {  	s6 =	sshll.u32 s3, $0x8;
	s3 =	sand.u32 $0x1, s3;
	s28 =	sshll.u32 s24, $0x8  }
0x252: {  	s3 =	sshll.u32 s3, $0x8;
	s11 =	sand.u32 $0xFFFFFE00, s28;
	s5 =	sand.u32 $0x1, s5;
	(xrf2) =	vadd.scan.msk.f32 $0xffff, v28;
	v28 =	vld [tilespmem:$0x1FE20];
	v3 =	vmul.f32 v3, v2  }
0x253: {  	s31 =	sshll.u32 s26, $0x8;
	s22 =	sand.u32 $0x1, s30;
	s1 =	sand.u32 $0xFFFFFE00, s23;
	v26 =	vadd.f32 v23, v37  }
0x254: {  	s2 =	sshll.u32 s25, $0x8;
	s17 =	sand.u32 $0xFFFFFE00, s6;
	s8 =	sand.u32 $0x1, s24;
	v23 =	vadd.f32 v4, v39;
	v4 =	vadd.f32 v3, v57;
	v3 =	vld [tilespmem:$0x1FE30]  }
0x255: {  	s1 =	sor.u32 s2, s1;
	s3 =	sor.u32 s3, s17;
	s8 =	sshll.u32 s8, $0x8  }
0x256: {  	s9 =	sshll.u32 s22, $0x8;
	s3 =	sshra.s32 s3, $0x2;
	s8 =	sor.u32 s8, s11;
	v50 =	vld [tilespmem:s14+$0xC10]  }
0x257: {  	s8 =	sshra.s32 s8, $0x2;
	s20 =	spop (v2sf);
	s18 =	sand.u32 $0x1, s26;
	v27 =	vadd.f32 v27, v32;
	v32 =	vmul.f32 v28, v2  }
0x258: {  	s26 =	sshll.u32 s20, $0x8;
	s6 =	sshll.u32 s18, $0x8;
	s29 =	sand.u32 $0x1, s20  }
0x259: {  	s18 =	sadd.s32 s7, s3;
	s22 =	sand.u32 $0xFFFFFE00, s26;
	s23 =	sshll.u32 s29, $0x8;
	v5 =	vadd.f32 v32, v19;
	v19 =	vmul.f32 v3, v2;
	v3 =	vld [tilespmem:$0x1FE40]  }
0x25a: {  	s17 =	sshra.s32 s1, $0x2;
	v44 =	vld [tilespmem:s18+$0xD10];
	s15 =	sadd.s32 s7, s8;
	s8 =	sor.u32 s23, s22  }
0x25b: {  	s5 =	sshll.u32 s5, $0x8;
	s0 =	sadd.s32 s7, s17;
	s8 =	sshra.s32 s8, $0x2;
	[tilespmem:$0x1FEC0] =	vst v50;
	v50 =	vld [tilespmem:s16+$0xC90]  }
0x25c: {  	s5 =	sor.u32 s5, s21;
	s1 =	sadd.s32 s7, s8;
	v49 =	vadd.f32 v51, v42;
	v42 =	vld [tilespmem:s0+$0xF80]  }
0x25d: {  	s5 =	sshra.s32 s5, $0x2;
	v51 =	vld [tilespmem:s1+$0x1010]  }
0x25e: {  	s12 =	sadd.s32 s7, s5;
	v28 =	vmul.f32 v3, v2;
	v3 =	vld [tilespmem:$0x1FE50]  }
0x25f: {  	v33 =	vld [tilespmem:s12+$0xD80]  }
0x260: {  	v31 =	vld [tilespmem:s18+$0xD00]  }
0x261: {  	s19 =	sshll.u32 s30, $0x8;
	s30 =	sand.u32 $0xFFFFFE00, s31;
	v38 =	vld [tilespmem:s12+$0xD90];
	v29 =	vadd.f32 v56, v29  }
0x262: {  	s24 =	spop (v2sf);
	s4 =	sor.u32 s6, s30;
	v34 =	vld [tilespmem:s15+$0xE00]  }
0x263: {  	s31 =	sshll.u32 s24, $0x8;
	s21 =	sand.u32 $0x1, s24;
	s24 =	sshra.s32 s4, $0x2;
	v30 =	vadd.f32 v30, v43;
	v43 =	vld [tilespmem:s1+$0x1000];
	(xrf2) =	vadd.scan.msk.f32 $0xffff, v29;
	v29 =	vmul.f32 v3, v2;
	v3, _, _ =	vpop (xrf2)  }
0x264: {  	s19 =	sand.u32 $0xFFFFFE00, s19;
	s28 =	spop (v2sf);
	s11 =	sadd.s32 s7, s24;
	[tilespmem:$0x1FF60] =	vst v3;
	v3 =	vld [tilespmem:$0x1FE60]  }
0x265: {  	s3 =	sor.u32 s9, s19;
	s25 =	sshll.u32 s28, $0x8;
	v35 =	vld [tilespmem:s11+$0xE80]  }
0x266: {  	s28 =	sand.u32 $0x1, s28;
	s30 =	sand.u32 $0xFFFFFE00, s31;
	s20 =	spop (v2sf);
	v40 =	vld [tilespmem:s15+$0xE10]  }
0x267: {  	s31 =	sshll.u32 s21, $0x8;
	s4 =	sand.u32 $0xFFFFFE00, s25;
	s26 =	spop (v2sf);
	v53 =	vld [tilespmem:s0+$0xF90];
	v32 =	vmul.f32 v55, v2  }
0x268: {  	s29 =	sshra.s32 s3, $0x2;
	s3 =	sor.u32 s31, s30;
	s13 =	sshll.u32 s20, $0x8;
	v37 =	vld [tilespmem:s11+$0xE90];
	v25 =	vadd.f32 v19, v25  }
0x269: {  	s19 =	sand.u32 $0x1, s20;
	s20 =	sshll.u32 s28, $0x8;
	s5 =	sadd.s32 s7, s29;
	v19 =	vadd.f32 v29, v23;
	v29 =	vadd.f32 v32, v24;
	v24 =	vmul.f32 v3, v2;
	v3 =	vld [tilespmem:$0x1FE70]  }
0x26a: {  	s6 =	sand.u32 $0xFFFFFE00, s13;
	s21 =	sshll.u32 s19, $0x8;
	s3 =	sshra.s32 s3, $0x2;
	v39 =	vld [tilespmem:s5+$0xF00]  }
0x26b: {  	s4 =	sor.u32 s20, s4;
	s6 =	sor.u32 s21, s6;
	s2 =	sadd.s32 s7, s3;
	v41 =	vld [tilespmem:s5+$0xF10];
	v59 =	vadd.f32 v59, v60;
	v60 =	vsel vm0, v54, v20;
	v20 =	vadd.f32 v62, v63;
	v63, _, _ =	vpop (xrf2)  }
0x26c: {  	s23 =	sshll.u32 s26, $0x8;
	s4 =	sshra.s32 s4, $0x2;
	s6 =	sshra.s32 s6, $0x2;
	v56 =	vld [tilespmem:s2+$0x1090];
	(xrf2) =	vadd.scan.msk.f32 $0xffff, v21;
	v21 =	vbroadcast v63, $0xF  }
0x26d: {  	vm1 =	vmmov vm1;
	s24 =	sand.u32 $0x1, s26;
	s3 =	sadd.s32 s7, s4;
	s4 =	sadd.s32 s7, s6;
	v52 =	vld [tilespmem:s2+$0x1080]  }
0x26e: {  	s22 =	spop (v2sf);
	s25 =	sand.u32 $0xFFFFFE00, s23;
	s26 =	sshll.u32 s24, $0x8;
	v55 =	vld [tilespmem:s4+$0x1180];
	v32 =	vmul.f32 v3, v2;
	v3 =	vsel vm1, v21, v6  }
0x26f: {  	s30 =	rddreg [dreg:$0x2];
	s28 =	sshll.u32 s22, $0x8;
	s9 =	sor.u32 s26, s25;
	[tilespmem:$0x1FEF0] =	vst v3;
	v3 =	vld [tilespmem:$0x1FE80]  }
0x270: {  	s29 =	sand.u32 $0x1, s22;
	s8 =	sadd.s32 $0x1, s30;
	s9 =	sshra.s32 s9, $0x2;
	v54 =	vld [tilespmem:s3+$0x1100]  }
0x271: {  	s10 =	sand.u32 $0xFFFFFE00, s28;
	s31 =	sshll.u32 s29, $0x8;
	s6 =	sadd.s32 s7, s9;
	[tilespmem:$0x1FF50] =	vst v60;
	v60 =	vmov s8;
	v63 =	vadd.f32 v32, v49;
	v32 =	vld [tilespmem:$0x1FE90]  }
0x272: {  	s10 =	sor.u32 s31, s10;
	v62 =	vld [tilespmem:s6+$0x1210]  }
0x273: {  	s10 =	sshra.s32 s10, $0x2;
	v57 =	vld [tilespmem:s3+$0x1110]  }
0x274: {  	s9 =	sadd.s32 s7, s10;
	vm15 =	veq.s32 v60, v0;
	v26 =	vadd.f32 v28, v26;
	v28 =	vld [tilespmem:s4+$0x1190];
	v60, _, _ =	vpop (xrf2);
	v21 =	vmul.f32 v3, v2  }
0x275: {  	(xrf2) =	vadd.scan.msk.f32 $0xffff, v61;
	v61 =	vld [tilespmem:s9+$0x1290];
	v3 =	vbroadcast v60, $0xF  }
0x276: {  	v6 =	vadd.f32 v24, v30;
	v49 =	vmul.f32 v32, v2;
	v24 =	vadd.f32 v21, v48;
	v48 =	vld [tilespmem:$0x1FEA0]  }
0x277: {  	v32 =	vsel vm1, v3, v7;
	v3 =	vld [tilespmem:$0x1FEB0]  }
0x278: {  	s17 =	spop (v2sf);
	(xrf2) =	vadd.scan.msk.f32 $0xffff, v27;
	v21 =	vadd.f32 v49, v58;
	v49 =	vld [tilespmem:$0x1FEC0]  }
0x279: {  	s19 =	sshll.u32 s17, $0x8;
	s20 =	sand.u32 $0x1, s17;
	(xrf2) =	vadd.scan.msk.f32 $0xffff, v59;
	v59 =	vld [tilespmem:$0x1FED0]  }
0x27a: {  	s21 =	sshll.u32 s20, $0x8;
	s8 =	sand.u32 $0xFFFFFE00, s19;
	v23 =	vld [tilespmem:s6+$0x1200]  }
0x27b: {  	s8 =	sor.u32 s21, s8;
	(xrf2) =	vadd.scan.msk.f32 $0xffff, v20;
	v20 =	vld [tilespmem:s14+$0xC30];
	v30 =	vmul.f32 v48, v2  }
0x27c: {  	s8 =	sshra.s32 s8, $0x2;
	v60 =	vld [tilespmem:s9+$0x1280];
	v58, _, _ =	vpop (xrf2);
	v3 =	vmul.f32 v3, v47  }
0x27d: {  	s10 =	sadd.s32 s7, s8;
	v7 =	vmul.f32 v49, v46;
	v49 =	vld [tilespmem:s16+$0xCA0];
	v27 =	vadd.f32 v30, v22;
	v22 =	vbroadcast v58, $0xF  }
0x27e: {  	v2 =	vld [tilespmem:s10+$0x1300];
	v30 =	vmul.f32 v59, v47;
	v58 =	vmul.f32 v31, v47;
	v31, _, _ =	vpop (xrf2)  }
0x27f: {  	v48 =	vld [tilespmem:s14+$0xC20];
	v59 =	vadd.f32 v7, v3;
	v3 =	vmul.f32 v50, v46;
	v7 =	vbroadcast v31, $0xF  }
0x280: {  	v38 =	vmul.f32 v38, v46;
	v50 =	vld [tilespmem:s18+$0xD20];
	v22 =	vsel vm1, v22, v8;
	v8 =	vmul.f32 v44, v46  }
0x281: {  	s22 =	spop (v2sf);
	v31 =	vld [tilespmem:s16+$0xCB0];
	v44 =	vadd.f32 v3, v30;
	v3 =	vmul.f32 v33, v47;
	v7 =	vsel vm1, v7, v9  }
0x282: {  	s24 =	sshll.u32 s22, $0x8;
	s8 =	sand.u32 $0x1, s22;
	v9 =	vmul.f32 v40, v46;
	v30, _, _ =	vpop (xrf2);
	v33 =	vadd.f32 v8, v58;
	v58 =	vld [tilespmem:s10+$0x1310];
	v49 =	vmul.f32 v49, v45  }
0x283: {  	s8 =	sshll.u32 s8, $0x8;
	s14 =	sand.u32 $0xFFFFFE00, s24;
	(xrf2) =	vadd.scan.msk.f32 $0xffff, v4;
	v4 =	vbroadcast v30, $0xF;
	v30 =	vld [tilespmem:s18+$0xD30];
	v38 =	vadd.f32 v38, v3;
	v3 =	vmul.f32 v34, v47;
	v40, _, _ =	vpop (xrf2)  }
0x284: {  	s23 =	spop (v2sf);
	s8 =	sor.u32 s8, s14;
	(xrf2) =	vadd.scan.msk.f32 $0xffff, v5;
	v5 =	vbroadcast v40, $0xF;
	v40 =	vld [tilespmem:s12+$0xDA0]  }
0x285: {  	s25 =	sshll.u32 s23, $0x8;
	s13 =	sand.u32 $0x1, s23;
	s8 =	sshra.s32 s8, $0x2;
	v34 =	vmul.f32 v39, v47;
	v39 =	vmul.f32 v53, v46;
	v44 =	vadd.f32 v49, v44;
	v49 =	vld [tilespmem:s6+$0x1220]  }
0x286: {  	s26 =	sand.u32 $0xFFFFFE00, s25;
	s13 =	sshll.u32 s13, $0x8;
	s30 =	sadd.s32 s7, s8;
	v8 =	vsel vm1, v4, v14;
	v4 =	vmul.f32 v35, v47;
	v14 =	vmul.f32 v37, v46;
	v37 =	vld [tilespmem:s15+$0xE20]  }
0x287: {  	s13 =	sor.u32 s13, s26;
	v35 =	vadd.f32 v9, v3;
	v9 =	vsel vm1, v5, v15;
	v5 =	vmul.f32 v41, v46;
	v41 =	vld [tilespmem:s30+$0x1390];
	v3, _, _ =	vpop (xrf2)  }
0x288: {  	s13 =	sshra.s32 s13, $0x2;
	(xrf2) =	vadd.scan.msk.f32 $0xffff, v25;
	v25 =	vadd.f32 v14, v4;
	v14 =	vmul.f32 v42, v47;
	v4 =	vld [tilespmem:s15+$0xE30];
	v15 =	vbroadcast v3, $0xF  }
0x289: {  	s19 =	sadd.s32 s7, s13;
	v3 =	vld [tilespmem:s12+$0xDB0];
	v53, _, _ =	vpop (xrf2);
	v42 =	vadd.f32 v5, v34;
	v34 =	vmul.f32 v43, v47;
	v5 =	vmul.f32 v52, v47  }
0x28a: {  	s28 =	spop (v2sf);
	v43 =	vmul.f32 v54, v47;
	v54 =	vld [tilespmem:s19+$0x1400];
	v53 =	vbroadcast v53, $0xF  }
0x28b: {  	s29 =	sshll.u32 s28, $0x8;
	s14 =	sand.u32 $0x1, s28;
	(xrf2) =	vadd.scan.msk.f32 $0xffff, v26;
	v26 =	vadd.f32 v39, v14;
	v39 =	vmul.f32 v51, v46;
	v51 =	vld [tilespmem:s11+$0xEA0];
	v40 =	vmul.f32 v40, v45  }
0x28c: {  	s31 =	spop (v2sf);
	s14 =	sshll.u32 s14, $0x8;
	s16 =	sand.u32 $0xFFFFFE00, s29;
	v12 =	vsel vm1, v15, v12;
	v15 =	vld [tilespmem:s30+$0x1380];
	v14 =	vsel vm1, v53, v16;
	v16 =	vmul.f32 v56, v46;
	v56, _, _ =	vpop (xrf2)  }
0x28d: {  	v28 =	vmul.f32 v28, v46;
	s8 =	sand.u32 $0x1, s31;
	s15 =	sor.u32 s14, s16;
	(xrf2) =	vadd.scan.msk.f32 $0xffff, v19;
	v39 =	vadd.f32 v39, v34;
	v34 =	vld [tilespmem:s11+$0xEB0];
	v19 =	vbroadcast v56, $0xF  }
0x28e: {  	s17 =	sshll.u32 s31, $0x8;
	s8 =	sshll.u32 s8, $0x8;
	s15 =	sshra.s32 s15, $0x2;
	v53 =	vld [tilespmem:s19+$0x1410];
	v38 =	vadd.f32 v40, v38;
	v52 =	vadd.f32 v16, v5;
	v5 =	vmul.f32 v57, v46;
	v57, _, _ =	vpop (xrf2)  }
0x28f: {  	s18 =	spop (v2sf);
	s14 =	sand.u32 $0xFFFFFE00, s17;
	s23 =	sadd.s32 s7, s15;
	(xrf2) =	vadd.scan.msk.f32 $0xffff, v29;
	v40 =	vld [tilespmem:s10+$0x1320];
	v16 =	vmul.f32 v55, v47;
	v11 =	vsel vm1, v19, v11;
	v19 =	vbroadcast v57, $0xF  }
0x290: {  	s20 =	sshll.u32 s18, $0x8;
	s21 =	sand.u32 $0x1, s18;
	s8 =	sor.u32 s8, s14;
	v56 =	vld [tilespmem:s23+$0x1480];
	(xrf2) =	vadd.scan.msk.f32 $0xffff, v6;
	v43 =	vadd.f32 v5, v43;
	v5 =	vmul.f32 v23, v47;
	v23 =	vmul.f32 v62, v46;
	v62, _, _ =	vpop (xrf2)  }
0x291: {  	s22 =	sand.u32 $0xFFFFFE00, s20;
	s13 =	sshll.u32 s21, $0x8;
	s8 =	sshra.s32 s8, $0x2;
	(xrf2) =	vadd.scan.msk.f32 $0xffff, v63;
	v63 =	vld [tilespmem:s2+$0x10B0];
	v10 =	vsel vm1, v19, v10;
	v19 =	vadd.f32 v28, v16;
	v16 =	vbroadcast v62, $0xF  }
0x292: {  	s13 =	sor.u32 s13, s22;
	s24 =	sadd.s32 s7, s8;
	v55 =	vmul.f32 v61, v46;
	v28 =	vld [tilespmem:s23+$0x1490];
	v57, _, _ =	vpop (xrf2);
	v23 =	vadd.f32 v23, v5;
	v5 =	vmul.f32 v60, v47  }
0x293: {  	v2 =	vmul.f32 v2, v47;
	s13 =	sshra.s32 s13, $0x2;
	v62 =	vld [tilespmem:s24+$0x1510];
	v13 =	vsel vm1, v16, v13;
	v16 =	vbroadcast v57, $0xF  }
0x294: {  	v31 =	vmul.f32 v31, v36;
	s7 =	sadd.s32 s7, s13;
	v60 =	vld [tilespmem:s24+$0x1500];
	v55 =	vadd.f32 v55, v5;
	v5 =	vmul.f32 v58, v46  }
0x295: {  	v53 =	vmul.f32 v53, v46;
	v57 =	vld [tilespmem:s7+$0x1580];
	v58 =	vmul.f32 v15, v47;
	v15 =	vsel vm1, v16, v17  }
0x296: {  	v61, _, _ =	vpop (xrf2);
	v16 =	vmul.f32 v41, v46;
	v41 =	vld [tilespmem:s7+$0x1590];
	v2 =	vadd.f32 v5, v2;
	v5 =	vmul.f32 v54, v47  }
0x297: {  	v20 =	vmul.f32 v20, v36;
	v31 =	vadd.f32 v31, v44;
	v17 =	vbroadcast v61, $0xF;
	v61 =	vld [tilespmem:s5+$0xF30]  }
0x298: {  	v30 =	vmul.f32 v30, v36;
	v37 =	vmul.f32 v37, v45;
	v53 =	vadd.f32 v53, v5;
	v5 =	vld [tilespmem:$0x1FEE0]  }
0x299: {  	v56 =	vmul.f32 v56, v47;
	v54 =	vld [tilespmem:s5+$0xF20];
	v28 =	vmul.f32 v28, v46;
	v58 =	vadd.f32 v16, v58  }
0x29a: {  	v17 =	vsel vm1, v17, v18;
	v18 =	vmul.f32 v57, v47;
	v57 =	vmul.f32 v62, v46;
	v62 =	vld [tilespmem:s1+$0x1020];
	v16, _, _ =	vpop (xrf2)  }
0x29b: {  	v35 =	vadd.f32 v37, v35;
	v60 =	vmul.f32 v60, v47;
	v47 =	vld [tilespmem:s0+$0xFA0];
	v16 =	vbroadcast v16, $0xF  }
0x29c: {  	v4 =	vmul.f32 v4, v36;
	v3 =	vmul.f32 v3, v36;
	v28 =	vadd.f32 v28, v56;
	v56 =	vld [tilespmem:s3+$0x1120]  }
0x29d: {  	v5 =	vsel vm1, v16, v5;
	v16 =	vmul.f32 v41, v46;
	v41 =	vmul.f32 v48, v45;
	v46 =	vld [tilespmem:s2+$0x10A0]  }
0x29e: {  	v48 =	vadd.f32 v57, v60;
	v60 =	vmul.f32 v50, v45;
	v50 =	vld [tilespmem:s4+$0x11A0];
	v57 =	vmul.f32 v51, v45  }
0x29f: {  	v4 =	vadd.f32 v4, v35;
	v51 =	vmul.f32 v62, v45;
	v62 =	vmul.f32 v49, v45;
	v49 =	vld [tilespmem:s23+$0x14A0]  }
0x2a0: {  	v16 =	vadd.f32 v16, v18;
	v18 =	vadd.f32 v41, v59;
	v59 =	vmul.f32 v54, v45;
	v54 =	vld [tilespmem:s9+$0x12A0]  }
0x2a1: {  	v3 =	vadd.f32 v3, v38;
	v33 =	vadd.f32 v60, v33;
	v60 =	vmul.f32 v47, v45;
	v47 =	vld [tilespmem:s30+$0x13A0]  }
0x2a2: {  	v25 =	vadd.f32 v57, v25;
	v41 =	vadd.f32 v59, v42;
	v59 =	vmul.f32 v56, v45;
	v56 =	vld [tilespmem:s24+$0x1520]  }
0x2a3: {  	(xrf2) =	vadd.scan.msk.f32 $0xffff, v24;
	v26 =	vadd.f32 v60, v26;
	v57 =	vmul.f32 v46, v45;
	v46 =	vld [tilespmem:s19+$0x1420];
	v60 =	vmul.f32 v50, v45  }
0x2a4: {  	(xrf2) =	vadd.scan.msk.f32 $0xffff, v21;
	v6 =	vadd.f32 v51, v39;
	v18 =	vadd.f32 v20, v18;
	v50 =	vld [tilespmem:s0+$0xFB0]  }
0x2a5: {  	v34 =	vmul.f32 v34, v36;
	(xrf2) =	vadd.scan.msk.f32 $0xffff, v27;
	v30 =	vadd.f32 v30, v33;
	v19 =	vadd.f32 v60, v19;
	v60 =	vld [tilespmem:s7+$0x15A0]  }
0x2a6: {  	v37 =	vadd.f32 v59, v43;
	v43 =	vld [tilespmem:s1+$0x1030];
	(xrf2) =	vadd.scan.msk.f32 $0xffff, v18;
	v54 =	vmul.f32 v54, v45;
	v59 =	vmul.f32 v47, v45  }
0x2a7: {  	v23 =	vadd.f32 v62, v23;
	v29 =	vadd.f32 v57, v52;
	v57 =	vmul.f32 v40, v45;
	v52 =	vld [tilespmem:s3+$0x1130];
	(xrf2) =	vadd.scan.msk.f32 $0xffff, v31  }
0x2a8: {  	(xrf2) =	vadd.scan.msk.f32 $0xffff, v30;
	v24 =	vadd.f32 v54, v55;
	v21 =	vadd.f32 v59, v58;
	v54 =	vld [tilespmem:s4+$0x11B0];
	v58 =	vmul.f32 v61, v36  }
0x2a9: {  	v25 =	vadd.f32 v34, v25;
	v55 =	vld [tilespmem:s6+$0x1230];
	v20 =	vmul.f32 v56, v45;
	(xrf2) =	vadd.scan.msk.f32 $0xffff, v3;
	v62 =	vmul.f32 v46, v45  }
0x2aa: {  	v33, _, _ =	vpop (xrf2);
	v56 =	vld [tilespmem:s9+$0x12B0];
	(xrf2) =	vadd.scan.msk.f32 $0xffff, v4;
	v61 =	vadd.f32 v58, v41;
	v27 =	vmul.f32 v60, v45;
	v60 =	vmul.f32 v50, v36  }
0x2ab: {  	v51 =	vmul.f32 v49, v45;
	v2 =	vadd.f32 v57, v2;
	v57 =	vld [tilespmem:s10+$0x1330];
	v43 =	vmul.f32 v43, v36;
	v45, _, _ =	vpop (xrf2);
	(xrf2) =	vadd.scan.msk.f32 $0xffff, v25  }
0x2ac: {  	v59 =	vld [tilespmem:s30+$0x13B0];
	v40 =	vadd.f32 v62, v53;
	v62 =	vmul.f32 v63, v36;
	v46, _, _ =	vpop (xrf2);
	(xrf2) =	vadd.scan.msk.f32 $0xffff, v61;
	v26 =	vadd.f32 v60, v26  }
0x2ad: {  	v3 =	vld [tilespmem:s19+$0x1430];
	v18 =	vmul.f32 v52, v36;
	v6 =	vadd.f32 v43, v6;
	v47, _, _ =	vpop (xrf2)  }
0x2ae: {  	v63 =	vld [tilespmem:s23+$0x14B0];
	v29 =	vadd.f32 v62, v29;
	v42 =	vmul.f32 v54, v36;
	v41, _, _ =	vpop (xrf2);
	(xrf2) =	vadd.scan.msk.f32 $0xffff, v26  }
0x2af: {  	v28 =	vadd.f32 v51, v28;
	v43 =	vmul.f32 v55, v36;
	v18 =	vadd.f32 v18, v37;
	v25, _, _ =	vpop (xrf2);
	(xrf2) =	vadd.scan.msk.f32 $0xffff, v6  }
0x2b0: {  	v20 =	vadd.f32 v20, v48;
	v48 =	vmul.f32 v56, v36;
	v19 =	vadd.f32 v42, v19;
	v51, _, _ =	vpop (xrf2);
	(xrf2) =	vadd.scan.msk.f32 $0xffff, v29  }
0x2b1: {  	v49 =	vmul.f32 v57, v36;
	v23 =	vadd.f32 v43, v23;
	v56, _, _ =	vpop (xrf2);
	(xrf2) =	vadd.scan.msk.f32 $0xffff, v18  }
0x2b2: {  	v54 =	vmul.f32 v59, v36;
	v53 =	vadd.f32 v48, v24;
	v61, _, _ =	vpop (xrf2);
	(xrf2) =	vadd.scan.msk.f32 $0xffff, v19  }
0x2b3: {  	v3 =	vmul.f32 v3, v36;
	v2 =	vadd.f32 v49, v2;
	v4 =	vmul.f32 v63, v36;
	v63, _, _ =	vpop (xrf2);
	(xrf2) =	vadd.scan.msk.f32 $0xffff, v23  }
0x2b4: {  	v44 =	vld [tilespmem:s24+$0x1530];
	v57 =	vadd.f32 v54, v21;
	v30, _, _ =	vpop (xrf2);
	(xrf2) =	vadd.scan.msk.f32 $0xffff, v53  }
0x2b5: {  	v3 =	vadd.f32 v3, v40;
	v62 =	vbroadcast v61, $0xF;
	v31, _, _ =	vpop (xrf2);
	(xrf2) =	vadd.scan.msk.f32 $0xffff, v2  }
0x2b6: {  	vm2 =	vmmov vm15;
	v50 =	vld [tilespmem:s7+$0x15B0];
	v19 =	vbroadcast v30, $0xF;
	v34, _, _ =	vpop (xrf2);
	(xrf2) =	vadd.scan.msk.f32 $0xffff, v57  }
0x2b7: {  	v55 =	vld [tilespmem:$0x1FEF0];
	v2 =	vsel vm2, v62, v22;
	(xrf2) =	vadd.scan.msk.f32 $0xffff, v3;
	v3 =	vbroadcast v34, $0xF  }
0x2b8: {  	[tilespmem:$0xB420] =	vst v2;
	v2 =	vsel vm2, v19, v8;
	v35, _, _ =	vpop (xrf2)  }
0x2b9: {  	v59 =	vmul.f32 v44, v36;
	[tilespmem:$0xB440] =	vst v2;
	v38, _, _ =	vpop (xrf2);
	v2 =	vsel vm2, v3, v12  }
0x2ba: {  	v16 =	vadd.f32 v27, v16;
	v52 =	vbroadcast v51, $0xF;
	v58 =	vbroadcast v56, $0xF;
	v39, _, _ =	vpop (xrf2)  }
0x2bb: {  	v20 =	vadd.f32 v59, v20;
	v4 =	vadd.f32 v4, v28;
	v3 =	vbroadcast v38, $0xF;
	v40, _, _ =	vpop (xrf2)  }
0x2bc: {  	v60 =	vmul.f32 v50, v36;
	v26 =	vsel vm2, v52, v55;
	v21 =	vsel vm2, v58, v32;
	[tilespmem:$0xB460] =	vst v2;
	v2, _, _ =	vpop (xrf2)  }
0x2bd: {  	[tilespmem:$0xB400] =	vst v26;
	(xrf2) =	vadd.scan.msk.f32 $0xffff, v4;
	v3 =	vsel vm2, v3, v11;
	v2 =	vbroadcast v2, $0xF  }
0x2be: {  	v28 =	vadd.f32 v60, v16;
	v29 =	vbroadcast v63, $0xF;
	[tilespmem:$0xB410] =	vst v21  }
0x2bf: {  	v32 =	vbroadcast v31, $0xF;
	(xrf2) =	vadd.scan.msk.f32 $0xffff, v20;
	v44, _, _ =	vpop (xrf2);
	[tilespmem:$0xB480] =	vst v3;
	v2 =	vsel vm2, v2, v15  }
0x2c0: {  	v7 =	vsel vm2, v29, v7;
	v37 =	vbroadcast v35, $0xF;
	(xrf2) =	vadd.scan.msk.f32 $0xffff, v28;
	v3, _, _ =	vpop (xrf2);
	[tilespmem:$0xB4B0] =	vst v2;
	v2 =	vld [tilespmem:$0x1FF20]  }
0x2c1: {  	v43 =	vbroadcast v45, $0xF;
	v45 =	vld [tilespmem:$0x1FF00];
	[tilespmem:$0xB430] =	vst v7;
	v36 =	vsel vm2, v32, v9;
	v8 =	vbroadcast v39, $0xF;
	v49, _, _ =	vpop (xrf2)  }
0x2c2: {  	v48 =	vld [tilespmem:$0x1FF10];
	[tilespmem:$0xB450] =	vst v36;
	v7 =	vsel vm2, v37, v14;
	v4 =	vbroadcast v40, $0xF;
	v3 =	vbroadcast v3, $0xF;
	v51, _, _ =	vpop (xrf2)  }
0x2c3: {  	v54 =	vld [tilespmem:$0x1FF30];
	v50 =	vbroadcast v46, $0xF;
	[tilespmem:$0xB470] =	vst v7;
	v8 =	vsel vm2, v8, v10;
	v7 =	vbroadcast v44, $0xF;
	v53, _, _ =	vpop (xrf2)  }
0x2c4: {  	s25 =	sld [smem:$0x7FC];
	v63 =	vld [tilespmem:$0x1FF60];
	v4 =	vsel vm2, v4, v13;
	[tilespmem:$0xB490] =	vst v8;
	v3 =	vsel vm2, v3, v5;
	v5 =	vbroadcast v53, $0xF  }
0x2c5: {  	s26 =	sld [smem:$0x7F2];
	v42 =	vbroadcast v33, $0xF;
	[tilespmem:$0xB4A0] =	vst v4;
	v7 =	vsel vm2, v7, v17;
	v2 =	vsel vm1, v50, v2  }
0x2c6: {  	v60 =	vld [tilespmem:$0x1FF40];
	v52 =	vbroadcast v47, $0xF;
	v8 =	vbroadcast v49, $0xF;
	[tilespmem:$0xB4C0] =	vst v7;
	v2 =	vsel vm2, v5, v2  }
0x2c7: {  	v6 =	vsel vm1, v42, v45;
	v9 =	vsel vm1, v43, v48;
	v4 =	vbroadcast v51, $0xF;
	v55, _, _ =	vpop (xrf2);
	[tilespmem:$0xB500] =	vst v2;
	v2 =	vld [tilespmem:$0x1FF50]  }
0x2c8: {  	s0 =	sadd.s32 s25, s26;
	v7 =	vsel vm1, v52, v54;
	v6 =	vsel vm2, v8, v6;
	[tilespmem:$0xB4D0] =	vst v3;
	v8 =	vbroadcast v55, $0xF  }
0x2c9: {  	s0 =	sshrl.u32 s0, $0x3;
	v3 =	vbroadcast v41, $0xF;
	v4 =	vsel vm2, v4, v9;
	v56, _, _ =	vpop (xrf2);
	[tilespmem:$0xB4E0] =	vst v6;
	v6 =	vbroadcast v63, $0xF  }
0x2ca: {  	s28 =	sshll.u32 s26, $0x7;
	s0 =	smul.u32 $0xC00, s0;
	v57 =	vbroadcast v25, $0xF;
	v58 =	vbroadcast v56, $0xF;
	v59, _, _ =	vpop (xrf2);
	[tilespmem:$0xB4F0] =	vst v4;
	v61 =	vsel vm2, v8, v7  }
0x2cb: {  	s29 =	sld [smem:$0x7FA];
	s1 =	sand.u32 $0x380, s28;
	s3 =	sadd.s32 $0x1, s26;
	v3 =	vsel vm1, v3, v60;
	v62 =	vbroadcast v59, $0xF;
	v1 =	vsel vm15, v6, v1;
	[tilespmem:$0xB510] =	vst v61  }
0x2cc: {  	s31 =	simm.s32 $0xB400;
	p0 =	sne.s32 s3, $0x20;
	s0 =	sor.u32 s1, s0;
	v3 =	vsel vm2, v58, v3;
	[tilespmem:$0xB540] =	vst v1;
	v2 =	vsel vm1, v57, v2  }
0x2cd: {  	s6 =	simm.s32 $0x80;
	s30 =	simm.s32 $0x400;
	s0 =	sshrl.u32 s0, $0x3;
	[tilespmem:$0xB520] =	vst v3;
	v2 =	vsel vm2, v62, v2  }
.Ltmp1:
0x2ce: {  	s4 =	simm.s32 $0x2;
	s0 =	sadd.s32 s29, s0;
	[tilespmem:$0xB530] =	vst v2;
	(pc) =	sbr.rel @p0 .LBB2_2-.Ltmp1, $4  }
0x2cf: {  	[hbm4b:s0+s6] =	stream.strided.scatter [tilespmem:s31], [sflag:$0x2], $0x180, s30, s6, $0x38;
	[tilespmem:$0xB580] =	vst v63  }
0x2d0: {  	_ =	swait.ge [sflag:s4], $0x180  }
0x2d1: {  	[sflag:s4] =	ssyncset.done $0x0  }
0x2d2: {  	[sflag:s4] =	ssyncadd.s32 $0xFFFFFE80  }
0x2d3: {  	s5 =	sld [smem:$0x7F3]  }
0x2d4: {  	s0 =	sld [smem:$0x7FD];
	_ =	sdelay $0x1  }
0x2d5: {  	s5 =	sadd.s32 $0x1, s5  }
0x2d6: {  	p0 =	sne.s32 s5, s0  }
.Ltmp2:
0x2d7: {  	_ = 	snop;
	(pc) =	sbr.rel @p0 .LBB2_1-.Ltmp2, $1  }
0x2d8: {  	_ =	sdelay $0x3  }
0x2d9: {  	_ =	sfence.sel $0x180000  }
0x2da: {  	[bflag:$0x0] =	sbarrier.arrive $0xFFFF  }
0x2db: {  	_ =	strace $0x90000047  }
0x2dc: {  	s0 =	stileid.u32;
	[bflag:$0x2] =	sbarrier.arrive $0xFFFF  }
0x2dd: {  	p0 =	sne.s32 s0, $0x0;
	s0 =	rddreg [dreg:$0x1]  }
0x2de: {  	s0 =	sadd.s32 @!p0 $0x100000, s0  }
0x2df: {  	[sflag:s0] =	ssyncadd.tile.s32 @!p0 $0x1;
	_ =	shalt  }
.Lfunc_end2:
_tile_overlayer_lowered:
.L_overlay_start_2:
0x2e0: {  	(tag) =	ssettag $0x2  }
0x2e1: {  	s0 =	rddreg [dreg:$0x0];
	s2 =	stileid.u32  }
0x2e2: {  	s1 =	rddreg [dreg:$0x1];
	p0 =	sne.s32 s2, $0x0  }
0x2e3: {  	s3 =	rddreg [dreg:$0x2];
	[bflag:$0x3] =	sbarrier.arrive $0xFFFF;
	s2 =	simm.s32 @!p0 $0x1C02  }
0x2e4: {  	[timem:s3], [sflag:s2] =	dma.local @!p0 [hbm:s0], s1  }
0x2e5: {  	s0 =	simm.s32 @!p0 $0x2  }
0x2e6: {  	_ =	swait.ge @!p0 [sflag:s0], s1  }
0x2e7: {  	s1 =	ssub.s32 @!p0 $0x0, s1;
	[sflag:s0] =	ssyncset.done @!p0 $0x0  }
0x2e8: {  	[sflag:s0] =	ssyncadd.s32 @!p0 s1  }
0x2e9: {  	[bflag:$0x3] =	sbarrier.arrive $0xFFFF  }
0x2ea: {  	_ =	shalt  }

</sc_bundles>
